<compile_context>
chip_gen: v7x
topology: tpu7x:2x2x1
jax: 0.10.2.dev20260603
libtpu: 0.0.44.dev20260713+nightly
codegen_flags: <defaults>
</compile_context>

<pallas_src>
import jax
import jax.numpy as jnp
from jax import lax
from jax.experimental import pallas as pl
from jax.experimental.pallas import tpu as pltpu
from jax.experimental.pallas import tpu_sc as plsc

B = 32
MAXLEN = 2048
D = 128
CHUNK = 128
NCHUNK = MAXLEN // CHUNK
NC = 2
NS = 16
NBT = 6
GDIST = 4
PDIST = 5


def _emb_body(x_hbm, tok_hbm, pos_hbm, out_hbm, idx_v, tok_v, pos_sh,
              sem_g, sem_p, sem_o, sem_i):
    c = lax.axis_index("c")
    s = lax.axis_index("s")
    w = s * NC + c

    idx_cp = pltpu.async_copy(x_hbm.at[w], idx_v, sem_i)

    def start_prefill(j):
        b = j % NBT
        pltpu.async_copy(pos_sh.at[j], tok_v.at[b], sem_p.at[b])

    def wait_prefill(j):
        b = j % NBT
        pltpu.make_async_copy(pos_sh.at[j], tok_v.at[b], sem_p.at[b]).wait()

    def start_gather(j):
        b = j % NBT
        pltpu.async_copy(tok_hbm.at[idx_v.at[j]], tok_v.at[b], sem_g.at[b], add=True)

    def wait_gather(j):
        b = j % NBT
        pltpu.make_async_copy(tok_hbm.at[idx_v.at[j]], tok_v.at[b], sem_g.at[b]).wait()

    def start_out(j):
        b = j % NBT
        pltpu.async_copy(tok_v.at[b], out_hbm.at[w, j], sem_o.at[b])

    def wait_out(j):
        b = j % NBT
        pltpu.make_async_copy(tok_v.at[b], out_hbm.at[w, j], sem_o.at[b]).wait()

    pltpu.sync_copy(pos_hbm.at[s], pos_sh.at[s])
    idx_cp.wait()
    plsc.subcore_barrier()
    for j in range(PDIST):
        start_prefill(j)
    for j in range(GDIST):
        wait_prefill(j)
        start_gather(j)

    waited_out = -1
    for j in range(NCHUNK):
        wait_gather(j)
        start_out(j)
        if j + PDIST < NCHUNK:
            if j >= 1:
                wait_out(j - 1)
                waited_out = j - 1
            start_prefill(j + PDIST)
        if j + GDIST < NCHUNK:
            wait_prefill(j + GDIST)
            start_gather(j + GDIST)
    for j in range(waited_out + 1, NCHUNK):
        wait_out(j)


@jax.jit
def kernel(x, token_table, pos_table):
    x3 = x.astype(jnp.int32).reshape(B, NCHUNK, CHUNK)
    pos3 = pos_table.reshape(NCHUNK, CHUNK, D)
    mesh = plsc.VectorSubcoreMesh(core_axis_name="c", subcore_axis_name="s")
    out = pl.kernel(
        _emb_body,
        out_type=jax.ShapeDtypeStruct((B, NCHUNK, CHUNK, D), jnp.float32),
        mesh=mesh,
        scratch_types=[
            pltpu.VMEM((NCHUNK, CHUNK), jnp.int32),
            pltpu.VMEM((NBT, CHUNK, D), jnp.float32),
            pltpu.VMEM_SHARED((NCHUNK, CHUNK, D), jnp.float32),
            pltpu.SemaphoreType.DMA((NBT,)),
            pltpu.SemaphoreType.DMA((NBT,)),
            pltpu.SemaphoreType.DMA((NBT,)),
            pltpu.SemaphoreType.DMA,
        ],
    )(x3, token_table, pos3)
    return out.reshape(B, MAXLEN, D)

# --- scband reference (transcript-rebuilt; emitter-appended) ---
"""Pipeline reference for scband-token-and-position-embedding-39556648796490 (READ-ONLY COPY).

The authoritative reference and input builder live on the scoring server;
editing this copy changes nothing except your own understanding.
"""

import jax, jax.numpy as jnp
import numpy as np

VOCAB = 100000
MAXLEN = 2048
EMBED_DIM = 128
BATCH = 32

def setup_inputs(seed: int = 0) -> dict:
    key = jax.random.key(seed)
    k1, k2, k3 = jax.random.split(key, 3)
    x = jax.random.randint(k1, (BATCH, MAXLEN), 0, VOCAB, dtype=jnp.int64 if jax.config.jax_enable_x64 else jnp.int32)
    token_table = jax.random.normal(k2, (VOCAB, EMBED_DIM), dtype=jnp.float32) * 0.02
    pos_table = jax.random.normal(k3, (MAXLEN, EMBED_DIM), dtype=jnp.float32) * 0.02
    return {"x": x, "token_table": token_table, "pos_table": pos_table}

def reference(x, token_table, pos_table):
    # positions = range(0, maxlen); pos_emb(positions) == full pos table
    positions = jnp.take(pos_table, jnp.arange(MAXLEN), axis=0)  # [MAXLEN, D]
    tok = jnp.take(token_table, x, axis=0)  # [B, MAXLEN, D] gather
    return tok + positions[None, :, :]

if __name__ == "__main__":
    import jax
    _d = setup_inputs()
    print(jax.jit(kernel)(*tuple(_d.values())))

</pallas_src>

<mosaic_0001>
#map = affine_map<(d0, d1) -> (0, 0, 0)>
#map1 = affine_map<(d0, d1) -> (0, 0)>
#map2 = affine_map<(d0, d1) -> (0, 0, 0, 0)>
module attributes {stable_mosaic.version = 14 : i64} {
  func.func @_emb_body(%arg0: i32, %arg1: i32, %arg2: memref<32x16x128xi32, #tpu.memory_space<hbm>>, %arg3: memref<100000x128xf32, #tpu.memory_space<hbm>>, %arg4: memref<16x128x128xf32, #tpu.memory_space<hbm>>, %arg5: memref<32x16x128x128xf32, #tpu.memory_space<hbm>>, %arg6: memref<16x128xi32, #tpu.memory_space<vmem>>, %arg7: memref<6x128x128xf32, #tpu.memory_space<vmem>>, %arg8: memref<16x128x128xf32, #tpu.memory_space<vmem_shared>>, %arg9: memref<6x!tpu.dma_semaphore, #tpu.memory_space<semaphore_mem>>, %arg10: memref<6x!tpu.dma_semaphore, #tpu.memory_space<semaphore_mem>>, %arg11: memref<6x!tpu.dma_semaphore, #tpu.memory_space<semaphore_mem>>, %arg12: memref<!tpu.dma_semaphore, #tpu.memory_space<semaphore_mem>>) attributes {dimension_semantics = [#tpu.dimension_semantics<core_parallel>, #tpu.dimension_semantics<subcore_parallel>], iteration_bounds = array<i64: 2, 16>, scalar_prefetch = 0 : i64, scratch_operands = 7 : i64, tpu.core_type = #tpu.core_type<sc_vector_subcore>, window_params = [{transform_indices = #map}, {transform_indices = #map1}, {transform_indices = #map}, {transform_indices = #map2}]} {
    %mul3A = arith.constant 2 : i32
    %mul3A_0 = arith.muli %arg1, %mul3A : i32
    %add3A = arith.addi %mul3A_0, %arg0 : i32
    %dma_start3A = arith.constant 0 : i32
    %dma_start3A_1 = arith.constant 0 : i32
    %dma_start3A_2 = tpu.memref_slice %arg2[%add3A, %dma_start3A, %dma_start3A_1] : memref<32x16x128xi32, #tpu.memory_space<hbm>> -> memref<1x16x128xi32, #tpu.memory_space<hbm>>
    %dma_start3A_3 = tpu.memref_squeeze %dma_start3A_2 : memref<1x16x128xi32, #tpu.memory_space<hbm>> -> memref<16x128xi32, #tpu.memory_space<hbm>>
    %dma_start3A_4 = arith.constant 0 : i32
    %dma_start3A_5 = arith.constant 0 : i32
    %dma_start3A_6 = tpu.memref_slice %arg2[%add3A, %dma_start3A_4, %dma_start3A_5] : memref<32x16x128xi32, #tpu.memory_space<hbm>> -> memref<1x16x128xi32, #tpu.memory_space<hbm>>
    %dma_start3A_7 = tpu.memref_squeeze %dma_start3A_6 : memref<1x16x128xi32, #tpu.memory_space<hbm>> -> memref<16x128xi32, #tpu.memory_space<hbm>>
    tpu.enqueue_dma source(%dma_start3A_7 : memref<16x128xi32, #tpu.memory_space<hbm>>) target(%arg6 : memref<16x128xi32, #tpu.memory_space<vmem>>) target_semaphore(%arg12 : memref<!tpu.dma_semaphore, #tpu.memory_space<semaphore_mem>>)
    "tpu.region"() ({
      %run_scoped3A = tpu.sem_alloc : memref<!tpu.dma_semaphore, #tpu.memory_space<semaphore_mem>>
      %dma_start3A_1839 = arith.constant 0 : i32
      %dma_start3A_1840 = arith.constant 0 : i32
      %dma_start3A_1841 = tpu.memref_slice %arg8[%arg1, %dma_start3A_1839, %dma_start3A_1840] : memref<16x128x128xf32, #tpu.memory_space<vmem_shared>> -> memref<1x128x128xf32, #tpu.memory_space<vmem_shared>>
      %dma_start3A_1842 = tpu.memref_squeeze %dma_start3A_1841 : memref<1x128x128xf32, #tpu.memory_space<vmem_shared>> -> memref<128x128xf32, #tpu.memory_space<vmem_shared>>
      %dma_start3A_1843 = arith.constant 0 : i32
      %dma_start3A_1844 = arith.constant 0 : i32
      %dma_start3A_1845 = tpu.memref_slice %arg4[%arg1, %dma_start3A_1843, %dma_start3A_1844] : memref<16x128x128xf32, #tpu.memory_space<hbm>> -> memref<1x128x128xf32, #tpu.memory_space<hbm>>
      %dma_start3A_1846 = tpu.memref_squeeze %dma_start3A_1845 : memref<1x128x128xf32, #tpu.memory_space<hbm>> -> memref<128x128xf32, #tpu.memory_space<hbm>>
      tpu.enqueue_dma source(%dma_start3A_1846 : memref<128x128xf32, #tpu.memory_space<hbm>>) target(%dma_start3A_1842 : memref<128x128xf32, #tpu.memory_space<vmem_shared>>) target_semaphore(%run_scoped3A : memref<!tpu.dma_semaphore, #tpu.memory_space<semaphore_mem>>)
      %dma_wait3A_1847 = arith.constant 0 : i32
      %dma_wait3A_1848 = arith.constant 0 : i32
      %dma_wait3A_1849 = tpu.memref_slice %arg8[%arg1, %dma_wait3A_1847, %dma_wait3A_1848] : memref<16x128x128xf32, #tpu.memory_space<vmem_shared>> -> memref<1x128x128xf32, #tpu.memory_space<vmem_shared>>
      %dma_wait3A_1850 = tpu.memref_squeeze %dma_wait3A_1849 : memref<1x128x128xf32, #tpu.memory_space<vmem_shared>> -> memref<128x128xf32, #tpu.memory_space<vmem_shared>>
      %dma_wait3A_1851 = arith.constant 0 : i32
      %dma_wait3A_1852 = arith.constant 0 : i32
      %dma_wait3A_1853 = tpu.memref_slice %arg4[%arg1, %dma_wait3A_1851, %dma_wait3A_1852] : memref<16x128x128xf32, #tpu.memory_space<hbm>> -> memref<1x128x128xf32, #tpu.memory_space<hbm>>
      %dma_wait3A_1854 = tpu.memref_squeeze %dma_wait3A_1853 : memref<1x128x128xf32, #tpu.memory_space<hbm>> -> memref<128x128xf32, #tpu.memory_space<hbm>>
      tpu.wait_dma2 semaphore(%run_scoped3A : memref<!tpu.dma_semaphore, #tpu.memory_space<semaphore_mem>>) src(%dma_wait3A_1854 : memref<128x128xf32, #tpu.memory_space<hbm>>) dst(%dma_wait3A_1850 : memref<128x128xf32, #tpu.memory_space<vmem_shared>>)
      tpu.yield
    }) : () -> ()
    %dma_wait3A = arith.constant 0 : i32
    %dma_wait3A_8 = arith.constant 0 : i32
    %dma_wait3A_9 = tpu.memref_slice %arg2[%add3A, %dma_wait3A, %dma_wait3A_8] : memref<32x16x128xi32, #tpu.memory_space<hbm>> -> memref<1x16x128xi32, #tpu.memory_space<hbm>>
    %dma_wait3A_10 = tpu.memref_squeeze %dma_wait3A_9 : memref<1x16x128xi32, #tpu.memory_space<hbm>> -> memref<16x128xi32, #tpu.memory_space<hbm>>
    %dma_wait3A_11 = arith.constant 0 : i32
    %dma_wait3A_12 = arith.constant 0 : i32
    %dma_wait3A_13 = tpu.memref_slice %arg2[%add3A, %dma_wait3A_11, %dma_wait3A_12] : memref<32x16x128xi32, #tpu.memory_space<hbm>> -> memref<1x16x128xi32, #tpu.memory_space<hbm>>
    %dma_wait3A_14 = tpu.memref_squeeze %dma_wait3A_13 : memref<1x16x128xi32, #tpu.memory_space<hbm>> -> memref<16x128xi32, #tpu.memory_space<hbm>>
    tpu.wait_dma2 semaphore(%arg12 : memref<!tpu.dma_semaphore, #tpu.memory_space<semaphore_mem>>) src(%dma_wait3A_14 : memref<16x128xi32, #tpu.memory_space<hbm>>) dst(%arg6 : memref<16x128xi32, #tpu.memory_space<vmem>>)
    %barrier3A = arith.constant 0 : index
    tpu.barrier barrier_id(%barrier3A)
    %dma_start3A_15 = arith.constant 0 : i32
    %dma_start3A_16 = arith.constant 0 : i32
    %dma_start3A_17 = arith.constant 0 : i32
    %dma_start3A_18 = arith.constant 0 : i32
    %dma_start3A_19 = arith.constant 0 : i32
    %dma_start3A_20 = tpu.memref_slice %arg7[%dma_start3A_16, %dma_start3A_18, %dma_start3A_19] : memref<6x128x128xf32, #tpu.memory_space<vmem>> -> memref<1x128x128xf32, #tpu.memory_space<vmem>>
    %dma_start3A_21 = tpu.memref_squeeze %dma_start3A_20 : memref<1x128x128xf32, #tpu.memory_space<vmem>> -> memref<128x128xf32, #tpu.memory_space<vmem>>
    %dma_start3A_22 = arith.constant 0 : i32
    %dma_start3A_23 = arith.constant 0 : i32
    %dma_start3A_24 = tpu.memref_slice %arg8[%dma_start3A_15, %dma_start3A_22, %dma_start3A_23] : memref<16x128x128xf32, #tpu.memory_space<vmem_shared>> -> memref<1x128x128xf32, #tpu.memory_space<vmem_shared>>
    %dma_start3A_25 = tpu.memref_squeeze %dma_start3A_24 : memref<1x128x128xf32, #tpu.memory_space<vmem_shared>> -> memref<128x128xf32, #tpu.memory_space<vmem_shared>>
    %dma_start3A_26 = tpu.memref_slice %arg10[%dma_start3A_17] : memref<6x!tpu.dma_semaphore, #tpu.memory_space<semaphore_mem>> -> memref<1x!tpu.dma_semaphore, #tpu.memory_space<semaphore_mem>>
    %dma_start3A_27 = tpu.memref_squeeze %dma_start3A_26 : memref<1x!tpu.dma_semaphore, #tpu.memory_space<semaphore_mem>> -> memref<!tpu.dma_semaphore, #tpu.memory_space<semaphore_mem>>
    %dma_start3A_28 = arith.constant 0 : i32
    %dma_start3A_29 = arith.constant 0 : i32
    %dma_start3A_30 = tpu.memref_slice %arg7[%dma_start3A_16, %dma_start3A_28, %dma_start3A_29] : memref<6x128x128xf32, #tpu.memory_space<vmem>> -> memref<1x128x128xf32, #tpu.memory_space<vmem>>
    %dma_start3A_31 = tpu.memref_squeeze %dma_start3A_30 : memref<1x128x128xf32, #tpu.memory_space<vmem>> -> memref<128x128xf32, #tpu.memory_space<vmem>>
    %dma_start3A_32 = arith.constant 0 : i32
    %dma_start3A_33 = arith.constant 0 : i32
    %dma_start3A_34 = tpu.memref_slice %arg8[%dma_start3A_15, %dma_start3A_32, %dma_start3A_33] : memref<16x128x128xf32, #tpu.memory_space<vmem_shared>> -> memref<1x128x128xf32, #tpu.memory_space<vmem_shared>>
    %dma_start3A_35 = tpu.memref_squeeze %dma_start3A_34 : memref<1x128x128xf32, #tpu.memory_space<vmem_shared>> -> memref<128x128xf32, #tpu.memory_space<vmem_shared>>
    tpu.enqueue_dma source(%dma_start3A_35 : memref<128x128xf32, #tpu.memory_space<vmem_shared>>) target(%dma_start3A_31 : memref<128x128xf32, #tpu.memory_space<vmem>>) target_semaphore(%dma_start3A_27 : memref<!tpu.dma_semaphore, #tpu.memory_space<semaphore_mem>>)
    %dma_start3A_36 = arith.constant 1 : i32
    %dma_start3A_37 = arith.constant 1 : i32
    %dma_start3A_38 = arith.constant 1 : i32
    %dma_start3A_39 = arith.constant 0 : i32
    %dma_start3A_40 = arith.constant 0 : i32
    %dma_start3A_41 = tpu.memref_slice %arg7[%dma_start3A_37, %dma_start3A_39, %dma_start3A_40] : memref<6x128x128xf32, #tpu.memory_space<vmem>> -> memref<1x128x128xf32, #tpu.memory_space<vmem>>
    %dma_start3A_42 = tpu.memref_squeeze %dma_start3A_41 : memref<1x128x128xf32, #tpu.memory_space<vmem>> -> memref<128x128xf32, #tpu.memory_space<vmem>>
    %dma_start3A_43 = arith.constant 0 : i32
    %dma_start3A_44 = arith.constant 0 : i32
    %dma_start3A_45 = tpu.memref_slice %arg8[%dma_start3A_36, %dma_start3A_43, %dma_start3A_44] : memref<16x128x128xf32, #tpu.memory_space<vmem_shared>> -> memref<1x128x128xf32, #tpu.memory_space<vmem_shared>>
    %dma_start3A_46 = tpu.memref_squeeze %dma_start3A_45 : memref<1x128x128xf32, #tpu.memory_space<vmem_shared>> -> memref<128x128xf32, #tpu.memory_space<vmem_shared>>
    %dma_start3A_47 = tpu.memref_slice %arg10[%dma_start3A_38] : memref<6x!tpu.dma_semaphore, #tpu.memory_space<semaphore_mem>> -> memref<1x!tpu.dma_semaphore, #tpu.memory_space<semaphore_mem>>
    %dma_start3A_48 = tpu.memref_squeeze %dma_start3A_47 : memref<1x!tpu.dma_semaphore, #tpu.memory_space<semaphore_mem>> -> memref<!tpu.dma_semaphore, #tpu.memory_space<semaphore_mem>>
    %dma_start3A_49 = arith.constant 0 : i32
    %dma_start3A_50 = arith.constant 0 : i32
    %dma_start3A_51 = tpu.memref_slice %arg7[%dma_start3A_37, %dma_start3A_49, %dma_start3A_50] : memref<6x128x128xf32, #tpu.memory_space<vmem>> -> memref<1x128x128xf32, #tpu.memory_space<vmem>>
    %dma_start3A_52 = tpu.memref_squeeze %dma_start3A_51 : memref<1x128x128xf32, #tpu.memory_space<vmem>> -> memref<128x128xf32, #tpu.memory_space<vmem>>
    %dma_start3A_53 = arith.constant 0 : i32
    %dma_start3A_54 = arith.constant 0 : i32
    %dma_start3A_55 = tpu.memref_slice %arg8[%dma_start3A_36, %dma_start3A_53, %dma_start3A_54] : memref<16x128x128xf32, #tpu.memory_space<vmem_shared>> -> memref<1x128x128xf32, #tpu.memory_space<vmem_shared>>
    %dma_start3A_56 = tpu.memref_squeeze %dma_start3A_55 : memref<1x128x128xf32, #tpu.memory_space<vmem_shared>> -> memref<128x128xf32, #tpu.memory_space<vmem_shared>>
    tpu.enqueue_dma source(%dma_start3A_56 : memref<128x128xf32, #tpu.memory_space<vmem_shared>>) target(%dma_start3A_52 : memref<128x128xf32, #tpu.memory_space<vmem>>) target_semaphore(%dma_start3A_48 : memref<!tpu.dma_semaphore, #tpu.memory_space<semaphore_mem>>)
    %dma_start3A_57 = arith.constant 2 : i32
    %dma_start3A_58 = arith.constant 2 : i32
    %dma_start3A_59 = arith.constant 2 : i32
    %dma_start3A_60 = arith.constant 0 : i32
    %dma_start3A_61 = arith.constant 0 : i32
    %dma_start3A_62 = tpu.memref_slice %arg7[%dma_start3A_58, %dma_start3A_60, %dma_start3A_61] : memref<6x128x128xf32, #tpu.memory_space<vmem>> -> memref<1x128x128xf32, #tpu.memory_space<vmem>>
    %dma_start3A_63 = tpu.memref_squeeze %dma_start3A_62 : memref<1x128x128xf32, #tpu.memory_space<vmem>> -> memref<128x128xf32, #tpu.memory_space<vmem>>
    %dma_start3A_64 = arith.constant 0 : i32
    %dma_start3A_65 = arith.constant 0 : i32
    %dma_start3A_66 = tpu.memref_slice %arg8[%dma_start3A_57, %dma_start3A_64, %dma_start3A_65] : memref<16x128x128xf32, #tpu.memory_space<vmem_shared>> -> memref<1x128x128xf32, #tpu.memory_space<vmem_shared>>
    %dma_start3A_67 = tpu.memref_squeeze %dma_start3A_66 : memref<1x128x128xf32, #tpu.memory_space<vmem_shared>> -> memref<128x128xf32, #tpu.memory_space<vmem_shared>>
    %dma_start3A_68 = tpu.memref_slice %arg10[%dma_start3A_59] : memref<6x!tpu.dma_semaphore, #tpu.memory_space<semaphore_mem>> -> memref<1x!tpu.dma_semaphore, #tpu.memory_space<semaphore_mem>>
    %dma_start3A_69 = tpu.memref_squeeze %dma_start3A_68 : memref<1x!tpu.dma_semaphore, #tpu.memory_space<semaphore_mem>> -> memref<!tpu.dma_semaphore, #tpu.memory_space<semaphore_mem>>
    %dma_start3A_70 = arith.constant 0 : i32
    %dma_start3A_71 = arith.constant 0 : i32
    %dma_start3A_72 = tpu.memref_slice %arg7[%dma_start3A_58, %dma_start3A_70, %dma_start3A_71] : memref<6x128x128xf32, #tpu.memory_space<vmem>> -> memref<1x128x128xf32, #tpu.memory_space<vmem>>
    %dma_start3A_73 = tpu.memref_squeeze %dma_start3A_72 : memref<1x128x128xf32, #tpu.memory_space<vmem>> -> memref<128x128xf32, #tpu.memory_space<vmem>>
    %dma_start3A_74 = arith.constant 0 : i32
    %dma_start3A_75 = arith.constant 0 : i32
    %dma_start3A_76 = tpu.memref_slice %arg8[%dma_start3A_57, %dma_start3A_74, %dma_start3A_75] : memref<16x128x128xf32, #tpu.memory_space<vmem_shared>> -> memref<1x128x128xf32, #tpu.memory_space<vmem_shared>>
    %dma_start3A_77 = tpu.memref_squeeze %dma_start3A_76 : memref<1x128x128xf32, #tpu.memory_space<vmem_shared>> -> memref<128x128xf32, #tpu.memory_space<vmem_shared>>
    tpu.enqueue_dma source(%dma_start3A_77 : memref<128x128xf32, #tpu.memory_space<vmem_shared>>) target(%dma_start3A_73 : memref<128x128xf32, #tpu.memory_space<vmem>>) target_semaphore(%dma_start3A_69 : memref<!tpu.dma_semaphore, #tpu.memory_space<semaphore_mem>>)
    %dma_start3A_78 = arith.constant 3 : i32
    %dma_start3A_79 = arith.constant 3 : i32
    %dma_start3A_80 = arith.constant 3 : i32
    %dma_start3A_81 = arith.constant 0 : i32
    %dma_start3A_82 = arith.constant 0 : i32
    %dma_start3A_83 = tpu.memref_slice %arg7[%dma_start3A_79, %dma_start3A_81, %dma_start3A_82] : memref<6x128x128xf32, #tpu.memory_space<vmem>> -> memref<1x128x128xf32, #tpu.memory_space<vmem>>
    %dma_start3A_84 = tpu.memref_squeeze %dma_start3A_83 : memref<1x128x128xf32, #tpu.memory_space<vmem>> -> memref<128x128xf32, #tpu.memory_space<vmem>>
    %dma_start3A_85 = arith.constant 0 : i32
    %dma_start3A_86 = arith.constant 0 : i32
    %dma_start3A_87 = tpu.memref_slice %arg8[%dma_start3A_78, %dma_start3A_85, %dma_start3A_86] : memref<16x128x128xf32, #tpu.memory_space<vmem_shared>> -> memref<1x128x128xf32, #tpu.memory_space<vmem_shared>>
    %dma_start3A_88 = tpu.memref_squeeze %dma_start3A_87 : memref<1x128x128xf32, #tpu.memory_space<vmem_shared>> -> memref<128x128xf32, #tpu.memory_space<vmem_shared>>
    %dma_start3A_89 = tpu.memref_slice %arg10[%dma_start3A_80] : memref<6x!tpu.dma_semaphore, #tpu.memory_space<semaphore_mem>> -> memref<1x!tpu.dma_semaphore, #tpu.memory_space<semaphore_mem>>
    %dma_start3A_90 = tpu.memref_squeeze %dma_start3A_89 : memref<1x!tpu.dma_semaphore, #tpu.memory_space<semaphore_mem>> -> memref<!tpu.dma_semaphore, #tpu.memory_space<semaphore_mem>>
    %dma_start3A_91 = arith.constant 0 : i32
    %dma_start3A_92 = arith.constant 0 : i32
    %dma_start3A_93 = tpu.memref_slice %arg7[%dma_start3A_79, %dma_start3A_91, %dma_start3A_92] : memref<6x128x128xf32, #tpu.memory_space<vmem>> -> memref<1x128x128xf32, #tpu.memory_space<vmem>>
    %dma_start3A_94 = tpu.memref_squeeze %dma_start3A_93 : memref<1x128x128xf32, #tpu.memory_space<vmem>> -> memref<128x128xf32, #tpu.memory_space<vmem>>
    %dma_start3A_95 = arith.constant 0 : i32
    %dma_start3A_96 = arith.constant 0 : i32
    %dma_start3A_97 = tpu.memref_slice %arg8[%dma_start3A_78, %dma_start3A_95, %dma_start3A_96] : memref<16x128x128xf32, #tpu.memory_space<vmem_shared>> -> memref<1x128x128xf32, #tpu.memory_space<vmem_shared>>
    %dma_start3A_98 = tpu.memref_squeeze %dma_start3A_97 : memref<1x128x128xf32, #tpu.memory_space<vmem_shared>> -> memref<128x128xf32, #tpu.memory_space<vmem_shared>>
    tpu.enqueue_dma source(%dma_start3A_98 : memref<128x128xf32, #tpu.memory_space<vmem_shared>>) target(%dma_start3A_94 : memref<128x128xf32, #tpu.memory_space<vmem>>) target_semaphore(%dma_start3A_90 : memref<!tpu.dma_semaphore, #tpu.memory_space<semaphore_mem>>)
    %dma_start3A_99 = arith.constant 4 : i32
    %dma_start3A_100 = arith.constant 4 : i32
    %dma_start3A_101 = arith.constant 4 : i32
    %dma_start3A_102 = arith.constant 0 : i32
    %dma_start3A_103 = arith.constant 0 : i32
    %dma_start3A_104 = tpu.memref_slice %arg7[%dma_start3A_100, %dma_start3A_102, %dma_start3A_103] : memref<6x128x128xf32, #tpu.memory_space<vmem>> -> memref<1x128x128xf32, #tpu.memory_space<vmem>>
    %dma_start3A_105 = tpu.memref_squeeze %dma_start3A_104 : memref<1x128x128xf32, #tpu.memory_space<vmem>> -> memref<128x128xf32, #tpu.memory_space<vmem>>
    %dma_start3A_106 = arith.constant 0 : i32
    %dma_start3A_107 = arith.constant 0 : i32
    %dma_start3A_108 = tpu.memref_slice %arg8[%dma_start3A_99, %dma_start3A_106, %dma_start3A_107] : memref<16x128x128xf32, #tpu.memory_space<vmem_shared>> -> memref<1x128x128xf32, #tpu.memory_space<vmem_shared>>
    %dma_start3A_109 = tpu.memref_squeeze %dma_start3A_108 : memref<1x128x128xf32, #tpu.memory_space<vmem_shared>> -> memref<128x128xf32, #tpu.memory_space<vmem_shared>>
    %dma_start3A_110 = tpu.memref_slice %arg10[%dma_start3A_101] : memref<6x!tpu.dma_semaphore, #tpu.memory_space<semaphore_mem>> -> memref<1x!tpu.dma_semaphore, #tpu.memory_space<semaphore_mem>>
    %dma_start3A_111 = tpu.memref_squeeze %dma_start3A_110 : memref<1x!tpu.dma_semaphore, #tpu.memory_space<semaphore_mem>> -> memref<!tpu.dma_semaphore, #tpu.memory_space<semaphore_mem>>
    %dma_start3A_112 = arith.constant 0 : i32
    %dma_start3A_113 = arith.constant 0 : i32
    %dma_start3A_114 = tpu.memref_slice %arg7[%dma_start3A_100, %dma_start3A_112, %dma_start3A_113] : memref<6x128x128xf32, #tpu.memory_space<vmem>> -> memref<1x128x128xf32, #tpu.memory_space<vmem>>
    %dma_start3A_115 = tpu.memref_squeeze %dma_start3A_114 : memref<1x128x128xf32, #tpu.memory_space<vmem>> -> memref<128x128xf32, #tpu.memory_space<vmem>>
    %dma_start3A_116 = arith.constant 0 : i32
    %dma_start3A_117 = arith.constant 0 : i32
    %dma_start3A_118 = tpu.memref_slice %arg8[%dma_start3A_99, %dma_start3A_116, %dma_start3A_117] : memref<16x128x128xf32, #tpu.memory_space<vmem_shared>> -> memref<1x128x128xf32, #tpu.memory_space<vmem_shared>>
    %dma_start3A_119 = tpu.memref_squeeze %dma_start3A_118 : memref<1x128x128xf32, #tpu.memory_space<vmem_shared>> -> memref<128x128xf32, #tpu.memory_space<vmem_shared>>
    tpu.enqueue_dma source(%dma_start3A_119 : memref<128x128xf32, #tpu.memory_space<vmem_shared>>) target(%dma_start3A_115 : memref<128x128xf32, #tpu.memory_space<vmem>>) target_semaphore(%dma_start3A_111 : memref<!tpu.dma_semaphore, #tpu.memory_space<semaphore_mem>>)
    %dma_wait3A_120 = arith.constant 0 : i32
    %dma_wait3A_121 = arith.constant 0 : i32
    %dma_wait3A_122 = arith.constant 0 : i32
    %dma_wait3A_123 = arith.constant 0 : i32
    %dma_wait3A_124 = arith.constant 0 : i32
    %dma_wait3A_125 = tpu.memref_slice %arg7[%dma_wait3A_121, %dma_wait3A_123, %dma_wait3A_124] : memref<6x128x128xf32, #tpu.memory_space<vmem>> -> memref<1x128x128xf32, #tpu.memory_space<vmem>>
    %dma_wait3A_126 = tpu.memref_squeeze %dma_wait3A_125 : memref<1x128x128xf32, #tpu.memory_space<vmem>> -> memref<128x128xf32, #tpu.memory_space<vmem>>
    %dma_wait3A_127 = arith.constant 0 : i32
    %dma_wait3A_128 = arith.constant 0 : i32
    %dma_wait3A_129 = tpu.memref_slice %arg8[%dma_wait3A_120, %dma_wait3A_127, %dma_wait3A_128] : memref<16x128x128xf32, #tpu.memory_space<vmem_shared>> -> memref<1x128x128xf32, #tpu.memory_space<vmem_shared>>
    %dma_wait3A_130 = tpu.memref_squeeze %dma_wait3A_129 : memref<1x128x128xf32, #tpu.memory_space<vmem_shared>> -> memref<128x128xf32, #tpu.memory_space<vmem_shared>>
    %dma_wait3A_131 = tpu.memref_slice %arg10[%dma_wait3A_122] : memref<6x!tpu.dma_semaphore, #tpu.memory_space<semaphore_mem>> -> memref<1x!tpu.dma_semaphore, #tpu.memory_space<semaphore_mem>>
    %dma_wait3A_132 = tpu.memref_squeeze %dma_wait3A_131 : memref<1x!tpu.dma_semaphore, #tpu.memory_space<semaphore_mem>> -> memref<!tpu.dma_semaphore, #tpu.memory_space<semaphore_mem>>
    %dma_wait3A_133 = arith.constant 0 : i32
    %dma_wait3A_134 = arith.constant 0 : i32
    %dma_wait3A_135 = tpu.memref_slice %arg7[%dma_wait3A_121, %dma_wait3A_133, %dma_wait3A_134] : memref<6x128x128xf32, #tpu.memory_space<vmem>> -> memref<1x128x128xf32, #tpu.memory_space<vmem>>
    %dma_wait3A_136 = tpu.memref_squeeze %dma_wait3A_135 : memref<1x128x128xf32, #tpu.memory_space<vmem>> -> memref<128x128xf32, #tpu.memory_space<vmem>>
    %dma_wait3A_137 = arith.constant 0 : i32
    %dma_wait3A_138 = arith.constant 0 : i32
    %dma_wait3A_139 = tpu.memref_slice %arg8[%dma_wait3A_120, %dma_wait3A_137, %dma_wait3A_138] : memref<16x128x128xf32, #tpu.memory_space<vmem_shared>> -> memref<1x128x128xf32, #tpu.memory_space<vmem_shared>>
    %dma_wait3A_140 = tpu.memref_squeeze %dma_wait3A_139 : memref<1x128x128xf32, #tpu.memory_space<vmem_shared>> -> memref<128x128xf32, #tpu.memory_space<vmem_shared>>
    tpu.wait_dma2 semaphore(%dma_wait3A_132 : memref<!tpu.dma_semaphore, #tpu.memory_space<semaphore_mem>>) src(%dma_wait3A_140 : memref<128x128xf32, #tpu.memory_space<vmem_shared>>) dst(%dma_wait3A_136 : memref<128x128xf32, #tpu.memory_space<vmem>>)
    %dma_start3A_141 = arith.constant 0 : i32
    %dma_start3A_142 = arith.constant 0 : i32
    %dma_start3A_143 = arith.constant 0 : i32
    %dma_start3A_144 = arith.constant 0 : i32
    %dma_start3A_145 = arith.constant 0 : i32
    %dma_start3A_146 = tpu.memref_slice %arg7[%dma_start3A_142, %dma_start3A_144, %dma_start3A_145] : memref<6x128x128xf32, #tpu.memory_space<vmem>> -> memref<1x128x128xf32, #tpu.memory_space<vmem>>
    %dma_start3A_147 = tpu.memref_squeeze %dma_start3A_146 : memref<1x128x128xf32, #tpu.memory_space<vmem>> -> memref<128x128xf32, #tpu.memory_space<vmem>>
    %dma_start3A_148 = arith.constant 0 : i32
    %dma_start3A_149 = tpu.memref_slice %arg6[%dma_start3A_141, %dma_start3A_148] : memref<16x128xi32, #tpu.memory_space<vmem>> -> memref<1x128xi32, #tpu.memory_space<vmem>>
    %dma_start3A_150 = tpu.memref_squeeze %dma_start3A_149 : memref<1x128xi32, #tpu.memory_space<vmem>> -> memref<128xi32, #tpu.memory_space<vmem>>
    %dma_start3A_151 = arith.constant 0 : i32
    %dma_start3A_152 = arith.constant 0 : i32
    %dma_start3A_153 = tpu.memref_slice %arg3[%dma_start3A_151, %dma_start3A_152] : memref<100000x128xf32, #tpu.memory_space<hbm>> -> memref<100000x128xf32, #tpu.memory_space<hbm>>
    %dma_start3A_154 = tpu.memref_slice %arg9[%dma_start3A_143] : memref<6x!tpu.dma_semaphore, #tpu.memory_space<semaphore_mem>> -> memref<1x!tpu.dma_semaphore, #tpu.memory_space<semaphore_mem>>
    %dma_start3A_155 = tpu.memref_squeeze %dma_start3A_154 : memref<1x!tpu.dma_semaphore, #tpu.memory_space<semaphore_mem>> -> memref<!tpu.dma_semaphore, #tpu.memory_space<semaphore_mem>>
    tpu.enqueue_indirect_dma source(%dma_start3A_153 : memref<100000x128xf32, #tpu.memory_space<hbm>>) target(%dma_start3A_147 : memref<128x128xf32, #tpu.memory_space<vmem>>) offsets(%dma_start3A_150 : memref<128xi32, #tpu.memory_space<vmem>>) semaphore(%dma_start3A_155 : memref<!tpu.dma_semaphore, #tpu.memory_space<semaphore_mem>>) {add = true}
    %dma_wait3A_156 = arith.constant 1 : i32
    %dma_wait3A_157 = arith.constant 1 : i32
    %dma_wait3A_158 = arith.constant 1 : i32
    %dma_wait3A_159 = arith.constant 0 : i32
    %dma_wait3A_160 = arith.constant 0 : i32
    %dma_wait3A_161 = tpu.memref_slice %arg7[%dma_wait3A_157, %dma_wait3A_159, %dma_wait3A_160] : memref<6x128x128xf32, #tpu.memory_space<vmem>> -> memref<1x128x128xf32, #tpu.memory_space<vmem>>
    %dma_wait3A_162 = tpu.memref_squeeze %dma_wait3A_161 : memref<1x128x128xf32, #tpu.memory_space<vmem>> -> memref<128x128xf32, #tpu.memory_space<vmem>>
    %dma_wait3A_163 = arith.constant 0 : i32
    %dma_wait3A_164 = arith.constant 0 : i32
    %dma_wait3A_165 = tpu.memref_slice %arg8[%dma_wait3A_156, %dma_wait3A_163, %dma_wait3A_164] : memref<16x128x128xf32, #tpu.memory_space<vmem_shared>> -> memref<1x128x128xf32, #tpu.memory_space<vmem_shared>>
    %dma_wait3A_166 = tpu.memref_squeeze %dma_wait3A_165 : memref<1x128x128xf32, #tpu.memory_space<vmem_shared>> -> memref<128x128xf32, #tpu.memory_space<vmem_shared>>
    %dma_wait3A_167 = tpu.memref_slice %arg10[%dma_wait3A_158] : memref<6x!tpu.dma_semaphore, #tpu.memory_space<semaphore_mem>> -> memref<1x!tpu.dma_semaphore, #tpu.memory_space<semaphore_mem>>
    %dma_wait3A_168 = tpu.memref_squeeze %dma_wait3A_167 : memref<1x!tpu.dma_semaphore, #tpu.memory_space<semaphore_mem>> -> memref<!tpu.dma_semaphore, #tpu.memory_space<semaphore_mem>>
    %dma_wait3A_169 = arith.constant 0 : i32
    %dma_wait3A_170 = arith.constant 0 : i32
    %dma_wait3A_171 = tpu.memref_slice %arg7[%dma_wait3A_157, %dma_wait3A_169, %dma_wait3A_170] : memref<6x128x128xf32, #tpu.memory_space<vmem>> -> memref<1x128x128xf32, #tpu.memory_space<vmem>>
    %dma_wait3A_172 = tpu.memref_squeeze %dma_wait3A_171 : memref<1x128x128xf32, #tpu.memory_space<vmem>> -> memref<128x128xf32, #tpu.memory_space<vmem>>
    %dma_wait3A_173 = arith.constant 0 : i32
    %dma_wait3A_174 = arith.constant 0 : i32
    %dma_wait3A_175 = tpu.memref_slice %arg8[%dma_wait3A_156, %dma_wait3A_173, %dma_wait3A_174] : memref<16x128x128xf32, #tpu.memory_space<vmem_shared>> -> memref<1x128x128xf32, #tpu.memory_space<vmem_shared>>
    %dma_wait3A_176 = tpu.memref_squeeze %dma_wait3A_175 : memref<1x128x128xf32, #tpu.memory_space<vmem_shared>> -> memref<128x128xf32, #tpu.memory_space<vmem_shared>>
    tpu.wait_dma2 semaphore(%dma_wait3A_168 : memref<!tpu.dma_semaphore, #tpu.memory_space<semaphore_mem>>) src(%dma_wait3A_176 : memref<128x128xf32, #tpu.memory_space<vmem_shared>>) dst(%dma_wait3A_172 : memref<128x128xf32, #tpu.memory_space<vmem>>)
    %dma_start3A_177 = arith.constant 1 : i32
    %dma_start3A_178 = arith.constant 1 : i32
    %dma_start3A_179 = arith.constant 1 : i32
    %dma_start3A_180 = arith.constant 0 : i32
    %dma_start3A_181 = arith.constant 0 : i32
    %dma_start3A_182 = tpu.memref_slice %arg7[%dma_start3A_178, %dma_start3A_180, %dma_start3A_181] : memref<6x128x128xf32, #tpu.memory_space<vmem>> -> memref<1x128x128xf32, #tpu.memory_space<vmem>>
    %dma_start3A_183 = tpu.memref_squeeze %dma_start3A_182 : memref<1x128x128xf32, #tpu.memory_space<vmem>> -> memref<128x128xf32, #tpu.memory_space<vmem>>
    %dma_start3A_184 = arith.constant 0 : i32
    %dma_start3A_185 = tpu.memref_slice %arg6[%dma_start3A_177, %dma_start3A_184] : memref<16x128xi32, #tpu.memory_space<vmem>> -> memref<1x128xi32, #tpu.memory_space<vmem>>
    %dma_start3A_186 = tpu.memref_squeeze %dma_start3A_185 : memref<1x128xi32, #tpu.memory_space<vmem>> -> memref<128xi32, #tpu.memory_space<vmem>>
    %dma_start3A_187 = arith.constant 0 : i32
    %dma_start3A_188 = arith.constant 0 : i32
    %dma_start3A_189 = tpu.memref_slice %arg3[%dma_start3A_187, %dma_start3A_188] : memref<100000x128xf32, #tpu.memory_space<hbm>> -> memref<100000x128xf32, #tpu.memory_space<hbm>>
    %dma_start3A_190 = tpu.memref_slice %arg9[%dma_start3A_179] : memref<6x!tpu.dma_semaphore, #tpu.memory_space<semaphore_mem>> -> memref<1x!tpu.dma_semaphore, #tpu.memory_space<semaphore_mem>>
    %dma_start3A_191 = tpu.memref_squeeze %dma_start3A_190 : memref<1x!tpu.dma_semaphore, #tpu.memory_space<semaphore_mem>> -> memref<!tpu.dma_semaphore, #tpu.memory_space<semaphore_mem>>
    tpu.enqueue_indirect_dma source(%dma_start3A_189 : memref<100000x128xf32, #tpu.memory_space<hbm>>) target(%dma_start3A_183 : memref<128x128xf32, #tpu.memory_space<vmem>>) offsets(%dma_start3A_186 : memref<128xi32, #tpu.memory_space<vmem>>) semaphore(%dma_start3A_191 : memref<!tpu.dma_semaphore, #tpu.memory_space<semaphore_mem>>) {add = true}
    %dma_wait3A_192 = arith.constant 2 : i32
    %dma_wait3A_193 = arith.constant 2 : i32
    %dma_wait3A_194 = arith.constant 2 : i32
    %dma_wait3A_195 = arith.constant 0 : i32
    %dma_wait3A_196 = arith.constant 0 : i32
    %dma_wait3A_197 = tpu.memref_slice %arg7[%dma_wait3A_193, %dma_wait3A_195, %dma_wait3A_196] : memref<6x128x128xf32, #tpu.memory_space<vmem>> -> memref<1x128x128xf32, #tpu.memory_space<vmem>>
    %dma_wait3A_198 = tpu.memref_squeeze %dma_wait3A_197 : memref<1x128x128xf32, #tpu.memory_space<vmem>> -> memref<128x128xf32, #tpu.memory_space<vmem>>
    %dma_wait3A_199 = arith.constant 0 : i32
    %dma_wait3A_200 = arith.constant 0 : i32
    %dma_wait3A_201 = tpu.memref_slice %arg8[%dma_wait3A_192, %dma_wait3A_199, %dma_wait3A_200] : memref<16x128x128xf32, #tpu.memory_space<vmem_shared>> -> memref<1x128x128xf32, #tpu.memory_space<vmem_shared>>
    %dma_wait3A_202 = tpu.memref_squeeze %dma_wait3A_201 : memref<1x128x128xf32, #tpu.memory_space<vmem_shared>> -> memref<128x128xf32, #tpu.memory_space<vmem_shared>>
    %dma_wait3A_203 = tpu.memref_slice %arg10[%dma_wait3A_194] : memref<6x!tpu.dma_semaphore, #tpu.memory_space<semaphore_mem>> -> memref<1x!tpu.dma_semaphore, #tpu.memory_space<semaphore_mem>>
    %dma_wait3A_204 = tpu.memref_squeeze %dma_wait3A_203 : memref<1x!tpu.dma_semaphore, #tpu.memory_space<semaphore_mem>> -> memref<!tpu.dma_semaphore, #tpu.memory_space<semaphore_mem>>
    %dma_wait3A_205 = arith.constant 0 : i32
    %dma_wait3A_206 = arith.constant 0 : i32
    %dma_wait3A_207 = tpu.memref_slice %arg7[%dma_wait3A_193, %dma_wait3A_205, %dma_wait3A_206] : memref<6x128x128xf32, #tpu.memory_space<vmem>> -> memref<1x128x128xf32, #tpu.memory_space<vmem>>
    %dma_wait3A_208 = tpu.memref_squeeze %dma_wait3A_207 : memref<1x128x128xf32, #tpu.memory_space<vmem>> -> memref<128x128xf32, #tpu.memory_space<vmem>>
    %dma_wait3A_209 = arith.constant 0 : i32
    %dma_wait3A_210 = arith.constant 0 : i32
    %dma_wait3A_211 = tpu.memref_slice %arg8[%dma_wait3A_192, %dma_wait3A_209, %dma_wait3A_210] : memref<16x128x128xf32, #tpu.memory_space<vmem_shared>> -> memref<1x128x128xf32, #tpu.memory_space<vmem_shared>>
    %dma_wait3A_212 = tpu.memref_squeeze %dma_wait3A_211 : memref<1x128x128xf32, #tpu.memory_space<vmem_shared>> -> memref<128x128xf32, #tpu.memory_space<vmem_shared>>
    tpu.wait_dma2 semaphore(%dma_wait3A_204 : memref<!tpu.dma_semaphore, #tpu.memory_space<semaphore_mem>>) src(%dma_wait3A_212 : memref<128x128xf32, #tpu.memory_space<vmem_shared>>) dst(%dma_wait3A_208 : memref<128x128xf32, #tpu.memory_space<vmem>>)
    %dma_start3A_213 = arith.constant 2 : i32
    %dma_start3A_214 = arith.constant 2 : i32
    %dma_start3A_215 = arith.constant 2 : i32
    %dma_start3A_216 = arith.constant 0 : i32
    %dma_start3A_217 = arith.constant 0 : i32
    %dma_start3A_218 = tpu.memref_slice %arg7[%dma_start3A_214, %dma_start3A_216, %dma_start3A_217] : memref<6x128x128xf32, #tpu.memory_space<vmem>> -> memref<1x128x128xf32, #tpu.memory_space<vmem>>
    %dma_start3A_219 = tpu.memref_squeeze %dma_start3A_218 : memref<1x128x128xf32, #tpu.memory_space<vmem>> -> memref<128x128xf32, #tpu.memory_space<vmem>>
    %dma_start3A_220 = arith.constant 0 : i32
    %dma_start3A_221 = tpu.memref_slice %arg6[%dma_start3A_213, %dma_start3A_220] : memref<16x128xi32, #tpu.memory_space<vmem>> -> memref<1x128xi32, #tpu.memory_space<vmem>>
    %dma_start3A_222 = tpu.memref_squeeze %dma_start3A_221 : memref<1x128xi32, #tpu.memory_space<vmem>> -> memref<128xi32, #tpu.memory_space<vmem>>
    %dma_start3A_223 = arith.constant 0 : i32
    %dma_start3A_224 = arith.constant 0 : i32
    %dma_start3A_225 = tpu.memref_slice %arg3[%dma_start3A_223, %dma_start3A_224] : memref<100000x128xf32, #tpu.memory_space<hbm>> -> memref<100000x128xf32, #tpu.memory_space<hbm>>
    %dma_start3A_226 = tpu.memref_slice %arg9[%dma_start3A_215] : memref<6x!tpu.dma_semaphore, #tpu.memory_space<semaphore_mem>> -> memref<1x!tpu.dma_semaphore, #tpu.memory_space<semaphore_mem>>
    %dma_start3A_227 = tpu.memref_squeeze %dma_start3A_226 : memref<1x!tpu.dma_semaphore, #tpu.memory_space<semaphore_mem>> -> memref<!tpu.dma_semaphore, #tpu.memory_space<semaphore_mem>>
    tpu.enqueue_indirect_dma source(%dma_start3A_225 : memref<100000x128xf32, #tpu.memory_space<hbm>>) target(%dma_start3A_219 : memref<128x128xf32, #tpu.memory_space<vmem>>) offsets(%dma_start3A_222 : memref<128xi32, #tpu.memory_space<vmem>>) semaphore(%dma_start3A_227 : memref<!tpu.dma_semaphore, #tpu.memory_space<semaphore_mem>>) {add = true}
    %dma_wait3A_228 = arith.constant 3 : i32
    %dma_wait3A_229 = arith.constant 3 : i32
    %dma_wait3A_230 = arith.constant 3 : i32
    %dma_wait3A_231 = arith.constant 0 : i32
    %dma_wait3A_232 = arith.constant 0 : i32
    %dma_wait3A_233 = tpu.memref_slice %arg7[%dma_wait3A_229, %dma_wait3A_231, %dma_wait3A_232] : memref<6x128x128xf32, #tpu.memory_space<vmem>> -> memref<1x128x128xf32, #tpu.memory_space<vmem>>
    %dma_wait3A_234 = tpu.memref_squeeze %dma_wait3A_233 : memref<1x128x128xf32, #tpu.memory_space<vmem>> -> memref<128x128xf32, #tpu.memory_space<vmem>>
    %dma_wait3A_235 = arith.constant 0 : i32
    %dma_wait3A_236 = arith.constant 0 : i32
    %dma_wait3A_237 = tpu.memref_slice %arg8[%dma_wait3A_228, %dma_wait3A_235, %dma_wait3A_236] : memref<16x128x128xf32, #tpu.memory_space<vmem_shared>> -> memref<1x128x128xf32, #tpu.memory_space<vmem_shared>>
    %dma_wait3A_238 = tpu.memref_squeeze %dma_wait3A_237 : memref<1x128x128xf32, #tpu.memory_space<vmem_shared>> -> memref<128x128xf32, #tpu.memory_space<vmem_shared>>
    %dma_wait3A_239 = tpu.memref_slice %arg10[%dma_wait3A_230] : memref<6x!tpu.dma_semaphore, #tpu.memory_space<semaphore_mem>> -> memref<1x!tpu.dma_semaphore, #tpu.memory_space<semaphore_mem>>
    %dma_wait3A_240 = tpu.memref_squeeze %dma_wait3A_239 : memref<1x!tpu.dma_semaphore, #tpu.memory_space<semaphore_mem>> -> memref<!tpu.dma_semaphore, #tpu.memory_space<semaphore_mem>>
    %dma_wait3A_241 = arith.constant 0 : i32
    %dma_wait3A_242 = arith.constant 0 : i32
    %dma_wait3A_243 = tpu.memref_slice %arg7[%dma_wait3A_229, %dma_wait3A_241, %dma_wait3A_242] : memref<6x128x128xf32, #tpu.memory_space<vmem>> -> memref<1x128x128xf32, #tpu.memory_space<vmem>>
    %dma_wait3A_244 = tpu.memref_squeeze %dma_wait3A_243 : memref<1x128x128xf32, #tpu.memory_space<vmem>> -> memref<128x128xf32, #tpu.memory_space<vmem>>
    %dma_wait3A_245 = arith.constant 0 : i32
    %dma_wait3A_246 = arith.constant 0 : i32
    %dma_wait3A_247 = tpu.memref_slice %arg8[%dma_wait3A_228, %dma_wait3A_245, %dma_wait3A_246] : memref<16x128x128xf32, #tpu.memory_space<vmem_shared>> -> memref<1x128x128xf32, #tpu.memory_space<vmem_shared>>
    %dma_wait3A_248 = tpu.memref_squeeze %dma_wait3A_247 : memref<1x128x128xf32, #tpu.memory_space<vmem_shared>> -> memref<128x128xf32, #tpu.memory_space<vmem_shared>>
    tpu.wait_dma2 semaphore(%dma_wait3A_240 : memref<!tpu.dma_semaphore, #tpu.memory_space<semaphore_mem>>) src(%dma_wait3A_248 : memref<128x128xf32, #tpu.memory_space<vmem_shared>>) dst(%dma_wait3A_244 : memref<128x128xf32, #tpu.memory_space<vmem>>)
    %dma_start3A_249 = arith.constant 3 : i32
    %dma_start3A_250 = arith.constant 3 : i32
    %dma_start3A_251 = arith.constant 3 : i32
    %dma_start3A_252 = arith.constant 0 : i32
    %dma_start3A_253 = arith.constant 0 : i32
    %dma_start3A_254 = tpu.memref_slice %arg7[%dma_start3A_250, %dma_start3A_252, %dma_start3A_253] : memref<6x128x128xf32, #tpu.memory_space<vmem>> -> memref<1x128x128xf32, #tpu.memory_space<vmem>>
    %dma_start3A_255 = tpu.memref_squeeze %dma_start3A_254 : memref<1x128x128xf32, #tpu.memory_space<vmem>> -> memref<128x128xf32, #tpu.memory_space<vmem>>
    %dma_start3A_256 = arith.constant 0 : i32
    %dma_start3A_257 = tpu.memref_slice %arg6[%dma_start3A_249, %dma_start3A_256] : memref<16x128xi32, #tpu.memory_space<vmem>> -> memref<1x128xi32, #tpu.memory_space<vmem>>
    %dma_start3A_258 = tpu.memref_squeeze %dma_start3A_257 : memref<1x128xi32, #tpu.memory_space<vmem>> -> memref<128xi32, #tpu.memory_space<vmem>>
    %dma_start3A_259 = arith.constant 0 : i32
    %dma_start3A_260 = arith.constant 0 : i32
    %dma_start3A_261 = tpu.memref_slice %arg3[%dma_start3A_259, %dma_start3A_260] : memref<100000x128xf32, #tpu.memory_space<hbm>> -> memref<100000x128xf32, #tpu.memory_space<hbm>>
    %dma_start3A_262 = tpu.memref_slice %arg9[%dma_start3A_251] : memref<6x!tpu.dma_semaphore, #tpu.memory_space<semaphore_mem>> -> memref<1x!tpu.dma_semaphore, #tpu.memory_space<semaphore_mem>>
    %dma_start3A_263 = tpu.memref_squeeze %dma_start3A_262 : memref<1x!tpu.dma_semaphore, #tpu.memory_space<semaphore_mem>> -> memref<!tpu.dma_semaphore, #tpu.memory_space<semaphore_mem>>
    tpu.enqueue_indirect_dma source(%dma_start3A_261 : memref<100000x128xf32, #tpu.memory_space<hbm>>) target(%dma_start3A_255 : memref<128x128xf32, #tpu.memory_space<vmem>>) offsets(%dma_start3A_258 : memref<128xi32, #tpu.memory_space<vmem>>) semaphore(%dma_start3A_263 : memref<!tpu.dma_semaphore, #tpu.memory_space<semaphore_mem>>) {add = true}
    %dma_wait3A_264 = arith.constant 0 : i32
    %dma_wait3A_265 = arith.constant 0 : i32
    %dma_wait3A_266 = arith.constant 0 : i32
    %dma_wait3A_267 = arith.constant 0 : i32
    %dma_wait3A_268 = arith.constant 0 : i32
    %dma_wait3A_269 = tpu.memref_slice %arg7[%dma_wait3A_265, %dma_wait3A_267, %dma_wait3A_268] : memref<6x128x128xf32, #tpu.memory_space<vmem>> -> memref<1x128x128xf32, #tpu.memory_space<vmem>>
    %dma_wait3A_270 = tpu.memref_squeeze %dma_wait3A_269 : memref<1x128x128xf32, #tpu.memory_space<vmem>> -> memref<128x128xf32, #tpu.memory_space<vmem>>
    %dma_wait3A_271 = arith.constant 0 : i32
    %dma_wait3A_272 = tpu.memref_slice %arg6[%dma_wait3A_264, %dma_wait3A_271] : memref<16x128xi32, #tpu.memory_space<vmem>> -> memref<1x128xi32, #tpu.memory_space<vmem>>
    %dma_wait3A_273 = tpu.memref_squeeze %dma_wait3A_272 : memref<1x128xi32, #tpu.memory_space<vmem>> -> memref<128xi32, #tpu.memory_space<vmem>>
    %dma_wait3A_274 = arith.constant 0 : i32
    %dma_wait3A_275 = arith.constant 0 : i32
    %dma_wait3A_276 = tpu.memref_slice %arg3[%dma_wait3A_274, %dma_wait3A_275] : memref<100000x128xf32, #tpu.memory_space<hbm>> -> memref<100000x128xf32, #tpu.memory_space<hbm>>
    %dma_wait3A_277 = tpu.memref_slice %arg9[%dma_wait3A_266] : memref<6x!tpu.dma_semaphore, #tpu.memory_space<semaphore_mem>> -> memref<1x!tpu.dma_semaphore, #tpu.memory_space<semaphore_mem>>
    %dma_wait3A_278 = tpu.memref_squeeze %dma_wait3A_277 : memref<1x!tpu.dma_semaphore, #tpu.memory_space<semaphore_mem>> -> memref<!tpu.dma_semaphore, #tpu.memory_space<semaphore_mem>>
    tpu.wait_indirect_dma semaphore(%dma_wait3A_278 : memref<!tpu.dma_semaphore, #tpu.memory_space<semaphore_mem>>) src(%dma_wait3A_276 : memref<100000x128xf32, #tpu.memory_space<hbm>>) dst(%dma_wait3A_270 : memref<128x128xf32, #tpu.memory_space<vmem>>)
    %dma_start3A_279 = arith.constant 0 : i32
    %dma_start3A_280 = arith.constant 0 : i32
    %dma_start3A_281 = arith.constant 0 : i32
    %dma_start3A_282 = arith.constant 0 : i32
    %dma_start3A_283 = arith.constant 0 : i32
    %dma_start3A_284 = tpu.memref_slice %arg7[%dma_start3A_279, %dma_start3A_282, %dma_start3A_283] : memref<6x128x128xf32, #tpu.memory_space<vmem>> -> memref<1x128x128xf32, #tpu.memory_space<vmem>>
    %dma_start3A_285 = tpu.memref_squeeze %dma_start3A_284 : memref<1x128x128xf32, #tpu.memory_space<vmem>> -> memref<128x128xf32, #tpu.memory_space<vmem>>
    %dma_start3A_286 = arith.constant 0 : i32
    %dma_start3A_287 = arith.constant 0 : i32
    %dma_start3A_288 = tpu.memref_slice %arg5[%add3A, %dma_start3A_280, %dma_start3A_286, %dma_start3A_287] : memref<32x16x128x128xf32, #tpu.memory_space<hbm>> -> memref<1x1x128x128xf32, #tpu.memory_space<hbm>>
    %dma_start3A_289 = tpu.memref_squeeze %dma_start3A_288 : memref<1x1x128x128xf32, #tpu.memory_space<hbm>> -> memref<128x128xf32, #tpu.memory_space<hbm>>
    %dma_start3A_290 = tpu.memref_slice %arg11[%dma_start3A_281] : memref<6x!tpu.dma_semaphore, #tpu.memory_space<semaphore_mem>> -> memref<1x!tpu.dma_semaphore, #tpu.memory_space<semaphore_mem>>
    %dma_start3A_291 = tpu.memref_squeeze %dma_start3A_290 : memref<1x!tpu.dma_semaphore, #tpu.memory_space<semaphore_mem>> -> memref<!tpu.dma_semaphore, #tpu.memory_space<semaphore_mem>>
    %dma_start3A_292 = arith.constant 0 : i32
    %dma_start3A_293 = arith.constant 0 : i32
    %dma_start3A_294 = tpu.memref_slice %arg5[%add3A, %dma_start3A_280, %dma_start3A_292, %dma_start3A_293] : memref<32x16x128x128xf32, #tpu.memory_space<hbm>> -> memref<1x1x128x128xf32, #tpu.memory_space<hbm>>
    %dma_start3A_295 = tpu.memref_squeeze %dma_start3A_294 : memref<1x1x128x128xf32, #tpu.memory_space<hbm>> -> memref<128x128xf32, #tpu.memory_space<hbm>>
    %dma_start3A_296 = arith.constant 0 : i32
    %dma_start3A_297 = arith.constant 0 : i32
    %dma_start3A_298 = tpu.memref_slice %arg7[%dma_start3A_279, %dma_start3A_296, %dma_start3A_297] : memref<6x128x128xf32, #tpu.memory_space<vmem>> -> memref<1x128x128xf32, #tpu.memory_space<vmem>>
    %dma_start3A_299 = tpu.memref_squeeze %dma_start3A_298 : memref<1x128x128xf32, #tpu.memory_space<vmem>> -> memref<128x128xf32, #tpu.memory_space<vmem>>
    tpu.enqueue_dma source(%dma_start3A_299 : memref<128x128xf32, #tpu.memory_space<vmem>>) target(%dma_start3A_295 : memref<128x128xf32, #tpu.memory_space<hbm>>) target_semaphore(%dma_start3A_291 : memref<!tpu.dma_semaphore, #tpu.memory_space<semaphore_mem>>)
    %dma_start3A_300 = arith.constant 5 : i32
    %dma_start3A_301 = arith.constant 5 : i32
    %dma_start3A_302 = arith.constant 5 : i32
    %dma_start3A_303 = arith.constant 0 : i32
    %dma_start3A_304 = arith.constant 0 : i32
    %dma_start3A_305 = tpu.memref_slice %arg7[%dma_start3A_301, %dma_start3A_303, %dma_start3A_304] : memref<6x128x128xf32, #tpu.memory_space<vmem>> -> memref<1x128x128xf32, #tpu.memory_space<vmem>>
    %dma_start3A_306 = tpu.memref_squeeze %dma_start3A_305 : memref<1x128x128xf32, #tpu.memory_space<vmem>> -> memref<128x128xf32, #tpu.memory_space<vmem>>
    %dma_start3A_307 = arith.constant 0 : i32
    %dma_start3A_308 = arith.constant 0 : i32
    %dma_start3A_309 = tpu.memref_slice %arg8[%dma_start3A_300, %dma_start3A_307, %dma_start3A_308] : memref<16x128x128xf32, #tpu.memory_space<vmem_shared>> -> memref<1x128x128xf32, #tpu.memory_space<vmem_shared>>
    %dma_start3A_310 = tpu.memref_squeeze %dma_start3A_309 : memref<1x128x128xf32, #tpu.memory_space<vmem_shared>> -> memref<128x128xf32, #tpu.memory_space<vmem_shared>>
    %dma_start3A_311 = tpu.memref_slice %arg10[%dma_start3A_302] : memref<6x!tpu.dma_semaphore, #tpu.memory_space<semaphore_mem>> -> memref<1x!tpu.dma_semaphore, #tpu.memory_space<semaphore_mem>>
    %dma_start3A_312 = tpu.memref_squeeze %dma_start3A_311 : memref<1x!tpu.dma_semaphore, #tpu.memory_space<semaphore_mem>> -> memref<!tpu.dma_semaphore, #tpu.memory_space<semaphore_mem>>
    %dma_start3A_313 = arith.constant 0 : i32
    %dma_start3A_314 = arith.constant 0 : i32
    %dma_start3A_315 = tpu.memref_slice %arg7[%dma_start3A_301, %dma_start3A_313, %dma_start3A_314] : memref<6x128x128xf32, #tpu.memory_space<vmem>> -> memref<1x128x128xf32, #tpu.memory_space<vmem>>
    %dma_start3A_316 = tpu.memref_squeeze %dma_start3A_315 : memref<1x128x128xf32, #tpu.memory_space<vmem>> -> memref<128x128xf32, #tpu.memory_space<vmem>>
    %dma_start3A_317 = arith.constant 0 : i32
    %dma_start3A_318 = arith.constant 0 : i32
    %dma_start3A_319 = tpu.memref_slice %arg8[%dma_start3A_300, %dma_start3A_317, %dma_start3A_318] : memref<16x128x128xf32, #tpu.memory_space<vmem_shared>> -> memref<1x128x128xf32, #tpu.memory_space<vmem_shared>>
    %dma_start3A_320 = tpu.memref_squeeze %dma_start3A_319 : memref<1x128x128xf32, #tpu.memory_space<vmem_shared>> -> memref<128x128xf32, #tpu.memory_space<vmem_shared>>
    tpu.enqueue_dma source(%dma_start3A_320 : memref<128x128xf32, #tpu.memory_space<vmem_shared>>) target(%dma_start3A_316 : memref<128x128xf32, #tpu.memory_space<vmem>>) target_semaphore(%dma_start3A_312 : memref<!tpu.dma_semaphore, #tpu.memory_space<semaphore_mem>>)
    %dma_wait3A_321 = arith.constant 4 : i32
    %dma_wait3A_322 = arith.constant 4 : i32
    %dma_wait3A_323 = arith.constant 4 : i32
    %dma_wait3A_324 = arith.constant 0 : i32
    %dma_wait3A_325 = arith.constant 0 : i32
    %dma_wait3A_326 = tpu.memref_slice %arg7[%dma_wait3A_322, %dma_wait3A_324, %dma_wait3A_325] : memref<6x128x128xf32, #tpu.memory_space<vmem>> -> memref<1x128x128xf32, #tpu.memory_space<vmem>>
    %dma_wait3A_327 = tpu.memref_squeeze %dma_wait3A_326 : memref<1x128x128xf32, #tpu.memory_space<vmem>> -> memref<128x128xf32, #tpu.memory_space<vmem>>
    %dma_wait3A_328 = arith.constant 0 : i32
    %dma_wait3A_329 = arith.constant 0 : i32
    %dma_wait3A_330 = tpu.memref_slice %arg8[%dma_wait3A_321, %dma_wait3A_328, %dma_wait3A_329] : memref<16x128x128xf32, #tpu.memory_space<vmem_shared>> -> memref<1x128x128xf32, #tpu.memory_space<vmem_shared>>
    %dma_wait3A_331 = tpu.memref_squeeze %dma_wait3A_330 : memref<1x128x128xf32, #tpu.memory_space<vmem_shared>> -> memref<128x128xf32, #tpu.memory_space<vmem_shared>>
    %dma_wait3A_332 = tpu.memref_slice %arg10[%dma_wait3A_323] : memref<6x!tpu.dma_semaphore, #tpu.memory_space<semaphore_mem>> -> memref<1x!tpu.dma_semaphore, #tpu.memory_space<semaphore_mem>>
    %dma_wait3A_333 = tpu.memref_squeeze %dma_wait3A_332 : memref<1x!tpu.dma_semaphore, #tpu.memory_space<semaphore_mem>> -> memref<!tpu.dma_semaphore, #tpu.memory_space<semaphore_mem>>
    %dma_wait3A_334 = arith.constant 0 : i32
    %dma_wait3A_335 = arith.constant 0 : i32
    %dma_wait3A_336 = tpu.memref_slice %arg7[%dma_wait3A_322, %dma_wait3A_334, %dma_wait3A_335] : memref<6x128x128xf32, #tpu.memory_space<vmem>> -> memref<1x128x128xf32, #tpu.memory_space<vmem>>
    %dma_wait3A_337 = tpu.memref_squeeze %dma_wait3A_336 : memref<1x128x128xf32, #tpu.memory_space<vmem>> -> memref<128x128xf32, #tpu.memory_space<vmem>>
    %dma_wait3A_338 = arith.constant 0 : i32
    %dma_wait3A_339 = arith.constant 0 : i32
    %dma_wait3A_340 = tpu.memref_slice %arg8[%dma_wait3A_321, %dma_wait3A_338, %dma_wait3A_339] : memref<16x128x128xf32, #tpu.memory_space<vmem_shared>> -> memref<1x128x128xf32, #tpu.memory_space<vmem_shared>>
    %dma_wait3A_341 = tpu.memref_squeeze %dma_wait3A_340 : memref<1x128x128xf32, #tpu.memory_space<vmem_shared>> -> memref<128x128xf32, #tpu.memory_space<vmem_shared>>
    tpu.wait_dma2 semaphore(%dma_wait3A_333 : memref<!tpu.dma_semaphore, #tpu.memory_space<semaphore_mem>>) src(%dma_wait3A_341 : memref<128x128xf32, #tpu.memory_space<vmem_shared>>) dst(%dma_wait3A_337 : memref<128x128xf32, #tpu.memory_space<vmem>>)
    %dma_start3A_342 = arith.constant 4 : i32
    %dma_start3A_343 = arith.constant 4 : i32
    %dma_start3A_344 = arith.constant 4 : i32
    %dma_start3A_345 = arith.constant 0 : i32
    %dma_start3A_346 = arith.constant 0 : i32
    %dma_start3A_347 = tpu.memref_slice %arg7[%dma_start3A_343, %dma_start3A_345, %dma_start3A_346] : memref<6x128x128xf32, #tpu.memory_space<vmem>> -> memref<1x128x128xf32, #tpu.memory_space<vmem>>
    %dma_start3A_348 = tpu.memref_squeeze %dma_start3A_347 : memref<1x128x128xf32, #tpu.memory_space<vmem>> -> memref<128x128xf32, #tpu.memory_space<vmem>>
    %dma_start3A_349 = arith.constant 0 : i32
    %dma_start3A_350 = tpu.memref_slice %arg6[%dma_start3A_342, %dma_start3A_349] : memref<16x128xi32, #tpu.memory_space<vmem>> -> memref<1x128xi32, #tpu.memory_space<vmem>>
    %dma_start3A_351 = tpu.memref_squeeze %dma_start3A_350 : memref<1x128xi32, #tpu.memory_space<vmem>> -> memref<128xi32, #tpu.memory_space<vmem>>
    %dma_start3A_352 = arith.constant 0 : i32
    %dma_start3A_353 = arith.constant 0 : i32
    %dma_start3A_354 = tpu.memref_slice %arg3[%dma_start3A_352, %dma_start3A_353] : memref<100000x128xf32, #tpu.memory_space<hbm>> -> memref<100000x128xf32, #tpu.memory_space<hbm>>
    %dma_start3A_355 = tpu.memref_slice %arg9[%dma_start3A_344] : memref<6x!tpu.dma_semaphore, #tpu.memory_space<semaphore_mem>> -> memref<1x!tpu.dma_semaphore, #tpu.memory_space<semaphore_mem>>
    %dma_start3A_356 = tpu.memref_squeeze %dma_start3A_355 : memref<1x!tpu.dma_semaphore, #tpu.memory_space<semaphore_mem>> -> memref<!tpu.dma_semaphore, #tpu.memory_space<semaphore_mem>>
    tpu.enqueue_indirect_dma source(%dma_start3A_354 : memref<100000x128xf32, #tpu.memory_space<hbm>>) target(%dma_start3A_348 : memref<128x128xf32, #tpu.memory_space<vmem>>) offsets(%dma_start3A_351 : memref<128xi32, #tpu.memory_space<vmem>>) semaphore(%dma_start3A_356 : memref<!tpu.dma_semaphore, #tpu.memory_space<semaphore_mem>>) {add = true}
    %dma_wait3A_357 = arith.constant 1 : i32
    %dma_wait3A_358 = arith.constant 1 : i32
    %dma_wait3A_359 = arith.constant 1 : i32
    %dma_wait3A_360 = arith.constant 0 : i32
    %dma_wait3A_361 = arith.constant 0 : i32
    %dma_wait3A_362 = tpu.memref_slice %arg7[%dma_wait3A_358, %dma_wait3A_360, %dma_wait3A_361] : memref<6x128x128xf32, #tpu.memory_space<vmem>> -> memref<1x128x128xf32, #tpu.memory_space<vmem>>
    %dma_wait3A_363 = tpu.memref_squeeze %dma_wait3A_362 : memref<1x128x128xf32, #tpu.memory_space<vmem>> -> memref<128x128xf32, #tpu.memory_space<vmem>>
    %dma_wait3A_364 = arith.constant 0 : i32
    %dma_wait3A_365 = tpu.memref_slice %arg6[%dma_wait3A_357, %dma_wait3A_364] : memref<16x128xi32, #tpu.memory_space<vmem>> -> memref<1x128xi32, #tpu.memory_space<vmem>>
    %dma_wait3A_366 = tpu.memref_squeeze %dma_wait3A_365 : memref<1x128xi32, #tpu.memory_space<vmem>> -> memref<128xi32, #tpu.memory_space<vmem>>
    %dma_wait3A_367 = arith.constant 0 : i32
    %dma_wait3A_368 = arith.constant 0 : i32
    %dma_wait3A_369 = tpu.memref_slice %arg3[%dma_wait3A_367, %dma_wait3A_368] : memref<100000x128xf32, #tpu.memory_space<hbm>> -> memref<100000x128xf32, #tpu.memory_space<hbm>>
    %dma_wait3A_370 = tpu.memref_slice %arg9[%dma_wait3A_359] : memref<6x!tpu.dma_semaphore, #tpu.memory_space<semaphore_mem>> -> memref<1x!tpu.dma_semaphore, #tpu.memory_space<semaphore_mem>>
    %dma_wait3A_371 = tpu.memref_squeeze %dma_wait3A_370 : memref<1x!tpu.dma_semaphore, #tpu.memory_space<semaphore_mem>> -> memref<!tpu.dma_semaphore, #tpu.memory_space<semaphore_mem>>
    tpu.wait_indirect_dma semaphore(%dma_wait3A_371 : memref<!tpu.dma_semaphore, #tpu.memory_space<semaphore_mem>>) src(%dma_wait3A_369 : memref<100000x128xf32, #tpu.memory_space<hbm>>) dst(%dma_wait3A_363 : memref<128x128xf32, #tpu.memory_space<vmem>>)
    %dma_start3A_372 = arith.constant 1 : i32
    %dma_start3A_373 = arith.constant 1 : i32
    %dma_start3A_374 = arith.constant 1 : i32
    %dma_start3A_375 = arith.constant 0 : i32
    %dma_start3A_376 = arith.constant 0 : i32
    %dma_start3A_377 = tpu.memref_slice %arg7[%dma_start3A_372, %dma_start3A_375, %dma_start3A_376] : memref<6x128x128xf32, #tpu.memory_space<vmem>> -> memref<1x128x128xf32, #tpu.memory_space<vmem>>
    %dma_start3A_378 = tpu.memref_squeeze %dma_start3A_377 : memref<1x128x128xf32, #tpu.memory_space<vmem>> -> memref<128x128xf32, #tpu.memory_space<vmem>>
    %dma_start3A_379 = arith.constant 0 : i32
    %dma_start3A_380 = arith.constant 0 : i32
    %dma_start3A_381 = tpu.memref_slice %arg5[%add3A, %dma_start3A_373, %dma_start3A_379, %dma_start3A_380] : memref<32x16x128x128xf32, #tpu.memory_space<hbm>> -> memref<1x1x128x128xf32, #tpu.memory_space<hbm>>
    %dma_start3A_382 = tpu.memref_squeeze %dma_start3A_381 : memref<1x1x128x128xf32, #tpu.memory_space<hbm>> -> memref<128x128xf32, #tpu.memory_space<hbm>>
    %dma_start3A_383 = tpu.memref_slice %arg11[%dma_start3A_374] : memref<6x!tpu.dma_semaphore, #tpu.memory_space<semaphore_mem>> -> memref<1x!tpu.dma_semaphore, #tpu.memory_space<semaphore_mem>>
    %dma_start3A_384 = tpu.memref_squeeze %dma_start3A_383 : memref<1x!tpu.dma_semaphore, #tpu.memory_space<semaphore_mem>> -> memref<!tpu.dma_semaphore, #tpu.memory_space<semaphore_mem>>
    %dma_start3A_385 = arith.constant 0 : i32
    %dma_start3A_386 = arith.constant 0 : i32
    %dma_start3A_387 = tpu.memref_slice %arg5[%add3A, %dma_start3A_373, %dma_start3A_385, %dma_start3A_386] : memref<32x16x128x128xf32, #tpu.memory_space<hbm>> -> memref<1x1x128x128xf32, #tpu.memory_space<hbm>>
    %dma_start3A_388 = tpu.memref_squeeze %dma_start3A_387 : memref<1x1x128x128xf32, #tpu.memory_space<hbm>> -> memref<128x128xf32, #tpu.memory_space<hbm>>
    %dma_start3A_389 = arith.constant 0 : i32
    %dma_start3A_390 = arith.constant 0 : i32
    %dma_start3A_391 = tpu.memref_slice %arg7[%dma_start3A_372, %dma_start3A_389, %dma_start3A_390] : memref<6x128x128xf32, #tpu.memory_space<vmem>> -> memref<1x128x128xf32, #tpu.memory_space<vmem>>
    %dma_start3A_392 = tpu.memref_squeeze %dma_start3A_391 : memref<1x128x128xf32, #tpu.memory_space<vmem>> -> memref<128x128xf32, #tpu.memory_space<vmem>>
    tpu.enqueue_dma source(%dma_start3A_392 : memref<128x128xf32, #tpu.memory_space<vmem>>) target(%dma_start3A_388 : memref<128x128xf32, #tpu.memory_space<hbm>>) target_semaphore(%dma_start3A_384 : memref<!tpu.dma_semaphore, #tpu.memory_space<semaphore_mem>>)
    %dma_wait3A_393 = arith.constant 0 : i32
    %dma_wait3A_394 = arith.constant 0 : i32
    %dma_wait3A_395 = arith.constant 0 : i32
    %dma_wait3A_396 = arith.constant 0 : i32
    %dma_wait3A_397 = arith.constant 0 : i32
    %dma_wait3A_398 = tpu.memref_slice %arg7[%dma_wait3A_393, %dma_wait3A_396, %dma_wait3A_397] : memref<6x128x128xf32, #tpu.memory_space<vmem>> -> memref<1x128x128xf32, #tpu.memory_space<vmem>>
    %dma_wait3A_399 = tpu.memref_squeeze %dma_wait3A_398 : memref<1x128x128xf32, #tpu.memory_space<vmem>> -> memref<128x128xf32, #tpu.memory_space<vmem>>
    %dma_wait3A_400 = arith.constant 0 : i32
    %dma_wait3A_401 = arith.constant 0 : i32
    %dma_wait3A_402 = tpu.memref_slice %arg5[%add3A, %dma_wait3A_394, %dma_wait3A_400, %dma_wait3A_401] : memref<32x16x128x128xf32, #tpu.memory_space<hbm>> -> memref<1x1x128x128xf32, #tpu.memory_space<hbm>>
    %dma_wait3A_403 = tpu.memref_squeeze %dma_wait3A_402 : memref<1x1x128x128xf32, #tpu.memory_space<hbm>> -> memref<128x128xf32, #tpu.memory_space<hbm>>
    %dma_wait3A_404 = tpu.memref_slice %arg11[%dma_wait3A_395] : memref<6x!tpu.dma_semaphore, #tpu.memory_space<semaphore_mem>> -> memref<1x!tpu.dma_semaphore, #tpu.memory_space<semaphore_mem>>
    %dma_wait3A_405 = tpu.memref_squeeze %dma_wait3A_404 : memref<1x!tpu.dma_semaphore, #tpu.memory_space<semaphore_mem>> -> memref<!tpu.dma_semaphore, #tpu.memory_space<semaphore_mem>>
    %dma_wait3A_406 = arith.constant 0 : i32
    %dma_wait3A_407 = arith.constant 0 : i32
    %dma_wait3A_408 = tpu.memref_slice %arg5[%add3A, %dma_wait3A_394, %dma_wait3A_406, %dma_wait3A_407] : memref<32x16x128x128xf32, #tpu.memory_space<hbm>> -> memref<1x1x128x128xf32, #tpu.memory_space<hbm>>
    %dma_wait3A_409 = tpu.memref_squeeze %dma_wait3A_408 : memref<1x1x128x128xf32, #tpu.memory_space<hbm>> -> memref<128x128xf32, #tpu.memory_space<hbm>>
    %dma_wait3A_410 = arith.constant 0 : i32
    %dma_wait3A_411 = arith.constant 0 : i32
    %dma_wait3A_412 = tpu.memref_slice %arg7[%dma_wait3A_393, %dma_wait3A_410, %dma_wait3A_411] : memref<6x128x128xf32, #tpu.memory_space<vmem>> -> memref<1x128x128xf32, #tpu.memory_space<vmem>>
    %dma_wait3A_413 = tpu.memref_squeeze %dma_wait3A_412 : memref<1x128x128xf32, #tpu.memory_space<vmem>> -> memref<128x128xf32, #tpu.memory_space<vmem>>
    tpu.wait_dma2 semaphore(%dma_wait3A_405 : memref<!tpu.dma_semaphore, #tpu.memory_space<semaphore_mem>>) src(%dma_wait3A_413 : memref<128x128xf32, #tpu.memory_space<vmem>>) dst(%dma_wait3A_409 : memref<128x128xf32, #tpu.memory_space<hbm>>)
    %dma_start3A_414 = arith.constant 6 : i32
    %dma_start3A_415 = arith.constant 0 : i32
    %dma_start3A_416 = arith.constant 0 : i32
    %dma_start3A_417 = arith.constant 0 : i32
    %dma_start3A_418 = arith.constant 0 : i32
    %dma_start3A_419 = tpu.memref_slice %arg7[%dma_start3A_415, %dma_start3A_417, %dma_start3A_418] : memref<6x128x128xf32, #tpu.memory_space<vmem>> -> memref<1x128x128xf32, #tpu.memory_space<vmem>>
    %dma_start3A_420 = tpu.memref_squeeze %dma_start3A_419 : memref<1x128x128xf32, #tpu.memory_space<vmem>> -> memref<128x128xf32, #tpu.memory_space<vmem>>
    %dma_start3A_421 = arith.constant 0 : i32
    %dma_start3A_422 = arith.constant 0 : i32
    %dma_start3A_423 = tpu.memref_slice %arg8[%dma_start3A_414, %dma_start3A_421, %dma_start3A_422] : memref<16x128x128xf32, #tpu.memory_space<vmem_shared>> -> memref<1x128x128xf32, #tpu.memory_space<vmem_shared>>
    %dma_start3A_424 = tpu.memref_squeeze %dma_start3A_423 : memref<1x128x128xf32, #tpu.memory_space<vmem_shared>> -> memref<128x128xf32, #tpu.memory_space<vmem_shared>>
    %dma_start3A_425 = tpu.memref_slice %arg10[%dma_start3A_416] : memref<6x!tpu.dma_semaphore, #tpu.memory_space<semaphore_mem>> -> memref<1x!tpu.dma_semaphore, #tpu.memory_space<semaphore_mem>>
    %dma_start3A_426 = tpu.memref_squeeze %dma_start3A_425 : memref<1x!tpu.dma_semaphore, #tpu.memory_space<semaphore_mem>> -> memref<!tpu.dma_semaphore, #tpu.memory_space<semaphore_mem>>
    %dma_start3A_427 = arith.constant 0 : i32
    %dma_start3A_428 = arith.constant 0 : i32
    %dma_start3A_429 = tpu.memref_slice %arg7[%dma_start3A_415, %dma_start3A_427, %dma_start3A_428] : memref<6x128x128xf32, #tpu.memory_space<vmem>> -> memref<1x128x128xf32, #tpu.memory_space<vmem>>
    %dma_start3A_430 = tpu.memref_squeeze %dma_start3A_429 : memref<1x128x128xf32, #tpu.memory_space<vmem>> -> memref<128x128xf32, #tpu.memory_space<vmem>>
    %dma_start3A_431 = arith.constant 0 : i32
    %dma_start3A_432 = arith.constant 0 : i32
    %dma_start3A_433 = tpu.memref_slice %arg8[%dma_start3A_414, %dma_start3A_431, %dma_start3A_432] : memref<16x128x128xf32, #tpu.memory_space<vmem_shared>> -> memref<1x128x128xf32, #tpu.memory_space<vmem_shared>>
    %dma_start3A_434 = tpu.memref_squeeze %dma_start3A_433 : memref<1x128x128xf32, #tpu.memory_space<vmem_shared>> -> memref<128x128xf32, #tpu.memory_space<vmem_shared>>
    tpu.enqueue_dma source(%dma_start3A_434 : memref<128x128xf32, #tpu.memory_space<vmem_shared>>) target(%dma_start3A_430 : memref<128x128xf32, #tpu.memory_space<vmem>>) target_semaphore(%dma_start3A_426 : memref<!tpu.dma_semaphore, #tpu.memory_space<semaphore_mem>>)
    %dma_wait3A_435 = arith.constant 5 : i32
    %dma_wait3A_436 = arith.constant 5 : i32
    %dma_wait3A_437 = arith.constant 5 : i32
    %dma_wait3A_438 = arith.constant 0 : i32
    %dma_wait3A_439 = arith.constant 0 : i32
    %dma_wait3A_440 = tpu.memref_slice %arg7[%dma_wait3A_436, %dma_wait3A_438, %dma_wait3A_439] : memref<6x128x128xf32, #tpu.memory_space<vmem>> -> memref<1x128x128xf32, #tpu.memory_space<vmem>>
    %dma_wait3A_441 = tpu.memref_squeeze %dma_wait3A_440 : memref<1x128x128xf32, #tpu.memory_space<vmem>> -> memref<128x128xf32, #tpu.memory_space<vmem>>
    %dma_wait3A_442 = arith.constant 0 : i32
    %dma_wait3A_443 = arith.constant 0 : i32
    %dma_wait3A_444 = tpu.memref_slice %arg8[%dma_wait3A_435, %dma_wait3A_442, %dma_wait3A_443] : memref<16x128x128xf32, #tpu.memory_space<vmem_shared>> -> memref<1x128x128xf32, #tpu.memory_space<vmem_shared>>
    %dma_wait3A_445 = tpu.memref_squeeze %dma_wait3A_444 : memref<1x128x128xf32, #tpu.memory_space<vmem_shared>> -> memref<128x128xf32, #tpu.memory_space<vmem_shared>>
    %dma_wait3A_446 = tpu.memref_slice %arg10[%dma_wait3A_437] : memref<6x!tpu.dma_semaphore, #tpu.memory_space<semaphore_mem>> -> memref<1x!tpu.dma_semaphore, #tpu.memory_space<semaphore_mem>>
    %dma_wait3A_447 = tpu.memref_squeeze %dma_wait3A_446 : memref<1x!tpu.dma_semaphore, #tpu.memory_space<semaphore_mem>> -> memref<!tpu.dma_semaphore, #tpu.memory_space<semaphore_mem>>
    %dma_wait3A_448 = arith.constant 0 : i32
    %dma_wait3A_449 = arith.constant 0 : i32
    %dma_wait3A_450 = tpu.memref_slice %arg7[%dma_wait3A_436, %dma_wait3A_448, %dma_wait3A_449] : memref<6x128x128xf32, #tpu.memory_space<vmem>> -> memref<1x128x128xf32, #tpu.memory_space<vmem>>
    %dma_wait3A_451 = tpu.memref_squeeze %dma_wait3A_450 : memref<1x128x128xf32, #tpu.memory_space<vmem>> -> memref<128x128xf32, #tpu.memory_space<vmem>>
    %dma_wait3A_452 = arith.constant 0 : i32
    %dma_wait3A_453 = arith.constant 0 : i32
    %dma_wait3A_454 = tpu.memref_slice %arg8[%dma_wait3A_435, %dma_wait3A_452, %dma_wait3A_453] : memref<16x128x128xf32, #tpu.memory_space<vmem_shared>> -> memref<1x128x128xf32, #tpu.memory_space<vmem_shared>>
    %dma_wait3A_455 = tpu.memref_squeeze %dma_wait3A_454 : memref<1x128x128xf32, #tpu.memory_space<vmem_shared>> -> memref<128x128xf32, #tpu.memory_space<vmem_shared>>
    tpu.wait_dma2 semaphore(%dma_wait3A_447 : memref<!tpu.dma_semaphore, #tpu.memory_space<semaphore_mem>>) src(%dma_wait3A_455 : memref<128x128xf32, #tpu.memory_space<vmem_shared>>) dst(%dma_wait3A_451 : memref<128x128xf32, #tpu.memory_space<vmem>>)
    %dma_start3A_456 = arith.constant 5 : i32
    %dma_start3A_457 = arith.constant 5 : i32
    %dma_start3A_458 = arith.constant 5 : i32
    %dma_start3A_459 = arith.constant 0 : i32
    %dma_start3A_460 = arith.constant 0 : i32
    %dma_start3A_461 = tpu.memref_slice %arg7[%dma_start3A_457, %dma_start3A_459, %dma_start3A_460] : memref<6x128x128xf32, #tpu.memory_space<vmem>> -> memref<1x128x128xf32, #tpu.memory_space<vmem>>
    %dma_start3A_462 = tpu.memref_squeeze %dma_start3A_461 : memref<1x128x128xf32, #tpu.memory_space<vmem>> -> memref<128x128xf32, #tpu.memory_space<vmem>>
    %dma_start3A_463 = arith.constant 0 : i32
    %dma_start3A_464 = tpu.memref_slice %arg6[%dma_start3A_456, %dma_start3A_463] : memref<16x128xi32, #tpu.memory_space<vmem>> -> memref<1x128xi32, #tpu.memory_space<vmem>>
    %dma_start3A_465 = tpu.memref_squeeze %dma_start3A_464 : memref<1x128xi32, #tpu.memory_space<vmem>> -> memref<128xi32, #tpu.memory_space<vmem>>
    %dma_start3A_466 = arith.constant 0 : i32
    %dma_start3A_467 = arith.constant 0 : i32
    %dma_start3A_468 = tpu.memref_slice %arg3[%dma_start3A_466, %dma_start3A_467] : memref<100000x128xf32, #tpu.memory_space<hbm>> -> memref<100000x128xf32, #tpu.memory_space<hbm>>
    %dma_start3A_469 = tpu.memref_slice %arg9[%dma_start3A_458] : memref<6x!tpu.dma_semaphore, #tpu.memory_space<semaphore_mem>> -> memref<1x!tpu.dma_semaphore, #tpu.memory_space<semaphore_mem>>
    %dma_start3A_470 = tpu.memref_squeeze %dma_start3A_469 : memref<1x!tpu.dma_semaphore, #tpu.memory_space<semaphore_mem>> -> memref<!tpu.dma_semaphore, #tpu.memory_space<semaphore_mem>>
    tpu.enqueue_indirect_dma source(%dma_start3A_468 : memref<100000x128xf32, #tpu.memory_space<hbm>>) target(%dma_start3A_462 : memref<128x128xf32, #tpu.memory_space<vmem>>) offsets(%dma_start3A_465 : memref<128xi32, #tpu.memory_space<vmem>>) semaphore(%dma_start3A_470 : memref<!tpu.dma_semaphore, #tpu.memory_space<semaphore_mem>>) {add = true}
    %dma_wait3A_471 = arith.constant 2 : i32
    %dma_wait3A_472 = arith.constant 2 : i32
    %dma_wait3A_473 = arith.constant 2 : i32
    %dma_wait3A_474 = arith.constant 0 : i32
    %dma_wait3A_475 = arith.constant 0 : i32
    %dma_wait3A_476 = tpu.memref_slice %arg7[%dma_wait3A_472, %dma_wait3A_474, %dma_wait3A_475] : memref<6x128x128xf32, #tpu.memory_space<vmem>> -> memref<1x128x128xf32, #tpu.memory_space<vmem>>
    %dma_wait3A_477 = tpu.memref_squeeze %dma_wait3A_476 : memref<1x128x128xf32, #tpu.memory_space<vmem>> -> memref<128x128xf32, #tpu.memory_space<vmem>>
    %dma_wait3A_478 = arith.constant 0 : i32
    %dma_wait3A_479 = tpu.memref_slice %arg6[%dma_wait3A_471, %dma_wait3A_478] : memref<16x128xi32, #tpu.memory_space<vmem>> -> memref<1x128xi32, #tpu.memory_space<vmem>>
    %dma_wait3A_480 = tpu.memref_squeeze %dma_wait3A_479 : memref<1x128xi32, #tpu.memory_space<vmem>> -> memref<128xi32, #tpu.memory_space<vmem>>
    %dma_wait3A_481 = arith.constant 0 : i32
    %dma_wait3A_482 = arith.constant 0 : i32
    %dma_wait3A_483 = tpu.memref_slice %arg3[%dma_wait3A_481, %dma_wait3A_482] : memref<100000x128xf32, #tpu.memory_space<hbm>> -> memref<100000x128xf32, #tpu.memory_space<hbm>>
    %dma_wait3A_484 = tpu.memref_slice %arg9[%dma_wait3A_473] : memref<6x!tpu.dma_semaphore, #tpu.memory_space<semaphore_mem>> -> memref<1x!tpu.dma_semaphore, #tpu.memory_space<semaphore_mem>>
    %dma_wait3A_485 = tpu.memref_squeeze %dma_wait3A_484 : memref<1x!tpu.dma_semaphore, #tpu.memory_space<semaphore_mem>> -> memref<!tpu.dma_semaphore, #tpu.memory_space<semaphore_mem>>
    tpu.wait_indirect_dma semaphore(%dma_wait3A_485 : memref<!tpu.dma_semaphore, #tpu.memory_space<semaphore_mem>>) src(%dma_wait3A_483 : memref<100000x128xf32, #tpu.memory_space<hbm>>) dst(%dma_wait3A_477 : memref<128x128xf32, #tpu.memory_space<vmem>>)
    %dma_start3A_486 = arith.constant 2 : i32
    %dma_start3A_487 = arith.constant 2 : i32
    %dma_start3A_488 = arith.constant 2 : i32
    %dma_start3A_489 = arith.constant 0 : i32
    %dma_start3A_490 = arith.constant 0 : i32
    %dma_start3A_491 = tpu.memref_slice %arg7[%dma_start3A_486, %dma_start3A_489, %dma_start3A_490] : memref<6x128x128xf32, #tpu.memory_space<vmem>> -> memref<1x128x128xf32, #tpu.memory_space<vmem>>
    %dma_start3A_492 = tpu.memref_squeeze %dma_start3A_491 : memref<1x128x128xf32, #tpu.memory_space<vmem>> -> memref<128x128xf32, #tpu.memory_space<vmem>>
    %dma_start3A_493 = arith.constant 0 : i32
    %dma_start3A_494 = arith.constant 0 : i32
    %dma_start3A_495 = tpu.memref_slice %arg5[%add3A, %dma_start3A_487, %dma_start3A_493, %dma_start3A_494] : memref<32x16x128x128xf32, #tpu.memory_space<hbm>> -> memref<1x1x128x128xf32, #tpu.memory_space<hbm>>
    %dma_start3A_496 = tpu.memref_squeeze %dma_start3A_495 : memref<1x1x128x128xf32, #tpu.memory_space<hbm>> -> memref<128x128xf32, #tpu.memory_space<hbm>>
    %dma_start3A_497 = tpu.memref_slice %arg11[%dma_start3A_488] : memref<6x!tpu.dma_semaphore, #tpu.memory_space<semaphore_mem>> -> memref<1x!tpu.dma_semaphore, #tpu.memory_space<semaphore_mem>>
    %dma_start3A_498 = tpu.memref_squeeze %dma_start3A_497 : memref<1x!tpu.dma_semaphore, #tpu.memory_space<semaphore_mem>> -> memref<!tpu.dma_semaphore, #tpu.memory_space<semaphore_mem>>
    %dma_start3A_499 = arith.constant 0 : i32
    %dma_start3A_500 = arith.constant 0 : i32
    %dma_start3A_501 = tpu.memref_slice %arg5[%add3A, %dma_start3A_487, %dma_start3A_499, %dma_start3A_500] : memref<32x16x128x128xf32, #tpu.memory_space<hbm>> -> memref<1x1x128x128xf32, #tpu.memory_space<hbm>>
    %dma_start3A_502 = tpu.memref_squeeze %dma_start3A_501 : memref<1x1x128x128xf32, #tpu.memory_space<hbm>> -> memref<128x128xf32, #tpu.memory_space<hbm>>
    %dma_start3A_503 = arith.constant 0 : i32
    %dma_start3A_504 = arith.constant 0 : i32
    %dma_start3A_505 = tpu.memref_slice %arg7[%dma_start3A_486, %dma_start3A_503, %dma_start3A_504] : memref<6x128x128xf32, #tpu.memory_space<vmem>> -> memref<1x128x128xf32, #tpu.memory_space<vmem>>
    %dma_start3A_506 = tpu.memref_squeeze %dma_start3A_505 : memref<1x128x128xf32, #tpu.memory_space<vmem>> -> memref<128x128xf32, #tpu.memory_space<vmem>>
    tpu.enqueue_dma source(%dma_start3A_506 : memref<128x128xf32, #tpu.memory_space<vmem>>) target(%dma_start3A_502 : memref<128x128xf32, #tpu.memory_space<hbm>>) target_semaphore(%dma_start3A_498 : memref<!tpu.dma_semaphore, #tpu.memory_space<semaphore_mem>>)
    %dma_wait3A_507 = arith.constant 1 : i32
    %dma_wait3A_508 = arith.constant 1 : i32
    %dma_wait3A_509 = arith.constant 1 : i32
    %dma_wait3A_510 = arith.constant 0 : i32
    %dma_wait3A_511 = arith.constant 0 : i32
    %dma_wait3A_512 = tpu.memref_slice %arg7[%dma_wait3A_507, %dma_wait3A_510, %dma_wait3A_511] : memref<6x128x128xf32, #tpu.memory_space<vmem>> -> memref<1x128x128xf32, #tpu.memory_space<vmem>>
    %dma_wait3A_513 = tpu.memref_squeeze %dma_wait3A_512 : memref<1x128x128xf32, #tpu.memory_space<vmem>> -> memref<128x128xf32, #tpu.memory_space<vmem>>
    %dma_wait3A_514 = arith.constant 0 : i32
    %dma_wait3A_515 = arith.constant 0 : i32
    %dma_wait3A_516 = tpu.memref_slice %arg5[%add3A, %dma_wait3A_508, %dma_wait3A_514, %dma_wait3A_515] : memref<32x16x128x128xf32, #tpu.memory_space<hbm>> -> memref<1x1x128x128xf32, #tpu.memory_space<hbm>>
    %dma_wait3A_517 = tpu.memref_squeeze %dma_wait3A_516 : memref<1x1x128x128xf32, #tpu.memory_space<hbm>> -> memref<128x128xf32, #tpu.memory_space<hbm>>
    %dma_wait3A_518 = tpu.memref_slice %arg11[%dma_wait3A_509] : memref<6x!tpu.dma_semaphore, #tpu.memory_space<semaphore_mem>> -> memref<1x!tpu.dma_semaphore, #tpu.memory_space<semaphore_mem>>
    %dma_wait3A_519 = tpu.memref_squeeze %dma_wait3A_518 : memref<1x!tpu.dma_semaphore, #tpu.memory_space<semaphore_mem>> -> memref<!tpu.dma_semaphore, #tpu.memory_space<semaphore_mem>>
    %dma_wait3A_520 = arith.constant 0 : i32
    %dma_wait3A_521 = arith.constant 0 : i32
    %dma_wait3A_522 = tpu.memref_slice %arg5[%add3A, %dma_wait3A_508, %dma_wait3A_520, %dma_wait3A_521] : memref<32x16x128x128xf32, #tpu.memory_space<hbm>> -> memref<1x1x128x128xf32, #tpu.memory_space<hbm>>
    %dma_wait3A_523 = tpu.memref_squeeze %dma_wait3A_522 : memref<1x1x128x128xf32, #tpu.memory_space<hbm>> -> memref<128x128xf32, #tpu.memory_space<hbm>>
    %dma_wait3A_524 = arith.constant 0 : i32
    %dma_wait3A_525 = arith.constant 0 : i32
    %dma_wait3A_526 = tpu.memref_slice %arg7[%dma_wait3A_507, %dma_wait3A_524, %dma_wait3A_525] : memref<6x128x128xf32, #tpu.memory_space<vmem>> -> memref<1x128x128xf32, #tpu.memory_space<vmem>>
    %dma_wait3A_527 = tpu.memref_squeeze %dma_wait3A_526 : memref<1x128x128xf32, #tpu.memory_space<vmem>> -> memref<128x128xf32, #tpu.memory_space<vmem>>
    tpu.wait_dma2 semaphore(%dma_wait3A_519 : memref<!tpu.dma_semaphore, #tpu.memory_space<semaphore_mem>>) src(%dma_wait3A_527 : memref<128x128xf32, #tpu.memory_space<vmem>>) dst(%dma_wait3A_523 : memref<128x128xf32, #tpu.memory_space<hbm>>)
    %dma_start3A_528 = arith.constant 7 : i32
    %dma_start3A_529 = arith.constant 1 : i32
    %dma_start3A_530 = arith.constant 1 : i32
    %dma_start3A_531 = arith.constant 0 : i32
    %dma_start3A_532 = arith.constant 0 : i32
    %dma_start3A_533 = tpu.memref_slice %arg7[%dma_start3A_529, %dma_start3A_531, %dma_start3A_532] : memref<6x128x128xf32, #tpu.memory_space<vmem>> -> memref<1x128x128xf32, #tpu.memory_space<vmem>>
    %dma_start3A_534 = tpu.memref_squeeze %dma_start3A_533 : memref<1x128x128xf32, #tpu.memory_space<vmem>> -> memref<128x128xf32, #tpu.memory_space<vmem>>
    %dma_start3A_535 = arith.constant 0 : i32
    %dma_start3A_536 = arith.constant 0 : i32
    %dma_start3A_537 = tpu.memref_slice %arg8[%dma_start3A_528, %dma_start3A_535, %dma_start3A_536] : memref<16x128x128xf32, #tpu.memory_space<vmem_shared>> -> memref<1x128x128xf32, #tpu.memory_space<vmem_shared>>
    %dma_start3A_538 = tpu.memref_squeeze %dma_start3A_537 : memref<1x128x128xf32, #tpu.memory_space<vmem_shared>> -> memref<128x128xf32, #tpu.memory_space<vmem_shared>>
    %dma_start3A_539 = tpu.memref_slice %arg10[%dma_start3A_530] : memref<6x!tpu.dma_semaphore, #tpu.memory_space<semaphore_mem>> -> memref<1x!tpu.dma_semaphore, #tpu.memory_space<semaphore_mem>>
    %dma_start3A_540 = tpu.memref_squeeze %dma_start3A_539 : memref<1x!tpu.dma_semaphore, #tpu.memory_space<semaphore_mem>> -> memref<!tpu.dma_semaphore, #tpu.memory_space<semaphore_mem>>
    %dma_start3A_541 = arith.constant 0 : i32
    %dma_start3A_542 = arith.constant 0 : i32
    %dma_start3A_543 = tpu.memref_slice %arg7[%dma_start3A_529, %dma_start3A_541, %dma_start3A_542] : memref<6x128x128xf32, #tpu.memory_space<vmem>> -> memref<1x128x128xf32, #tpu.memory_space<vmem>>
    %dma_start3A_544 = tpu.memref_squeeze %dma_start3A_543 : memref<1x128x128xf32, #tpu.memory_space<vmem>> -> memref<128x128xf32, #tpu.memory_space<vmem>>
    %dma_start3A_545 = arith.constant 0 : i32
    %dma_start3A_546 = arith.constant 0 : i32
    %dma_start3A_547 = tpu.memref_slice %arg8[%dma_start3A_528, %dma_start3A_545, %dma_start3A_546] : memref<16x128x128xf32, #tpu.memory_space<vmem_shared>> -> memref<1x128x128xf32, #tpu.memory_space<vmem_shared>>
    %dma_start3A_548 = tpu.memref_squeeze %dma_start3A_547 : memref<1x128x128xf32, #tpu.memory_space<vmem_shared>> -> memref<128x128xf32, #tpu.memory_space<vmem_shared>>
    tpu.enqueue_dma source(%dma_start3A_548 : memref<128x128xf32, #tpu.memory_space<vmem_shared>>) target(%dma_start3A_544 : memref<128x128xf32, #tpu.memory_space<vmem>>) target_semaphore(%dma_start3A_540 : memref<!tpu.dma_semaphore, #tpu.memory_space<semaphore_mem>>)
    %dma_wait3A_549 = arith.constant 6 : i32
    %dma_wait3A_550 = arith.constant 0 : i32
    %dma_wait3A_551 = arith.constant 0 : i32
    %dma_wait3A_552 = arith.constant 0 : i32
    %dma_wait3A_553 = arith.constant 0 : i32
    %dma_wait3A_554 = tpu.memref_slice %arg7[%dma_wait3A_550, %dma_wait3A_552, %dma_wait3A_553] : memref<6x128x128xf32, #tpu.memory_space<vmem>> -> memref<1x128x128xf32, #tpu.memory_space<vmem>>
    %dma_wait3A_555 = tpu.memref_squeeze %dma_wait3A_554 : memref<1x128x128xf32, #tpu.memory_space<vmem>> -> memref<128x128xf32, #tpu.memory_space<vmem>>
    %dma_wait3A_556 = arith.constant 0 : i32
    %dma_wait3A_557 = arith.constant 0 : i32
    %dma_wait3A_558 = tpu.memref_slice %arg8[%dma_wait3A_549, %dma_wait3A_556, %dma_wait3A_557] : memref<16x128x128xf32, #tpu.memory_space<vmem_shared>> -> memref<1x128x128xf32, #tpu.memory_space<vmem_shared>>
    %dma_wait3A_559 = tpu.memref_squeeze %dma_wait3A_558 : memref<1x128x128xf32, #tpu.memory_space<vmem_shared>> -> memref<128x128xf32, #tpu.memory_space<vmem_shared>>
    %dma_wait3A_560 = tpu.memref_slice %arg10[%dma_wait3A_551] : memref<6x!tpu.dma_semaphore, #tpu.memory_space<semaphore_mem>> -> memref<1x!tpu.dma_semaphore, #tpu.memory_space<semaphore_mem>>
    %dma_wait3A_561 = tpu.memref_squeeze %dma_wait3A_560 : memref<1x!tpu.dma_semaphore, #tpu.memory_space<semaphore_mem>> -> memref<!tpu.dma_semaphore, #tpu.memory_space<semaphore_mem>>
    %dma_wait3A_562 = arith.constant 0 : i32
    %dma_wait3A_563 = arith.constant 0 : i32
    %dma_wait3A_564 = tpu.memref_slice %arg7[%dma_wait3A_550, %dma_wait3A_562, %dma_wait3A_563] : memref<6x128x128xf32, #tpu.memory_space<vmem>> -> memref<1x128x128xf32, #tpu.memory_space<vmem>>
    %dma_wait3A_565 = tpu.memref_squeeze %dma_wait3A_564 : memref<1x128x128xf32, #tpu.memory_space<vmem>> -> memref<128x128xf32, #tpu.memory_space<vmem>>
    %dma_wait3A_566 = arith.constant 0 : i32
    %dma_wait3A_567 = arith.constant 0 : i32
    %dma_wait3A_568 = tpu.memref_slice %arg8[%dma_wait3A_549, %dma_wait3A_566, %dma_wait3A_567] : memref<16x128x128xf32, #tpu.memory_space<vmem_shared>> -> memref<1x128x128xf32, #tpu.memory_space<vmem_shared>>
    %dma_wait3A_569 = tpu.memref_squeeze %dma_wait3A_568 : memref<1x128x128xf32, #tpu.memory_space<vmem_shared>> -> memref<128x128xf32, #tpu.memory_space<vmem_shared>>
    tpu.wait_dma2 semaphore(%dma_wait3A_561 : memref<!tpu.dma_semaphore, #tpu.memory_space<semaphore_mem>>) src(%dma_wait3A_569 : memref<128x128xf32, #tpu.memory_space<vmem_shared>>) dst(%dma_wait3A_565 : memref<128x128xf32, #tpu.memory_space<vmem>>)
    %dma_start3A_570 = arith.constant 6 : i32
    %dma_start3A_571 = arith.constant 0 : i32
    %dma_start3A_572 = arith.constant 0 : i32
    %dma_start3A_573 = arith.constant 0 : i32
    %dma_start3A_574 = arith.constant 0 : i32
    %dma_start3A_575 = tpu.memref_slice %arg7[%dma_start3A_571, %dma_start3A_573, %dma_start3A_574] : memref<6x128x128xf32, #tpu.memory_space<vmem>> -> memref<1x128x128xf32, #tpu.memory_space<vmem>>
    %dma_start3A_576 = tpu.memref_squeeze %dma_start3A_575 : memref<1x128x128xf32, #tpu.memory_space<vmem>> -> memref<128x128xf32, #tpu.memory_space<vmem>>
    %dma_start3A_577 = arith.constant 0 : i32
    %dma_start3A_578 = tpu.memref_slice %arg6[%dma_start3A_570, %dma_start3A_577] : memref<16x128xi32, #tpu.memory_space<vmem>> -> memref<1x128xi32, #tpu.memory_space<vmem>>
    %dma_start3A_579 = tpu.memref_squeeze %dma_start3A_578 : memref<1x128xi32, #tpu.memory_space<vmem>> -> memref<128xi32, #tpu.memory_space<vmem>>
    %dma_start3A_580 = arith.constant 0 : i32
    %dma_start3A_581 = arith.constant 0 : i32
    %dma_start3A_582 = tpu.memref_slice %arg3[%dma_start3A_580, %dma_start3A_581] : memref<100000x128xf32, #tpu.memory_space<hbm>> -> memref<100000x128xf32, #tpu.memory_space<hbm>>
    %dma_start3A_583 = tpu.memref_slice %arg9[%dma_start3A_572] : memref<6x!tpu.dma_semaphore, #tpu.memory_space<semaphore_mem>> -> memref<1x!tpu.dma_semaphore, #tpu.memory_space<semaphore_mem>>
    %dma_start3A_584 = tpu.memref_squeeze %dma_start3A_583 : memref<1x!tpu.dma_semaphore, #tpu.memory_space<semaphore_mem>> -> memref<!tpu.dma_semaphore, #tpu.memory_space<semaphore_mem>>
    tpu.enqueue_indirect_dma source(%dma_start3A_582 : memref<100000x128xf32, #tpu.memory_space<hbm>>) target(%dma_start3A_576 : memref<128x128xf32, #tpu.memory_space<vmem>>) offsets(%dma_start3A_579 : memref<128xi32, #tpu.memory_space<vmem>>) semaphore(%dma_start3A_584 : memref<!tpu.dma_semaphore, #tpu.memory_space<semaphore_mem>>) {add = true}
    %dma_wait3A_585 = arith.constant 3 : i32
    %dma_wait3A_586 = arith.constant 3 : i32
    %dma_wait3A_587 = arith.constant 3 : i32
    %dma_wait3A_588 = arith.constant 0 : i32
    %dma_wait3A_589 = arith.constant 0 : i32
    %dma_wait3A_590 = tpu.memref_slice %arg7[%dma_wait3A_586, %dma_wait3A_588, %dma_wait3A_589] : memref<6x128x128xf32, #tpu.memory_space<vmem>> -> memref<1x128x128xf32, #tpu.memory_space<vmem>>
    %dma_wait3A_591 = tpu.memref_squeeze %dma_wait3A_590 : memref<1x128x128xf32, #tpu.memory_space<vmem>> -> memref<128x128xf32, #tpu.memory_space<vmem>>
    %dma_wait3A_592 = arith.constant 0 : i32
    %dma_wait3A_593 = tpu.memref_slice %arg6[%dma_wait3A_585, %dma_wait3A_592] : memref<16x128xi32, #tpu.memory_space<vmem>> -> memref<1x128xi32, #tpu.memory_space<vmem>>
    %dma_wait3A_594 = tpu.memref_squeeze %dma_wait3A_593 : memref<1x128xi32, #tpu.memory_space<vmem>> -> memref<128xi32, #tpu.memory_space<vmem>>
    %dma_wait3A_595 = arith.constant 0 : i32
    %dma_wait3A_596 = arith.constant 0 : i32
    %dma_wait3A_597 = tpu.memref_slice %arg3[%dma_wait3A_595, %dma_wait3A_596] : memref<100000x128xf32, #tpu.memory_space<hbm>> -> memref<100000x128xf32, #tpu.memory_space<hbm>>
    %dma_wait3A_598 = tpu.memref_slice %arg9[%dma_wait3A_587] : memref<6x!tpu.dma_semaphore, #tpu.memory_space<semaphore_mem>> -> memref<1x!tpu.dma_semaphore, #tpu.memory_space<semaphore_mem>>
    %dma_wait3A_599 = tpu.memref_squeeze %dma_wait3A_598 : memref<1x!tpu.dma_semaphore, #tpu.memory_space<semaphore_mem>> -> memref<!tpu.dma_semaphore, #tpu.memory_space<semaphore_mem>>
    tpu.wait_indirect_dma semaphore(%dma_wait3A_599 : memref<!tpu.dma_semaphore, #tpu.memory_space<semaphore_mem>>) src(%dma_wait3A_597 : memref<100000x128xf32, #tpu.memory_space<hbm>>) dst(%dma_wait3A_591 : memref<128x128xf32, #tpu.memory_space<vmem>>)
    %dma_start3A_600 = arith.constant 3 : i32
    %dma_start3A_601 = arith.constant 3 : i32
    %dma_start3A_602 = arith.constant 3 : i32
    %dma_start3A_603 = arith.constant 0 : i32
    %dma_start3A_604 = arith.constant 0 : i32
    %dma_start3A_605 = tpu.memref_slice %arg7[%dma_start3A_600, %dma_start3A_603, %dma_start3A_604] : memref<6x128x128xf32, #tpu.memory_space<vmem>> -> memref<1x128x128xf32, #tpu.memory_space<vmem>>
    %dma_start3A_606 = tpu.memref_squeeze %dma_start3A_605 : memref<1x128x128xf32, #tpu.memory_space<vmem>> -> memref<128x128xf32, #tpu.memory_space<vmem>>
    %dma_start3A_607 = arith.constant 0 : i32
    %dma_start3A_608 = arith.constant 0 : i32
    %dma_start3A_609 = tpu.memref_slice %arg5[%add3A, %dma_start3A_601, %dma_start3A_607, %dma_start3A_608] : memref<32x16x128x128xf32, #tpu.memory_space<hbm>> -> memref<1x1x128x128xf32, #tpu.memory_space<hbm>>
    %dma_start3A_610 = tpu.memref_squeeze %dma_start3A_609 : memref<1x1x128x128xf32, #tpu.memory_space<hbm>> -> memref<128x128xf32, #tpu.memory_space<hbm>>
    %dma_start3A_611 = tpu.memref_slice %arg11[%dma_start3A_602] : memref<6x!tpu.dma_semaphore, #tpu.memory_space<semaphore_mem>> -> memref<1x!tpu.dma_semaphore, #tpu.memory_space<semaphore_mem>>
    %dma_start3A_612 = tpu.memref_squeeze %dma_start3A_611 : memref<1x!tpu.dma_semaphore, #tpu.memory_space<semaphore_mem>> -> memref<!tpu.dma_semaphore, #tpu.memory_space<semaphore_mem>>
    %dma_start3A_613 = arith.constant 0 : i32
    %dma_start3A_614 = arith.constant 0 : i32
    %dma_start3A_615 = tpu.memref_slice %arg5[%add3A, %dma_start3A_601, %dma_start3A_613, %dma_start3A_614] : memref<32x16x128x128xf32, #tpu.memory_space<hbm>> -> memref<1x1x128x128xf32, #tpu.memory_space<hbm>>
    %dma_start3A_616 = tpu.memref_squeeze %dma_start3A_615 : memref<1x1x128x128xf32, #tpu.memory_space<hbm>> -> memref<128x128xf32, #tpu.memory_space<hbm>>
    %dma_start3A_617 = arith.constant 0 : i32
    %dma_start3A_618 = arith.constant 0 : i32
    %dma_start3A_619 = tpu.memref_slice %arg7[%dma_start3A_600, %dma_start3A_617, %dma_start3A_618] : memref<6x128x128xf32, #tpu.memory_space<vmem>> -> memref<1x128x128xf32, #tpu.memory_space<vmem>>
    %dma_start3A_620 = tpu.memref_squeeze %dma_start3A_619 : memref<1x128x128xf32, #tpu.memory_space<vmem>> -> memref<128x128xf32, #tpu.memory_space<vmem>>
    tpu.enqueue_dma source(%dma_start3A_620 : memref<128x128xf32, #tpu.memory_space<vmem>>) target(%dma_start3A_616 : memref<128x128xf32, #tpu.memory_space<hbm>>) target_semaphore(%dma_start3A_612 : memref<!tpu.dma_semaphore, #tpu.memory_space<semaphore_mem>>)
    %dma_wait3A_621 = arith.constant 2 : i32
    %dma_wait3A_622 = arith.constant 2 : i32
    %dma_wait3A_623 = arith.constant 2 : i32
    %dma_wait3A_624 = arith.constant 0 : i32
    %dma_wait3A_625 = arith.constant 0 : i32
    %dma_wait3A_626 = tpu.memref_slice %arg7[%dma_wait3A_621, %dma_wait3A_624, %dma_wait3A_625] : memref<6x128x128xf32, #tpu.memory_space<vmem>> -> memref<1x128x128xf32, #tpu.memory_space<vmem>>
    %dma_wait3A_627 = tpu.memref_squeeze %dma_wait3A_626 : memref<1x128x128xf32, #tpu.memory_space<vmem>> -> memref<128x128xf32, #tpu.memory_space<vmem>>
    %dma_wait3A_628 = arith.constant 0 : i32
    %dma_wait3A_629 = arith.constant 0 : i32
    %dma_wait3A_630 = tpu.memref_slice %arg5[%add3A, %dma_wait3A_622, %dma_wait3A_628, %dma_wait3A_629] : memref<32x16x128x128xf32, #tpu.memory_space<hbm>> -> memref<1x1x128x128xf32, #tpu.memory_space<hbm>>
    %dma_wait3A_631 = tpu.memref_squeeze %dma_wait3A_630 : memref<1x1x128x128xf32, #tpu.memory_space<hbm>> -> memref<128x128xf32, #tpu.memory_space<hbm>>
    %dma_wait3A_632 = tpu.memref_slice %arg11[%dma_wait3A_623] : memref<6x!tpu.dma_semaphore, #tpu.memory_space<semaphore_mem>> -> memref<1x!tpu.dma_semaphore, #tpu.memory_space<semaphore_mem>>
    %dma_wait3A_633 = tpu.memref_squeeze %dma_wait3A_632 : memref<1x!tpu.dma_semaphore, #tpu.memory_space<semaphore_mem>> -> memref<!tpu.dma_semaphore, #tpu.memory_space<semaphore_mem>>
    %dma_wait3A_634 = arith.constant 0 : i32
    %dma_wait3A_635 = arith.constant 0 : i32
    %dma_wait3A_636 = tpu.memref_slice %arg5[%add3A, %dma_wait3A_622, %dma_wait3A_634, %dma_wait3A_635] : memref<32x16x128x128xf32, #tpu.memory_space<hbm>> -> memref<1x1x128x128xf32, #tpu.memory_space<hbm>>
    %dma_wait3A_637 = tpu.memref_squeeze %dma_wait3A_636 : memref<1x1x128x128xf32, #tpu.memory_space<hbm>> -> memref<128x128xf32, #tpu.memory_space<hbm>>
    %dma_wait3A_638 = arith.constant 0 : i32
    %dma_wait3A_639 = arith.constant 0 : i32
    %dma_wait3A_640 = tpu.memref_slice %arg7[%dma_wait3A_621, %dma_wait3A_638, %dma_wait3A_639] : memref<6x128x128xf32, #tpu.memory_space<vmem>> -> memref<1x128x128xf32, #tpu.memory_space<vmem>>
    %dma_wait3A_641 = tpu.memref_squeeze %dma_wait3A_640 : memref<1x128x128xf32, #tpu.memory_space<vmem>> -> memref<128x128xf32, #tpu.memory_space<vmem>>
    tpu.wait_dma2 semaphore(%dma_wait3A_633 : memref<!tpu.dma_semaphore, #tpu.memory_space<semaphore_mem>>) src(%dma_wait3A_641 : memref<128x128xf32, #tpu.memory_space<vmem>>) dst(%dma_wait3A_637 : memref<128x128xf32, #tpu.memory_space<hbm>>)
    %dma_start3A_642 = arith.constant 8 : i32
    %dma_start3A_643 = arith.constant 2 : i32
    %dma_start3A_644 = arith.constant 2 : i32
    %dma_start3A_645 = arith.constant 0 : i32
    %dma_start3A_646 = arith.constant 0 : i32
    %dma_start3A_647 = tpu.memref_slice %arg7[%dma_start3A_643, %dma_start3A_645, %dma_start3A_646] : memref<6x128x128xf32, #tpu.memory_space<vmem>> -> memref<1x128x128xf32, #tpu.memory_space<vmem>>
    %dma_start3A_648 = tpu.memref_squeeze %dma_start3A_647 : memref<1x128x128xf32, #tpu.memory_space<vmem>> -> memref<128x128xf32, #tpu.memory_space<vmem>>
    %dma_start3A_649 = arith.constant 0 : i32
    %dma_start3A_650 = arith.constant 0 : i32
    %dma_start3A_651 = tpu.memref_slice %arg8[%dma_start3A_642, %dma_start3A_649, %dma_start3A_650] : memref<16x128x128xf32, #tpu.memory_space<vmem_shared>> -> memref<1x128x128xf32, #tpu.memory_space<vmem_shared>>
    %dma_start3A_652 = tpu.memref_squeeze %dma_start3A_651 : memref<1x128x128xf32, #tpu.memory_space<vmem_shared>> -> memref<128x128xf32, #tpu.memory_space<vmem_shared>>
    %dma_start3A_653 = tpu.memref_slice %arg10[%dma_start3A_644] : memref<6x!tpu.dma_semaphore, #tpu.memory_space<semaphore_mem>> -> memref<1x!tpu.dma_semaphore, #tpu.memory_space<semaphore_mem>>
    %dma_start3A_654 = tpu.memref_squeeze %dma_start3A_653 : memref<1x!tpu.dma_semaphore, #tpu.memory_space<semaphore_mem>> -> memref<!tpu.dma_semaphore, #tpu.memory_space<semaphore_mem>>
    %dma_start3A_655 = arith.constant 0 : i32
    %dma_start3A_656 = arith.constant 0 : i32
    %dma_start3A_657 = tpu.memref_slice %arg7[%dma_start3A_643, %dma_start3A_655, %dma_start3A_656] : memref<6x128x128xf32, #tpu.memory_space<vmem>> -> memref<1x128x128xf32, #tpu.memory_space<vmem>>
    %dma_start3A_658 = tpu.memref_squeeze %dma_start3A_657 : memref<1x128x128xf32, #tpu.memory_space<vmem>> -> memref<128x128xf32, #tpu.memory_space<vmem>>
    %dma_start3A_659 = arith.constant 0 : i32
    %dma_start3A_660 = arith.constant 0 : i32
    %dma_start3A_661 = tpu.memref_slice %arg8[%dma_start3A_642, %dma_start3A_659, %dma_start3A_660] : memref<16x128x128xf32, #tpu.memory_space<vmem_shared>> -> memref<1x128x128xf32, #tpu.memory_space<vmem_shared>>
    %dma_start3A_662 = tpu.memref_squeeze %dma_start3A_661 : memref<1x128x128xf32, #tpu.memory_space<vmem_shared>> -> memref<128x128xf32, #tpu.memory_space<vmem_shared>>
    tpu.enqueue_dma source(%dma_start3A_662 : memref<128x128xf32, #tpu.memory_space<vmem_shared>>) target(%dma_start3A_658 : memref<128x128xf32, #tpu.memory_space<vmem>>) target_semaphore(%dma_start3A_654 : memref<!tpu.dma_semaphore, #tpu.memory_space<semaphore_mem>>)
    %dma_wait3A_663 = arith.constant 7 : i32
    %dma_wait3A_664 = arith.constant 1 : i32
    %dma_wait3A_665 = arith.constant 1 : i32
    %dma_wait3A_666 = arith.constant 0 : i32
    %dma_wait3A_667 = arith.constant 0 : i32
    %dma_wait3A_668 = tpu.memref_slice %arg7[%dma_wait3A_664, %dma_wait3A_666, %dma_wait3A_667] : memref<6x128x128xf32, #tpu.memory_space<vmem>> -> memref<1x128x128xf32, #tpu.memory_space<vmem>>
    %dma_wait3A_669 = tpu.memref_squeeze %dma_wait3A_668 : memref<1x128x128xf32, #tpu.memory_space<vmem>> -> memref<128x128xf32, #tpu.memory_space<vmem>>
    %dma_wait3A_670 = arith.constant 0 : i32
    %dma_wait3A_671 = arith.constant 0 : i32
    %dma_wait3A_672 = tpu.memref_slice %arg8[%dma_wait3A_663, %dma_wait3A_670, %dma_wait3A_671] : memref<16x128x128xf32, #tpu.memory_space<vmem_shared>> -> memref<1x128x128xf32, #tpu.memory_space<vmem_shared>>
    %dma_wait3A_673 = tpu.memref_squeeze %dma_wait3A_672 : memref<1x128x128xf32, #tpu.memory_space<vmem_shared>> -> memref<128x128xf32, #tpu.memory_space<vmem_shared>>
    %dma_wait3A_674 = tpu.memref_slice %arg10[%dma_wait3A_665] : memref<6x!tpu.dma_semaphore, #tpu.memory_space<semaphore_mem>> -> memref<1x!tpu.dma_semaphore, #tpu.memory_space<semaphore_mem>>
    %dma_wait3A_675 = tpu.memref_squeeze %dma_wait3A_674 : memref<1x!tpu.dma_semaphore, #tpu.memory_space<semaphore_mem>> -> memref<!tpu.dma_semaphore, #tpu.memory_space<semaphore_mem>>
    %dma_wait3A_676 = arith.constant 0 : i32
    %dma_wait3A_677 = arith.constant 0 : i32
    %dma_wait3A_678 = tpu.memref_slice %arg7[%dma_wait3A_664, %dma_wait3A_676, %dma_wait3A_677] : memref<6x128x128xf32, #tpu.memory_space<vmem>> -> memref<1x128x128xf32, #tpu.memory_space<vmem>>
    %dma_wait3A_679 = tpu.memref_squeeze %dma_wait3A_678 : memref<1x128x128xf32, #tpu.memory_space<vmem>> -> memref<128x128xf32, #tpu.memory_space<vmem>>
    %dma_wait3A_680 = arith.constant 0 : i32
    %dma_wait3A_681 = arith.constant 0 : i32
    %dma_wait3A_682 = tpu.memref_slice %arg8[%dma_wait3A_663, %dma_wait3A_680, %dma_wait3A_681] : memref<16x128x128xf32, #tpu.memory_space<vmem_shared>> -> memref<1x128x128xf32, #tpu.memory_space<vmem_shared>>
    %dma_wait3A_683 = tpu.memref_squeeze %dma_wait3A_682 : memref<1x128x128xf32, #tpu.memory_space<vmem_shared>> -> memref<128x128xf32, #tpu.memory_space<vmem_shared>>
    tpu.wait_dma2 semaphore(%dma_wait3A_675 : memref<!tpu.dma_semaphore, #tpu.memory_space<semaphore_mem>>) src(%dma_wait3A_683 : memref<128x128xf32, #tpu.memory_space<vmem_shared>>) dst(%dma_wait3A_679 : memref<128x128xf32, #tpu.memory_space<vmem>>)
    %dma_start3A_684 = arith.constant 7 : i32
    %dma_start3A_685 = arith.constant 1 : i32
    %dma_start3A_686 = arith.constant 1 : i32
    %dma_start3A_687 = arith.constant 0 : i32
    %dma_start3A_688 = arith.constant 0 : i32
    %dma_start3A_689 = tpu.memref_slice %arg7[%dma_start3A_685, %dma_start3A_687, %dma_start3A_688] : memref<6x128x128xf32, #tpu.memory_space<vmem>> -> memref<1x128x128xf32, #tpu.memory_space<vmem>>
    %dma_start3A_690 = tpu.memref_squeeze %dma_start3A_689 : memref<1x128x128xf32, #tpu.memory_space<vmem>> -> memref<128x128xf32, #tpu.memory_space<vmem>>
    %dma_start3A_691 = arith.constant 0 : i32
    %dma_start3A_692 = tpu.memref_slice %arg6[%dma_start3A_684, %dma_start3A_691] : memref<16x128xi32, #tpu.memory_space<vmem>> -> memref<1x128xi32, #tpu.memory_space<vmem>>
    %dma_start3A_693 = tpu.memref_squeeze %dma_start3A_692 : memref<1x128xi32, #tpu.memory_space<vmem>> -> memref<128xi32, #tpu.memory_space<vmem>>
    %dma_start3A_694 = arith.constant 0 : i32
    %dma_start3A_695 = arith.constant 0 : i32
    %dma_start3A_696 = tpu.memref_slice %arg3[%dma_start3A_694, %dma_start3A_695] : memref<100000x128xf32, #tpu.memory_space<hbm>> -> memref<100000x128xf32, #tpu.memory_space<hbm>>
    %dma_start3A_697 = tpu.memref_slice %arg9[%dma_start3A_686] : memref<6x!tpu.dma_semaphore, #tpu.memory_space<semaphore_mem>> -> memref<1x!tpu.dma_semaphore, #tpu.memory_space<semaphore_mem>>
    %dma_start3A_698 = tpu.memref_squeeze %dma_start3A_697 : memref<1x!tpu.dma_semaphore, #tpu.memory_space<semaphore_mem>> -> memref<!tpu.dma_semaphore, #tpu.memory_space<semaphore_mem>>
    tpu.enqueue_indirect_dma source(%dma_start3A_696 : memref<100000x128xf32, #tpu.memory_space<hbm>>) target(%dma_start3A_690 : memref<128x128xf32, #tpu.memory_space<vmem>>) offsets(%dma_start3A_693 : memref<128xi32, #tpu.memory_space<vmem>>) semaphore(%dma_start3A_698 : memref<!tpu.dma_semaphore, #tpu.memory_space<semaphore_mem>>) {add = true}
    %dma_wait3A_699 = arith.constant 4 : i32
    %dma_wait3A_700 = arith.constant 4 : i32
    %dma_wait3A_701 = arith.constant 4 : i32
    %dma_wait3A_702 = arith.constant 0 : i32
    %dma_wait3A_703 = arith.constant 0 : i32
    %dma_wait3A_704 = tpu.memref_slice %arg7[%dma_wait3A_700, %dma_wait3A_702, %dma_wait3A_703] : memref<6x128x128xf32, #tpu.memory_space<vmem>> -> memref<1x128x128xf32, #tpu.memory_space<vmem>>
    %dma_wait3A_705 = tpu.memref_squeeze %dma_wait3A_704 : memref<1x128x128xf32, #tpu.memory_space<vmem>> -> memref<128x128xf32, #tpu.memory_space<vmem>>
    %dma_wait3A_706 = arith.constant 0 : i32
    %dma_wait3A_707 = tpu.memref_slice %arg6[%dma_wait3A_699, %dma_wait3A_706] : memref<16x128xi32, #tpu.memory_space<vmem>> -> memref<1x128xi32, #tpu.memory_space<vmem>>
    %dma_wait3A_708 = tpu.memref_squeeze %dma_wait3A_707 : memref<1x128xi32, #tpu.memory_space<vmem>> -> memref<128xi32, #tpu.memory_space<vmem>>
    %dma_wait3A_709 = arith.constant 0 : i32
    %dma_wait3A_710 = arith.constant 0 : i32
    %dma_wait3A_711 = tpu.memref_slice %arg3[%dma_wait3A_709, %dma_wait3A_710] : memref<100000x128xf32, #tpu.memory_space<hbm>> -> memref<100000x128xf32, #tpu.memory_space<hbm>>
    %dma_wait3A_712 = tpu.memref_slice %arg9[%dma_wait3A_701] : memref<6x!tpu.dma_semaphore, #tpu.memory_space<semaphore_mem>> -> memref<1x!tpu.dma_semaphore, #tpu.memory_space<semaphore_mem>>
    %dma_wait3A_713 = tpu.memref_squeeze %dma_wait3A_712 : memref<1x!tpu.dma_semaphore, #tpu.memory_space<semaphore_mem>> -> memref<!tpu.dma_semaphore, #tpu.memory_space<semaphore_mem>>
    tpu.wait_indirect_dma semaphore(%dma_wait3A_713 : memref<!tpu.dma_semaphore, #tpu.memory_space<semaphore_mem>>) src(%dma_wait3A_711 : memref<100000x128xf32, #tpu.memory_space<hbm>>) dst(%dma_wait3A_705 : memref<128x128xf32, #tpu.memory_space<vmem>>)
    %dma_start3A_714 = arith.constant 4 : i32
    %dma_start3A_715 = arith.constant 4 : i32
    %dma_start3A_716 = arith.constant 4 : i32
    %dma_start3A_717 = arith.constant 0 : i32
    %dma_start3A_718 = arith.constant 0 : i32
    %dma_start3A_719 = tpu.memref_slice %arg7[%dma_start3A_714, %dma_start3A_717, %dma_start3A_718] : memref<6x128x128xf32, #tpu.memory_space<vmem>> -> memref<1x128x128xf32, #tpu.memory_space<vmem>>
    %dma_start3A_720 = tpu.memref_squeeze %dma_start3A_719 : memref<1x128x128xf32, #tpu.memory_space<vmem>> -> memref<128x128xf32, #tpu.memory_space<vmem>>
    %dma_start3A_721 = arith.constant 0 : i32
    %dma_start3A_722 = arith.constant 0 : i32
    %dma_start3A_723 = tpu.memref_slice %arg5[%add3A, %dma_start3A_715, %dma_start3A_721, %dma_start3A_722] : memref<32x16x128x128xf32, #tpu.memory_space<hbm>> -> memref<1x1x128x128xf32, #tpu.memory_space<hbm>>
    %dma_start3A_724 = tpu.memref_squeeze %dma_start3A_723 : memref<1x1x128x128xf32, #tpu.memory_space<hbm>> -> memref<128x128xf32, #tpu.memory_space<hbm>>
    %dma_start3A_725 = tpu.memref_slice %arg11[%dma_start3A_716] : memref<6x!tpu.dma_semaphore, #tpu.memory_space<semaphore_mem>> -> memref<1x!tpu.dma_semaphore, #tpu.memory_space<semaphore_mem>>
    %dma_start3A_726 = tpu.memref_squeeze %dma_start3A_725 : memref<1x!tpu.dma_semaphore, #tpu.memory_space<semaphore_mem>> -> memref<!tpu.dma_semaphore, #tpu.memory_space<semaphore_mem>>
    %dma_start3A_727 = arith.constant 0 : i32
    %dma_start3A_728 = arith.constant 0 : i32
    %dma_start3A_729 = tpu.memref_slice %arg5[%add3A, %dma_start3A_715, %dma_start3A_727, %dma_start3A_728] : memref<32x16x128x128xf32, #tpu.memory_space<hbm>> -> memref<1x1x128x128xf32, #tpu.memory_space<hbm>>
    %dma_start3A_730 = tpu.memref_squeeze %dma_start3A_729 : memref<1x1x128x128xf32, #tpu.memory_space<hbm>> -> memref<128x128xf32, #tpu.memory_space<hbm>>
    %dma_start3A_731 = arith.constant 0 : i32
    %dma_start3A_732 = arith.constant 0 : i32
    %dma_start3A_733 = tpu.memref_slice %arg7[%dma_start3A_714, %dma_start3A_731, %dma_start3A_732] : memref<6x128x128xf32, #tpu.memory_space<vmem>> -> memref<1x128x128xf32, #tpu.memory_space<vmem>>
    %dma_start3A_734 = tpu.memref_squeeze %dma_start3A_733 : memref<1x128x128xf32, #tpu.memory_space<vmem>> -> memref<128x128xf32, #tpu.memory_space<vmem>>
    tpu.enqueue_dma source(%dma_start3A_734 : memref<128x128xf32, #tpu.memory_space<vmem>>) target(%dma_start3A_730 : memref<128x128xf32, #tpu.memory_space<hbm>>) target_semaphore(%dma_start3A_726 : memref<!tpu.dma_semaphore, #tpu.memory_space<semaphore_mem>>)
    %dma_wait3A_735 = arith.constant 3 : i32
    %dma_wait3A_736 = arith.constant 3 : i32
    %dma_wait3A_737 = arith.constant 3 : i32
    %dma_wait3A_738 = arith.constant 0 : i32
    %dma_wait3A_739 = arith.constant 0 : i32
    %dma_wait3A_740 = tpu.memref_slice %arg7[%dma_wait3A_735, %dma_wait3A_738, %dma_wait3A_739] : memref<6x128x128xf32, #tpu.memory_space<vmem>> -> memref<1x128x128xf32, #tpu.memory_space<vmem>>
    %dma_wait3A_741 = tpu.memref_squeeze %dma_wait3A_740 : memref<1x128x128xf32, #tpu.memory_space<vmem>> -> memref<128x128xf32, #tpu.memory_space<vmem>>
    %dma_wait3A_742 = arith.constant 0 : i32
    %dma_wait3A_743 = arith.constant 0 : i32
    %dma_wait3A_744 = tpu.memref_slice %arg5[%add3A, %dma_wait3A_736, %dma_wait3A_742, %dma_wait3A_743] : memref<32x16x128x128xf32, #tpu.memory_space<hbm>> -> memref<1x1x128x128xf32, #tpu.memory_space<hbm>>
    %dma_wait3A_745 = tpu.memref_squeeze %dma_wait3A_744 : memref<1x1x128x128xf32, #tpu.memory_space<hbm>> -> memref<128x128xf32, #tpu.memory_space<hbm>>
    %dma_wait3A_746 = tpu.memref_slice %arg11[%dma_wait3A_737] : memref<6x!tpu.dma_semaphore, #tpu.memory_space<semaphore_mem>> -> memref<1x!tpu.dma_semaphore, #tpu.memory_space<semaphore_mem>>
    %dma_wait3A_747 = tpu.memref_squeeze %dma_wait3A_746 : memref<1x!tpu.dma_semaphore, #tpu.memory_space<semaphore_mem>> -> memref<!tpu.dma_semaphore, #tpu.memory_space<semaphore_mem>>
    %dma_wait3A_748 = arith.constant 0 : i32
    %dma_wait3A_749 = arith.constant 0 : i32
    %dma_wait3A_750 = tpu.memref_slice %arg5[%add3A, %dma_wait3A_736, %dma_wait3A_748, %dma_wait3A_749] : memref<32x16x128x128xf32, #tpu.memory_space<hbm>> -> memref<1x1x128x128xf32, #tpu.memory_space<hbm>>
    %dma_wait3A_751 = tpu.memref_squeeze %dma_wait3A_750 : memref<1x1x128x128xf32, #tpu.memory_space<hbm>> -> memref<128x128xf32, #tpu.memory_space<hbm>>
    %dma_wait3A_752 = arith.constant 0 : i32
    %dma_wait3A_753 = arith.constant 0 : i32
    %dma_wait3A_754 = tpu.memref_slice %arg7[%dma_wait3A_735, %dma_wait3A_752, %dma_wait3A_753] : memref<6x128x128xf32, #tpu.memory_space<vmem>> -> memref<1x128x128xf32, #tpu.memory_space<vmem>>
    %dma_wait3A_755 = tpu.memref_squeeze %dma_wait3A_754 : memref<1x128x128xf32, #tpu.memory_space<vmem>> -> memref<128x128xf32, #tpu.memory_space<vmem>>
    tpu.wait_dma2 semaphore(%dma_wait3A_747 : memref<!tpu.dma_semaphore, #tpu.memory_space<semaphore_mem>>) src(%dma_wait3A_755 : memref<128x128xf32, #tpu.memory_space<vmem>>) dst(%dma_wait3A_751 : memref<128x128xf32, #tpu.memory_space<hbm>>)
    %dma_start3A_756 = arith.constant 9 : i32
    %dma_start3A_757 = arith.constant 3 : i32
    %dma_start3A_758 = arith.constant 3 : i32
    %dma_start3A_759 = arith.constant 0 : i32
    %dma_start3A_760 = arith.constant 0 : i32
    %dma_start3A_761 = tpu.memref_slice %arg7[%dma_start3A_757, %dma_start3A_759, %dma_start3A_760] : memref<6x128x128xf32, #tpu.memory_space<vmem>> -> memref<1x128x128xf32, #tpu.memory_space<vmem>>
    %dma_start3A_762 = tpu.memref_squeeze %dma_start3A_761 : memref<1x128x128xf32, #tpu.memory_space<vmem>> -> memref<128x128xf32, #tpu.memory_space<vmem>>
    %dma_start3A_763 = arith.constant 0 : i32
    %dma_start3A_764 = arith.constant 0 : i32
    %dma_start3A_765 = tpu.memref_slice %arg8[%dma_start3A_756, %dma_start3A_763, %dma_start3A_764] : memref<16x128x128xf32, #tpu.memory_space<vmem_shared>> -> memref<1x128x128xf32, #tpu.memory_space<vmem_shared>>
    %dma_start3A_766 = tpu.memref_squeeze %dma_start3A_765 : memref<1x128x128xf32, #tpu.memory_space<vmem_shared>> -> memref<128x128xf32, #tpu.memory_space<vmem_shared>>
    %dma_start3A_767 = tpu.memref_slice %arg10[%dma_start3A_758] : memref<6x!tpu.dma_semaphore, #tpu.memory_space<semaphore_mem>> -> memref<1x!tpu.dma_semaphore, #tpu.memory_space<semaphore_mem>>
    %dma_start3A_768 = tpu.memref_squeeze %dma_start3A_767 : memref<1x!tpu.dma_semaphore, #tpu.memory_space<semaphore_mem>> -> memref<!tpu.dma_semaphore, #tpu.memory_space<semaphore_mem>>
    %dma_start3A_769 = arith.constant 0 : i32
    %dma_start3A_770 = arith.constant 0 : i32
    %dma_start3A_771 = tpu.memref_slice %arg7[%dma_start3A_757, %dma_start3A_769, %dma_start3A_770] : memref<6x128x128xf32, #tpu.memory_space<vmem>> -> memref<1x128x128xf32, #tpu.memory_space<vmem>>
    %dma_start3A_772 = tpu.memref_squeeze %dma_start3A_771 : memref<1x128x128xf32, #tpu.memory_space<vmem>> -> memref<128x128xf32, #tpu.memory_space<vmem>>
    %dma_start3A_773 = arith.constant 0 : i32
    %dma_start3A_774 = arith.constant 0 : i32
    %dma_start3A_775 = tpu.memref_slice %arg8[%dma_start3A_756, %dma_start3A_773, %dma_start3A_774] : memref<16x128x128xf32, #tpu.memory_space<vmem_shared>> -> memref<1x128x128xf32, #tpu.memory_space<vmem_shared>>
    %dma_start3A_776 = tpu.memref_squeeze %dma_start3A_775 : memref<1x128x128xf32, #tpu.memory_space<vmem_shared>> -> memref<128x128xf32, #tpu.memory_space<vmem_shared>>
    tpu.enqueue_dma source(%dma_start3A_776 : memref<128x128xf32, #tpu.memory_space<vmem_shared>>) target(%dma_start3A_772 : memref<128x128xf32, #tpu.memory_space<vmem>>) target_semaphore(%dma_start3A_768 : memref<!tpu.dma_semaphore, #tpu.memory_space<semaphore_mem>>)
    %dma_wait3A_777 = arith.constant 8 : i32
    %dma_wait3A_778 = arith.constant 2 : i32
    %dma_wait3A_779 = arith.constant 2 : i32
    %dma_wait3A_780 = arith.constant 0 : i32
    %dma_wait3A_781 = arith.constant 0 : i32
    %dma_wait3A_782 = tpu.memref_slice %arg7[%dma_wait3A_778, %dma_wait3A_780, %dma_wait3A_781] : memref<6x128x128xf32, #tpu.memory_space<vmem>> -> memref<1x128x128xf32, #tpu.memory_space<vmem>>
    %dma_wait3A_783 = tpu.memref_squeeze %dma_wait3A_782 : memref<1x128x128xf32, #tpu.memory_space<vmem>> -> memref<128x128xf32, #tpu.memory_space<vmem>>
    %dma_wait3A_784 = arith.constant 0 : i32
    %dma_wait3A_785 = arith.constant 0 : i32
    %dma_wait3A_786 = tpu.memref_slice %arg8[%dma_wait3A_777, %dma_wait3A_784, %dma_wait3A_785] : memref<16x128x128xf32, #tpu.memory_space<vmem_shared>> -> memref<1x128x128xf32, #tpu.memory_space<vmem_shared>>
    %dma_wait3A_787 = tpu.memref_squeeze %dma_wait3A_786 : memref<1x128x128xf32, #tpu.memory_space<vmem_shared>> -> memref<128x128xf32, #tpu.memory_space<vmem_shared>>
    %dma_wait3A_788 = tpu.memref_slice %arg10[%dma_wait3A_779] : memref<6x!tpu.dma_semaphore, #tpu.memory_space<semaphore_mem>> -> memref<1x!tpu.dma_semaphore, #tpu.memory_space<semaphore_mem>>
    %dma_wait3A_789 = tpu.memref_squeeze %dma_wait3A_788 : memref<1x!tpu.dma_semaphore, #tpu.memory_space<semaphore_mem>> -> memref<!tpu.dma_semaphore, #tpu.memory_space<semaphore_mem>>
    %dma_wait3A_790 = arith.constant 0 : i32
    %dma_wait3A_791 = arith.constant 0 : i32
    %dma_wait3A_792 = tpu.memref_slice %arg7[%dma_wait3A_778, %dma_wait3A_790, %dma_wait3A_791] : memref<6x128x128xf32, #tpu.memory_space<vmem>> -> memref<1x128x128xf32, #tpu.memory_space<vmem>>
    %dma_wait3A_793 = tpu.memref_squeeze %dma_wait3A_792 : memref<1x128x128xf32, #tpu.memory_space<vmem>> -> memref<128x128xf32, #tpu.memory_space<vmem>>
    %dma_wait3A_794 = arith.constant 0 : i32
    %dma_wait3A_795 = arith.constant 0 : i32
    %dma_wait3A_796 = tpu.memref_slice %arg8[%dma_wait3A_777, %dma_wait3A_794, %dma_wait3A_795] : memref<16x128x128xf32, #tpu.memory_space<vmem_shared>> -> memref<1x128x128xf32, #tpu.memory_space<vmem_shared>>
    %dma_wait3A_797 = tpu.memref_squeeze %dma_wait3A_796 : memref<1x128x128xf32, #tpu.memory_space<vmem_shared>> -> memref<128x128xf32, #tpu.memory_space<vmem_shared>>
    tpu.wait_dma2 semaphore(%dma_wait3A_789 : memref<!tpu.dma_semaphore, #tpu.memory_space<semaphore_mem>>) src(%dma_wait3A_797 : memref<128x128xf32, #tpu.memory_space<vmem_shared>>) dst(%dma_wait3A_793 : memref<128x128xf32, #tpu.memory_space<vmem>>)
    %dma_start3A_798 = arith.constant 8 : i32
    %dma_start3A_799 = arith.constant 2 : i32
    %dma_start3A_800 = arith.constant 2 : i32
    %dma_start3A_801 = arith.constant 0 : i32
    %dma_start3A_802 = arith.constant 0 : i32
    %dma_start3A_803 = tpu.memref_slice %arg7[%dma_start3A_799, %dma_start3A_801, %dma_start3A_802] : memref<6x128x128xf32, #tpu.memory_space<vmem>> -> memref<1x128x128xf32, #tpu.memory_space<vmem>>
    %dma_start3A_804 = tpu.memref_squeeze %dma_start3A_803 : memref<1x128x128xf32, #tpu.memory_space<vmem>> -> memref<128x128xf32, #tpu.memory_space<vmem>>
    %dma_start3A_805 = arith.constant 0 : i32
    %dma_start3A_806 = tpu.memref_slice %arg6[%dma_start3A_798, %dma_start3A_805] : memref<16x128xi32, #tpu.memory_space<vmem>> -> memref<1x128xi32, #tpu.memory_space<vmem>>
    %dma_start3A_807 = tpu.memref_squeeze %dma_start3A_806 : memref<1x128xi32, #tpu.memory_space<vmem>> -> memref<128xi32, #tpu.memory_space<vmem>>
    %dma_start3A_808 = arith.constant 0 : i32
    %dma_start3A_809 = arith.constant 0 : i32
    %dma_start3A_810 = tpu.memref_slice %arg3[%dma_start3A_808, %dma_start3A_809] : memref<100000x128xf32, #tpu.memory_space<hbm>> -> memref<100000x128xf32, #tpu.memory_space<hbm>>
    %dma_start3A_811 = tpu.memref_slice %arg9[%dma_start3A_800] : memref<6x!tpu.dma_semaphore, #tpu.memory_space<semaphore_mem>> -> memref<1x!tpu.dma_semaphore, #tpu.memory_space<semaphore_mem>>
    %dma_start3A_812 = tpu.memref_squeeze %dma_start3A_811 : memref<1x!tpu.dma_semaphore, #tpu.memory_space<semaphore_mem>> -> memref<!tpu.dma_semaphore, #tpu.memory_space<semaphore_mem>>
    tpu.enqueue_indirect_dma source(%dma_start3A_810 : memref<100000x128xf32, #tpu.memory_space<hbm>>) target(%dma_start3A_804 : memref<128x128xf32, #tpu.memory_space<vmem>>) offsets(%dma_start3A_807 : memref<128xi32, #tpu.memory_space<vmem>>) semaphore(%dma_start3A_812 : memref<!tpu.dma_semaphore, #tpu.memory_space<semaphore_mem>>) {add = true}
    %dma_wait3A_813 = arith.constant 5 : i32
    %dma_wait3A_814 = arith.constant 5 : i32
    %dma_wait3A_815 = arith.constant 5 : i32
    %dma_wait3A_816 = arith.constant 0 : i32
    %dma_wait3A_817 = arith.constant 0 : i32
    %dma_wait3A_818 = tpu.memref_slice %arg7[%dma_wait3A_814, %dma_wait3A_816, %dma_wait3A_817] : memref<6x128x128xf32, #tpu.memory_space<vmem>> -> memref<1x128x128xf32, #tpu.memory_space<vmem>>
    %dma_wait3A_819 = tpu.memref_squeeze %dma_wait3A_818 : memref<1x128x128xf32, #tpu.memory_space<vmem>> -> memref<128x128xf32, #tpu.memory_space<vmem>>
    %dma_wait3A_820 = arith.constant 0 : i32
    %dma_wait3A_821 = tpu.memref_slice %arg6[%dma_wait3A_813, %dma_wait3A_820] : memref<16x128xi32, #tpu.memory_space<vmem>> -> memref<1x128xi32, #tpu.memory_space<vmem>>
    %dma_wait3A_822 = tpu.memref_squeeze %dma_wait3A_821 : memref<1x128xi32, #tpu.memory_space<vmem>> -> memref<128xi32, #tpu.memory_space<vmem>>
    %dma_wait3A_823 = arith.constant 0 : i32
    %dma_wait3A_824 = arith.constant 0 : i32
    %dma_wait3A_825 = tpu.memref_slice %arg3[%dma_wait3A_823, %dma_wait3A_824] : memref<100000x128xf32, #tpu.memory_space<hbm>> -> memref<100000x128xf32, #tpu.memory_space<hbm>>
    %dma_wait3A_826 = tpu.memref_slice %arg9[%dma_wait3A_815] : memref<6x!tpu.dma_semaphore, #tpu.memory_space<semaphore_mem>> -> memref<1x!tpu.dma_semaphore, #tpu.memory_space<semaphore_mem>>
    %dma_wait3A_827 = tpu.memref_squeeze %dma_wait3A_826 : memref<1x!tpu.dma_semaphore, #tpu.memory_space<semaphore_mem>> -> memref<!tpu.dma_semaphore, #tpu.memory_space<semaphore_mem>>
    tpu.wait_indirect_dma semaphore(%dma_wait3A_827 : memref<!tpu.dma_semaphore, #tpu.memory_space<semaphore_mem>>) src(%dma_wait3A_825 : memref<100000x128xf32, #tpu.memory_space<hbm>>) dst(%dma_wait3A_819 : memref<128x128xf32, #tpu.memory_space<vmem>>)
    %dma_start3A_828 = arith.constant 5 : i32
    %dma_start3A_829 = arith.constant 5 : i32
    %dma_start3A_830 = arith.constant 5 : i32
    %dma_start3A_831 = arith.constant 0 : i32
    %dma_start3A_832 = arith.constant 0 : i32
    %dma_start3A_833 = tpu.memref_slice %arg7[%dma_start3A_828, %dma_start3A_831, %dma_start3A_832] : memref<6x128x128xf32, #tpu.memory_space<vmem>> -> memref<1x128x128xf32, #tpu.memory_space<vmem>>
    %dma_start3A_834 = tpu.memref_squeeze %dma_start3A_833 : memref<1x128x128xf32, #tpu.memory_space<vmem>> -> memref<128x128xf32, #tpu.memory_space<vmem>>
    %dma_start3A_835 = arith.constant 0 : i32
    %dma_start3A_836 = arith.constant 0 : i32
    %dma_start3A_837 = tpu.memref_slice %arg5[%add3A, %dma_start3A_829, %dma_start3A_835, %dma_start3A_836] : memref<32x16x128x128xf32, #tpu.memory_space<hbm>> -> memref<1x1x128x128xf32, #tpu.memory_space<hbm>>
    %dma_start3A_838 = tpu.memref_squeeze %dma_start3A_837 : memref<1x1x128x128xf32, #tpu.memory_space<hbm>> -> memref<128x128xf32, #tpu.memory_space<hbm>>
    %dma_start3A_839 = tpu.memref_slice %arg11[%dma_start3A_830] : memref<6x!tpu.dma_semaphore, #tpu.memory_space<semaphore_mem>> -> memref<1x!tpu.dma_semaphore, #tpu.memory_space<semaphore_mem>>
    %dma_start3A_840 = tpu.memref_squeeze %dma_start3A_839 : memref<1x!tpu.dma_semaphore, #tpu.memory_space<semaphore_mem>> -> memref<!tpu.dma_semaphore, #tpu.memory_space<semaphore_mem>>
    %dma_start3A_841 = arith.constant 0 : i32
    %dma_start3A_842 = arith.constant 0 : i32
    %dma_start3A_843 = tpu.memref_slice %arg5[%add3A, %dma_start3A_829, %dma_start3A_841, %dma_start3A_842] : memref<32x16x128x128xf32, #tpu.memory_space<hbm>> -> memref<1x1x128x128xf32, #tpu.memory_space<hbm>>
    %dma_start3A_844 = tpu.memref_squeeze %dma_start3A_843 : memref<1x1x128x128xf32, #tpu.memory_space<hbm>> -> memref<128x128xf32, #tpu.memory_space<hbm>>
    %dma_start3A_845 = arith.constant 0 : i32
    %dma_start3A_846 = arith.constant 0 : i32
    %dma_start3A_847 = tpu.memref_slice %arg7[%dma_start3A_828, %dma_start3A_845, %dma_start3A_846] : memref<6x128x128xf32, #tpu.memory_space<vmem>> -> memref<1x128x128xf32, #tpu.memory_space<vmem>>
    %dma_start3A_848 = tpu.memref_squeeze %dma_start3A_847 : memref<1x128x128xf32, #tpu.memory_space<vmem>> -> memref<128x128xf32, #tpu.memory_space<vmem>>
    tpu.enqueue_dma source(%dma_start3A_848 : memref<128x128xf32, #tpu.memory_space<vmem>>) target(%dma_start3A_844 : memref<128x128xf32, #tpu.memory_space<hbm>>) target_semaphore(%dma_start3A_840 : memref<!tpu.dma_semaphore, #tpu.memory_space<semaphore_mem>>)
    %dma_wait3A_849 = arith.constant 4 : i32
    %dma_wait3A_850 = arith.constant 4 : i32
    %dma_wait3A_851 = arith.constant 4 : i32
    %dma_wait3A_852 = arith.constant 0 : i32
    %dma_wait3A_853 = arith.constant 0 : i32
    %dma_wait3A_854 = tpu.memref_slice %arg7[%dma_wait3A_849, %dma_wait3A_852, %dma_wait3A_853] : memref<6x128x128xf32, #tpu.memory_space<vmem>> -> memref<1x128x128xf32, #tpu.memory_space<vmem>>
    %dma_wait3A_855 = tpu.memref_squeeze %dma_wait3A_854 : memref<1x128x128xf32, #tpu.memory_space<vmem>> -> memref<128x128xf32, #tpu.memory_space<vmem>>
    %dma_wait3A_856 = arith.constant 0 : i32
    %dma_wait3A_857 = arith.constant 0 : i32
    %dma_wait3A_858 = tpu.memref_slice %arg5[%add3A, %dma_wait3A_850, %dma_wait3A_856, %dma_wait3A_857] : memref<32x16x128x128xf32, #tpu.memory_space<hbm>> -> memref<1x1x128x128xf32, #tpu.memory_space<hbm>>
    %dma_wait3A_859 = tpu.memref_squeeze %dma_wait3A_858 : memref<1x1x128x128xf32, #tpu.memory_space<hbm>> -> memref<128x128xf32, #tpu.memory_space<hbm>>
    %dma_wait3A_860 = tpu.memref_slice %arg11[%dma_wait3A_851] : memref<6x!tpu.dma_semaphore, #tpu.memory_space<semaphore_mem>> -> memref<1x!tpu.dma_semaphore, #tpu.memory_space<semaphore_mem>>
    %dma_wait3A_861 = tpu.memref_squeeze %dma_wait3A_860 : memref<1x!tpu.dma_semaphore, #tpu.memory_space<semaphore_mem>> -> memref<!tpu.dma_semaphore, #tpu.memory_space<semaphore_mem>>
    %dma_wait3A_862 = arith.constant 0 : i32
    %dma_wait3A_863 = arith.constant 0 : i32
    %dma_wait3A_864 = tpu.memref_slice %arg5[%add3A, %dma_wait3A_850, %dma_wait3A_862, %dma_wait3A_863] : memref<32x16x128x128xf32, #tpu.memory_space<hbm>> -> memref<1x1x128x128xf32, #tpu.memory_space<hbm>>
    %dma_wait3A_865 = tpu.memref_squeeze %dma_wait3A_864 : memref<1x1x128x128xf32, #tpu.memory_space<hbm>> -> memref<128x128xf32, #tpu.memory_space<hbm>>
    %dma_wait3A_866 = arith.constant 0 : i32
    %dma_wait3A_867 = arith.constant 0 : i32
    %dma_wait3A_868 = tpu.memref_slice %arg7[%dma_wait3A_849, %dma_wait3A_866, %dma_wait3A_867] : memref<6x128x128xf32, #tpu.memory_space<vmem>> -> memref<1x128x128xf32, #tpu.memory_space<vmem>>
    %dma_wait3A_869 = tpu.memref_squeeze %dma_wait3A_868 : memref<1x128x128xf32, #tpu.memory_space<vmem>> -> memref<128x128xf32, #tpu.memory_space<vmem>>
    tpu.wait_dma2 semaphore(%dma_wait3A_861 : memref<!tpu.dma_semaphore, #tpu.memory_space<semaphore_mem>>) src(%dma_wait3A_869 : memref<128x128xf32, #tpu.memory_space<vmem>>) dst(%dma_wait3A_865 : memref<128x128xf32, #tpu.memory_space<hbm>>)
    %dma_start3A_870 = arith.constant 10 : i32
    %dma_start3A_871 = arith.constant 4 : i32
    %dma_start3A_872 = arith.constant 4 : i32
    %dma_start3A_873 = arith.constant 0 : i32
    %dma_start3A_874 = arith.constant 0 : i32
    %dma_start3A_875 = tpu.memref_slice %arg7[%dma_start3A_871, %dma_start3A_873, %dma_start3A_874] : memref<6x128x128xf32, #tpu.memory_space<vmem>> -> memref<1x128x128xf32, #tpu.memory_space<vmem>>
    %dma_start3A_876 = tpu.memref_squeeze %dma_start3A_875 : memref<1x128x128xf32, #tpu.memory_space<vmem>> -> memref<128x128xf32, #tpu.memory_space<vmem>>
    %dma_start3A_877 = arith.constant 0 : i32
    %dma_start3A_878 = arith.constant 0 : i32
    %dma_start3A_879 = tpu.memref_slice %arg8[%dma_start3A_870, %dma_start3A_877, %dma_start3A_878] : memref<16x128x128xf32, #tpu.memory_space<vmem_shared>> -> memref<1x128x128xf32, #tpu.memory_space<vmem_shared>>
    %dma_start3A_880 = tpu.memref_squeeze %dma_start3A_879 : memref<1x128x128xf32, #tpu.memory_space<vmem_shared>> -> memref<128x128xf32, #tpu.memory_space<vmem_shared>>
    %dma_start3A_881 = tpu.memref_slice %arg10[%dma_start3A_872] : memref<6x!tpu.dma_semaphore, #tpu.memory_space<semaphore_mem>> -> memref<1x!tpu.dma_semaphore, #tpu.memory_space<semaphore_mem>>
    %dma_start3A_882 = tpu.memref_squeeze %dma_start3A_881 : memref<1x!tpu.dma_semaphore, #tpu.memory_space<semaphore_mem>> -> memref<!tpu.dma_semaphore, #tpu.memory_space<semaphore_mem>>
    %dma_start3A_883 = arith.constant 0 : i32
    %dma_start3A_884 = arith.constant 0 : i32
    %dma_start3A_885 = tpu.memref_slice %arg7[%dma_start3A_871, %dma_start3A_883, %dma_start3A_884] : memref<6x128x128xf32, #tpu.memory_space<vmem>> -> memref<1x128x128xf32, #tpu.memory_space<vmem>>
    %dma_start3A_886 = tpu.memref_squeeze %dma_start3A_885 : memref<1x128x128xf32, #tpu.memory_space<vmem>> -> memref<128x128xf32, #tpu.memory_space<vmem>>
    %dma_start3A_887 = arith.constant 0 : i32
    %dma_start3A_888 = arith.constant 0 : i32
    %dma_start3A_889 = tpu.memref_slice %arg8[%dma_start3A_870, %dma_start3A_887, %dma_start3A_888] : memref<16x128x128xf32, #tpu.memory_space<vmem_shared>> -> memref<1x128x128xf32, #tpu.memory_space<vmem_shared>>
    %dma_start3A_890 = tpu.memref_squeeze %dma_start3A_889 : memref<1x128x128xf32, #tpu.memory_space<vmem_shared>> -> memref<128x128xf32, #tpu.memory_space<vmem_shared>>
    tpu.enqueue_dma source(%dma_start3A_890 : memref<128x128xf32, #tpu.memory_space<vmem_shared>>) target(%dma_start3A_886 : memref<128x128xf32, #tpu.memory_space<vmem>>) target_semaphore(%dma_start3A_882 : memref<!tpu.dma_semaphore, #tpu.memory_space<semaphore_mem>>)
    %dma_wait3A_891 = arith.constant 9 : i32
    %dma_wait3A_892 = arith.constant 3 : i32
    %dma_wait3A_893 = arith.constant 3 : i32
    %dma_wait3A_894 = arith.constant 0 : i32
    %dma_wait3A_895 = arith.constant 0 : i32
    %dma_wait3A_896 = tpu.memref_slice %arg7[%dma_wait3A_892, %dma_wait3A_894, %dma_wait3A_895] : memref<6x128x128xf32, #tpu.memory_space<vmem>> -> memref<1x128x128xf32, #tpu.memory_space<vmem>>
    %dma_wait3A_897 = tpu.memref_squeeze %dma_wait3A_896 : memref<1x128x128xf32, #tpu.memory_space<vmem>> -> memref<128x128xf32, #tpu.memory_space<vmem>>
    %dma_wait3A_898 = arith.constant 0 : i32
    %dma_wait3A_899 = arith.constant 0 : i32
    %dma_wait3A_900 = tpu.memref_slice %arg8[%dma_wait3A_891, %dma_wait3A_898, %dma_wait3A_899] : memref<16x128x128xf32, #tpu.memory_space<vmem_shared>> -> memref<1x128x128xf32, #tpu.memory_space<vmem_shared>>
    %dma_wait3A_901 = tpu.memref_squeeze %dma_wait3A_900 : memref<1x128x128xf32, #tpu.memory_space<vmem_shared>> -> memref<128x128xf32, #tpu.memory_space<vmem_shared>>
    %dma_wait3A_902 = tpu.memref_slice %arg10[%dma_wait3A_893] : memref<6x!tpu.dma_semaphore, #tpu.memory_space<semaphore_mem>> -> memref<1x!tpu.dma_semaphore, #tpu.memory_space<semaphore_mem>>
    %dma_wait3A_903 = tpu.memref_squeeze %dma_wait3A_902 : memref<1x!tpu.dma_semaphore, #tpu.memory_space<semaphore_mem>> -> memref<!tpu.dma_semaphore, #tpu.memory_space<semaphore_mem>>
    %dma_wait3A_904 = arith.constant 0 : i32
    %dma_wait3A_905 = arith.constant 0 : i32
    %dma_wait3A_906 = tpu.memref_slice %arg7[%dma_wait3A_892, %dma_wait3A_904, %dma_wait3A_905] : memref<6x128x128xf32, #tpu.memory_space<vmem>> -> memref<1x128x128xf32, #tpu.memory_space<vmem>>
    %dma_wait3A_907 = tpu.memref_squeeze %dma_wait3A_906 : memref<1x128x128xf32, #tpu.memory_space<vmem>> -> memref<128x128xf32, #tpu.memory_space<vmem>>
    %dma_wait3A_908 = arith.constant 0 : i32
    %dma_wait3A_909 = arith.constant 0 : i32
    %dma_wait3A_910 = tpu.memref_slice %arg8[%dma_wait3A_891, %dma_wait3A_908, %dma_wait3A_909] : memref<16x128x128xf32, #tpu.memory_space<vmem_shared>> -> memref<1x128x128xf32, #tpu.memory_space<vmem_shared>>
    %dma_wait3A_911 = tpu.memref_squeeze %dma_wait3A_910 : memref<1x128x128xf32, #tpu.memory_space<vmem_shared>> -> memref<128x128xf32, #tpu.memory_space<vmem_shared>>
    tpu.wait_dma2 semaphore(%dma_wait3A_903 : memref<!tpu.dma_semaphore, #tpu.memory_space<semaphore_mem>>) src(%dma_wait3A_911 : memref<128x128xf32, #tpu.memory_space<vmem_shared>>) dst(%dma_wait3A_907 : memref<128x128xf32, #tpu.memory_space<vmem>>)
    %dma_start3A_912 = arith.constant 9 : i32
    %dma_start3A_913 = arith.constant 3 : i32
    %dma_start3A_914 = arith.constant 3 : i32
    %dma_start3A_915 = arith.constant 0 : i32
    %dma_start3A_916 = arith.constant 0 : i32
    %dma_start3A_917 = tpu.memref_slice %arg7[%dma_start3A_913, %dma_start3A_915, %dma_start3A_916] : memref<6x128x128xf32, #tpu.memory_space<vmem>> -> memref<1x128x128xf32, #tpu.memory_space<vmem>>
    %dma_start3A_918 = tpu.memref_squeeze %dma_start3A_917 : memref<1x128x128xf32, #tpu.memory_space<vmem>> -> memref<128x128xf32, #tpu.memory_space<vmem>>
    %dma_start3A_919 = arith.constant 0 : i32
    %dma_start3A_920 = tpu.memref_slice %arg6[%dma_start3A_912, %dma_start3A_919] : memref<16x128xi32, #tpu.memory_space<vmem>> -> memref<1x128xi32, #tpu.memory_space<vmem>>
    %dma_start3A_921 = tpu.memref_squeeze %dma_start3A_920 : memref<1x128xi32, #tpu.memory_space<vmem>> -> memref<128xi32, #tpu.memory_space<vmem>>
    %dma_start3A_922 = arith.constant 0 : i32
    %dma_start3A_923 = arith.constant 0 : i32
    %dma_start3A_924 = tpu.memref_slice %arg3[%dma_start3A_922, %dma_start3A_923] : memref<100000x128xf32, #tpu.memory_space<hbm>> -> memref<100000x128xf32, #tpu.memory_space<hbm>>
    %dma_start3A_925 = tpu.memref_slice %arg9[%dma_start3A_914] : memref<6x!tpu.dma_semaphore, #tpu.memory_space<semaphore_mem>> -> memref<1x!tpu.dma_semaphore, #tpu.memory_space<semaphore_mem>>
    %dma_start3A_926 = tpu.memref_squeeze %dma_start3A_925 : memref<1x!tpu.dma_semaphore, #tpu.memory_space<semaphore_mem>> -> memref<!tpu.dma_semaphore, #tpu.memory_space<semaphore_mem>>
    tpu.enqueue_indirect_dma source(%dma_start3A_924 : memref<100000x128xf32, #tpu.memory_space<hbm>>) target(%dma_start3A_918 : memref<128x128xf32, #tpu.memory_space<vmem>>) offsets(%dma_start3A_921 : memref<128xi32, #tpu.memory_space<vmem>>) semaphore(%dma_start3A_926 : memref<!tpu.dma_semaphore, #tpu.memory_space<semaphore_mem>>) {add = true}
    %dma_wait3A_927 = arith.constant 6 : i32
    %dma_wait3A_928 = arith.constant 0 : i32
    %dma_wait3A_929 = arith.constant 0 : i32
    %dma_wait3A_930 = arith.constant 0 : i32
    %dma_wait3A_931 = arith.constant 0 : i32
    %dma_wait3A_932 = tpu.memref_slice %arg7[%dma_wait3A_928, %dma_wait3A_930, %dma_wait3A_931] : memref<6x128x128xf32, #tpu.memory_space<vmem>> -> memref<1x128x128xf32, #tpu.memory_space<vmem>>
    %dma_wait3A_933 = tpu.memref_squeeze %dma_wait3A_932 : memref<1x128x128xf32, #tpu.memory_space<vmem>> -> memref<128x128xf32, #tpu.memory_space<vmem>>
    %dma_wait3A_934 = arith.constant 0 : i32
    %dma_wait3A_935 = tpu.memref_slice %arg6[%dma_wait3A_927, %dma_wait3A_934] : memref<16x128xi32, #tpu.memory_space<vmem>> -> memref<1x128xi32, #tpu.memory_space<vmem>>
    %dma_wait3A_936 = tpu.memref_squeeze %dma_wait3A_935 : memref<1x128xi32, #tpu.memory_space<vmem>> -> memref<128xi32, #tpu.memory_space<vmem>>
    %dma_wait3A_937 = arith.constant 0 : i32
    %dma_wait3A_938 = arith.constant 0 : i32
    %dma_wait3A_939 = tpu.memref_slice %arg3[%dma_wait3A_937, %dma_wait3A_938] : memref<100000x128xf32, #tpu.memory_space<hbm>> -> memref<100000x128xf32, #tpu.memory_space<hbm>>
    %dma_wait3A_940 = tpu.memref_slice %arg9[%dma_wait3A_929] : memref<6x!tpu.dma_semaphore, #tpu.memory_space<semaphore_mem>> -> memref<1x!tpu.dma_semaphore, #tpu.memory_space<semaphore_mem>>
    %dma_wait3A_941 = tpu.memref_squeeze %dma_wait3A_940 : memref<1x!tpu.dma_semaphore, #tpu.memory_space<semaphore_mem>> -> memref<!tpu.dma_semaphore, #tpu.memory_space<semaphore_mem>>
    tpu.wait_indirect_dma semaphore(%dma_wait3A_941 : memref<!tpu.dma_semaphore, #tpu.memory_space<semaphore_mem>>) src(%dma_wait3A_939 : memref<100000x128xf32, #tpu.memory_space<hbm>>) dst(%dma_wait3A_933 : memref<128x128xf32, #tpu.memory_space<vmem>>)
    %dma_start3A_942 = arith.constant 0 : i32
    %dma_start3A_943 = arith.constant 6 : i32
    %dma_start3A_944 = arith.constant 0 : i32
    %dma_start3A_945 = arith.constant 0 : i32
    %dma_start3A_946 = arith.constant 0 : i32
    %dma_start3A_947 = tpu.memref_slice %arg7[%dma_start3A_942, %dma_start3A_945, %dma_start3A_946] : memref<6x128x128xf32, #tpu.memory_space<vmem>> -> memref<1x128x128xf32, #tpu.memory_space<vmem>>
    %dma_start3A_948 = tpu.memref_squeeze %dma_start3A_947 : memref<1x128x128xf32, #tpu.memory_space<vmem>> -> memref<128x128xf32, #tpu.memory_space<vmem>>
    %dma_start3A_949 = arith.constant 0 : i32
    %dma_start3A_950 = arith.constant 0 : i32
    %dma_start3A_951 = tpu.memref_slice %arg5[%add3A, %dma_start3A_943, %dma_start3A_949, %dma_start3A_950] : memref<32x16x128x128xf32, #tpu.memory_space<hbm>> -> memref<1x1x128x128xf32, #tpu.memory_space<hbm>>
    %dma_start3A_952 = tpu.memref_squeeze %dma_start3A_951 : memref<1x1x128x128xf32, #tpu.memory_space<hbm>> -> memref<128x128xf32, #tpu.memory_space<hbm>>
    %dma_start3A_953 = tpu.memref_slice %arg11[%dma_start3A_944] : memref<6x!tpu.dma_semaphore, #tpu.memory_space<semaphore_mem>> -> memref<1x!tpu.dma_semaphore, #tpu.memory_space<semaphore_mem>>
    %dma_start3A_954 = tpu.memref_squeeze %dma_start3A_953 : memref<1x!tpu.dma_semaphore, #tpu.memory_space<semaphore_mem>> -> memref<!tpu.dma_semaphore, #tpu.memory_space<semaphore_mem>>
    %dma_start3A_955 = arith.constant 0 : i32
    %dma_start3A_956 = arith.constant 0 : i32
    %dma_start3A_957 = tpu.memref_slice %arg5[%add3A, %dma_start3A_943, %dma_start3A_955, %dma_start3A_956] : memref<32x16x128x128xf32, #tpu.memory_space<hbm>> -> memref<1x1x128x128xf32, #tpu.memory_space<hbm>>
    %dma_start3A_958 = tpu.memref_squeeze %dma_start3A_957 : memref<1x1x128x128xf32, #tpu.memory_space<hbm>> -> memref<128x128xf32, #tpu.memory_space<hbm>>
    %dma_start3A_959 = arith.constant 0 : i32
    %dma_start3A_960 = arith.constant 0 : i32
    %dma_start3A_961 = tpu.memref_slice %arg7[%dma_start3A_942, %dma_start3A_959, %dma_start3A_960] : memref<6x128x128xf32, #tpu.memory_space<vmem>> -> memref<1x128x128xf32, #tpu.memory_space<vmem>>
    %dma_start3A_962 = tpu.memref_squeeze %dma_start3A_961 : memref<1x128x128xf32, #tpu.memory_space<vmem>> -> memref<128x128xf32, #tpu.memory_space<vmem>>
    tpu.enqueue_dma source(%dma_start3A_962 : memref<128x128xf32, #tpu.memory_space<vmem>>) target(%dma_start3A_958 : memref<128x128xf32, #tpu.memory_space<hbm>>) target_semaphore(%dma_start3A_954 : memref<!tpu.dma_semaphore, #tpu.memory_space<semaphore_mem>>)
    %dma_wait3A_963 = arith.constant 5 : i32
    %dma_wait3A_964 = arith.constant 5 : i32
    %dma_wait3A_965 = arith.constant 5 : i32
    %dma_wait3A_966 = arith.constant 0 : i32
    %dma_wait3A_967 = arith.constant 0 : i32
    %dma_wait3A_968 = tpu.memref_slice %arg7[%dma_wait3A_963, %dma_wait3A_966, %dma_wait3A_967] : memref<6x128x128xf32, #tpu.memory_space<vmem>> -> memref<1x128x128xf32, #tpu.memory_space<vmem>>
    %dma_wait3A_969 = tpu.memref_squeeze %dma_wait3A_968 : memref<1x128x128xf32, #tpu.memory_space<vmem>> -> memref<128x128xf32, #tpu.memory_space<vmem>>
    %dma_wait3A_970 = arith.constant 0 : i32
    %dma_wait3A_971 = arith.constant 0 : i32
    %dma_wait3A_972 = tpu.memref_slice %arg5[%add3A, %dma_wait3A_964, %dma_wait3A_970, %dma_wait3A_971] : memref<32x16x128x128xf32, #tpu.memory_space<hbm>> -> memref<1x1x128x128xf32, #tpu.memory_space<hbm>>
    %dma_wait3A_973 = tpu.memref_squeeze %dma_wait3A_972 : memref<1x1x128x128xf32, #tpu.memory_space<hbm>> -> memref<128x128xf32, #tpu.memory_space<hbm>>
    %dma_wait3A_974 = tpu.memref_slice %arg11[%dma_wait3A_965] : memref<6x!tpu.dma_semaphore, #tpu.memory_space<semaphore_mem>> -> memref<1x!tpu.dma_semaphore, #tpu.memory_space<semaphore_mem>>
    %dma_wait3A_975 = tpu.memref_squeeze %dma_wait3A_974 : memref<1x!tpu.dma_semaphore, #tpu.memory_space<semaphore_mem>> -> memref<!tpu.dma_semaphore, #tpu.memory_space<semaphore_mem>>
    %dma_wait3A_976 = arith.constant 0 : i32
    %dma_wait3A_977 = arith.constant 0 : i32
    %dma_wait3A_978 = tpu.memref_slice %arg5[%add3A, %dma_wait3A_964, %dma_wait3A_976, %dma_wait3A_977] : memref<32x16x128x128xf32, #tpu.memory_space<hbm>> -> memref<1x1x128x128xf32, #tpu.memory_space<hbm>>
    %dma_wait3A_979 = tpu.memref_squeeze %dma_wait3A_978 : memref<1x1x128x128xf32, #tpu.memory_space<hbm>> -> memref<128x128xf32, #tpu.memory_space<hbm>>
    %dma_wait3A_980 = arith.constant 0 : i32
    %dma_wait3A_981 = arith.constant 0 : i32
    %dma_wait3A_982 = tpu.memref_slice %arg7[%dma_wait3A_963, %dma_wait3A_980, %dma_wait3A_981] : memref<6x128x128xf32, #tpu.memory_space<vmem>> -> memref<1x128x128xf32, #tpu.memory_space<vmem>>
    %dma_wait3A_983 = tpu.memref_squeeze %dma_wait3A_982 : memref<1x128x128xf32, #tpu.memory_space<vmem>> -> memref<128x128xf32, #tpu.memory_space<vmem>>
    tpu.wait_dma2 semaphore(%dma_wait3A_975 : memref<!tpu.dma_semaphore, #tpu.memory_space<semaphore_mem>>) src(%dma_wait3A_983 : memref<128x128xf32, #tpu.memory_space<vmem>>) dst(%dma_wait3A_979 : memref<128x128xf32, #tpu.memory_space<hbm>>)
    %dma_start3A_984 = arith.constant 11 : i32
    %dma_start3A_985 = arith.constant 5 : i32
    %dma_start3A_986 = arith.constant 5 : i32
    %dma_start3A_987 = arith.constant 0 : i32
    %dma_start3A_988 = arith.constant 0 : i32
    %dma_start3A_989 = tpu.memref_slice %arg7[%dma_start3A_985, %dma_start3A_987, %dma_start3A_988] : memref<6x128x128xf32, #tpu.memory_space<vmem>> -> memref<1x128x128xf32, #tpu.memory_space<vmem>>
    %dma_start3A_990 = tpu.memref_squeeze %dma_start3A_989 : memref<1x128x128xf32, #tpu.memory_space<vmem>> -> memref<128x128xf32, #tpu.memory_space<vmem>>
    %dma_start3A_991 = arith.constant 0 : i32
    %dma_start3A_992 = arith.constant 0 : i32
    %dma_start3A_993 = tpu.memref_slice %arg8[%dma_start3A_984, %dma_start3A_991, %dma_start3A_992] : memref<16x128x128xf32, #tpu.memory_space<vmem_shared>> -> memref<1x128x128xf32, #tpu.memory_space<vmem_shared>>
    %dma_start3A_994 = tpu.memref_squeeze %dma_start3A_993 : memref<1x128x128xf32, #tpu.memory_space<vmem_shared>> -> memref<128x128xf32, #tpu.memory_space<vmem_shared>>
    %dma_start3A_995 = tpu.memref_slice %arg10[%dma_start3A_986] : memref<6x!tpu.dma_semaphore, #tpu.memory_space<semaphore_mem>> -> memref<1x!tpu.dma_semaphore, #tpu.memory_space<semaphore_mem>>
    %dma_start3A_996 = tpu.memref_squeeze %dma_start3A_995 : memref<1x!tpu.dma_semaphore, #tpu.memory_space<semaphore_mem>> -> memref<!tpu.dma_semaphore, #tpu.memory_space<semaphore_mem>>
    %dma_start3A_997 = arith.constant 0 : i32
    %dma_start3A_998 = arith.constant 0 : i32
    %dma_start3A_999 = tpu.memref_slice %arg7[%dma_start3A_985, %dma_start3A_997, %dma_start3A_998] : memref<6x128x128xf32, #tpu.memory_space<vmem>> -> memref<1x128x128xf32, #tpu.memory_space<vmem>>
    %dma_start3A_1000 = tpu.memref_squeeze %dma_start3A_999 : memref<1x128x128xf32, #tpu.memory_space<vmem>> -> memref<128x128xf32, #tpu.memory_space<vmem>>
    %dma_start3A_1001 = arith.constant 0 : i32
    %dma_start3A_1002 = arith.constant 0 : i32
    %dma_start3A_1003 = tpu.memref_slice %arg8[%dma_start3A_984, %dma_start3A_1001, %dma_start3A_1002] : memref<16x128x128xf32, #tpu.memory_space<vmem_shared>> -> memref<1x128x128xf32, #tpu.memory_space<vmem_shared>>
    %dma_start3A_1004 = tpu.memref_squeeze %dma_start3A_1003 : memref<1x128x128xf32, #tpu.memory_space<vmem_shared>> -> memref<128x128xf32, #tpu.memory_space<vmem_shared>>
    tpu.enqueue_dma source(%dma_start3A_1004 : memref<128x128xf32, #tpu.memory_space<vmem_shared>>) target(%dma_start3A_1000 : memref<128x128xf32, #tpu.memory_space<vmem>>) target_semaphore(%dma_start3A_996 : memref<!tpu.dma_semaphore, #tpu.memory_space<semaphore_mem>>)
    %dma_wait3A_1005 = arith.constant 10 : i32
    %dma_wait3A_1006 = arith.constant 4 : i32
    %dma_wait3A_1007 = arith.constant 4 : i32
    %dma_wait3A_1008 = arith.constant 0 : i32
    %dma_wait3A_1009 = arith.constant 0 : i32
    %dma_wait3A_1010 = tpu.memref_slice %arg7[%dma_wait3A_1006, %dma_wait3A_1008, %dma_wait3A_1009] : memref<6x128x128xf32, #tpu.memory_space<vmem>> -> memref<1x128x128xf32, #tpu.memory_space<vmem>>
    %dma_wait3A_1011 = tpu.memref_squeeze %dma_wait3A_1010 : memref<1x128x128xf32, #tpu.memory_space<vmem>> -> memref<128x128xf32, #tpu.memory_space<vmem>>
    %dma_wait3A_1012 = arith.constant 0 : i32
    %dma_wait3A_1013 = arith.constant 0 : i32
    %dma_wait3A_1014 = tpu.memref_slice %arg8[%dma_wait3A_1005, %dma_wait3A_1012, %dma_wait3A_1013] : memref<16x128x128xf32, #tpu.memory_space<vmem_shared>> -> memref<1x128x128xf32, #tpu.memory_space<vmem_shared>>
    %dma_wait3A_1015 = tpu.memref_squeeze %dma_wait3A_1014 : memref<1x128x128xf32, #tpu.memory_space<vmem_shared>> -> memref<128x128xf32, #tpu.memory_space<vmem_shared>>
    %dma_wait3A_1016 = tpu.memref_slice %arg10[%dma_wait3A_1007] : memref<6x!tpu.dma_semaphore, #tpu.memory_space<semaphore_mem>> -> memref<1x!tpu.dma_semaphore, #tpu.memory_space<semaphore_mem>>
    %dma_wait3A_1017 = tpu.memref_squeeze %dma_wait3A_1016 : memref<1x!tpu.dma_semaphore, #tpu.memory_space<semaphore_mem>> -> memref<!tpu.dma_semaphore, #tpu.memory_space<semaphore_mem>>
    %dma_wait3A_1018 = arith.constant 0 : i32
    %dma_wait3A_1019 = arith.constant 0 : i32
    %dma_wait3A_1020 = tpu.memref_slice %arg7[%dma_wait3A_1006, %dma_wait3A_1018, %dma_wait3A_1019] : memref<6x128x128xf32, #tpu.memory_space<vmem>> -> memref<1x128x128xf32, #tpu.memory_space<vmem>>
    %dma_wait3A_1021 = tpu.memref_squeeze %dma_wait3A_1020 : memref<1x128x128xf32, #tpu.memory_space<vmem>> -> memref<128x128xf32, #tpu.memory_space<vmem>>
    %dma_wait3A_1022 = arith.constant 0 : i32
    %dma_wait3A_1023 = arith.constant 0 : i32
    %dma_wait3A_1024 = tpu.memref_slice %arg8[%dma_wait3A_1005, %dma_wait3A_1022, %dma_wait3A_1023] : memref<16x128x128xf32, #tpu.memory_space<vmem_shared>> -> memref<1x128x128xf32, #tpu.memory_space<vmem_shared>>
    %dma_wait3A_1025 = tpu.memref_squeeze %dma_wait3A_1024 : memref<1x128x128xf32, #tpu.memory_space<vmem_shared>> -> memref<128x128xf32, #tpu.memory_space<vmem_shared>>
    tpu.wait_dma2 semaphore(%dma_wait3A_1017 : memref<!tpu.dma_semaphore, #tpu.memory_space<semaphore_mem>>) src(%dma_wait3A_1025 : memref<128x128xf32, #tpu.memory_space<vmem_shared>>) dst(%dma_wait3A_1021 : memref<128x128xf32, #tpu.memory_space<vmem>>)
    %dma_start3A_1026 = arith.constant 10 : i32
    %dma_start3A_1027 = arith.constant 4 : i32
    %dma_start3A_1028 = arith.constant 4 : i32
    %dma_start3A_1029 = arith.constant 0 : i32
    %dma_start3A_1030 = arith.constant 0 : i32
    %dma_start3A_1031 = tpu.memref_slice %arg7[%dma_start3A_1027, %dma_start3A_1029, %dma_start3A_1030] : memref<6x128x128xf32, #tpu.memory_space<vmem>> -> memref<1x128x128xf32, #tpu.memory_space<vmem>>
    %dma_start3A_1032 = tpu.memref_squeeze %dma_start3A_1031 : memref<1x128x128xf32, #tpu.memory_space<vmem>> -> memref<128x128xf32, #tpu.memory_space<vmem>>
    %dma_start3A_1033 = arith.constant 0 : i32
    %dma_start3A_1034 = tpu.memref_slice %arg6[%dma_start3A_1026, %dma_start3A_1033] : memref<16x128xi32, #tpu.memory_space<vmem>> -> memref<1x128xi32, #tpu.memory_space<vmem>>
    %dma_start3A_1035 = tpu.memref_squeeze %dma_start3A_1034 : memref<1x128xi32, #tpu.memory_space<vmem>> -> memref<128xi32, #tpu.memory_space<vmem>>
    %dma_start3A_1036 = arith.constant 0 : i32
    %dma_start3A_1037 = arith.constant 0 : i32
    %dma_start3A_1038 = tpu.memref_slice %arg3[%dma_start3A_1036, %dma_start3A_1037] : memref<100000x128xf32, #tpu.memory_space<hbm>> -> memref<100000x128xf32, #tpu.memory_space<hbm>>
    %dma_start3A_1039 = tpu.memref_slice %arg9[%dma_start3A_1028] : memref<6x!tpu.dma_semaphore, #tpu.memory_space<semaphore_mem>> -> memref<1x!tpu.dma_semaphore, #tpu.memory_space<semaphore_mem>>
    %dma_start3A_1040 = tpu.memref_squeeze %dma_start3A_1039 : memref<1x!tpu.dma_semaphore, #tpu.memory_space<semaphore_mem>> -> memref<!tpu.dma_semaphore, #tpu.memory_space<semaphore_mem>>
    tpu.enqueue_indirect_dma source(%dma_start3A_1038 : memref<100000x128xf32, #tpu.memory_space<hbm>>) target(%dma_start3A_1032 : memref<128x128xf32, #tpu.memory_space<vmem>>) offsets(%dma_start3A_1035 : memref<128xi32, #tpu.memory_space<vmem>>) semaphore(%dma_start3A_1040 : memref<!tpu.dma_semaphore, #tpu.memory_space<semaphore_mem>>) {add = true}
    %dma_wait3A_1041 = arith.constant 7 : i32
    %dma_wait3A_1042 = arith.constant 1 : i32
    %dma_wait3A_1043 = arith.constant 1 : i32
    %dma_wait3A_1044 = arith.constant 0 : i32
    %dma_wait3A_1045 = arith.constant 0 : i32
    %dma_wait3A_1046 = tpu.memref_slice %arg7[%dma_wait3A_1042, %dma_wait3A_1044, %dma_wait3A_1045] : memref<6x128x128xf32, #tpu.memory_space<vmem>> -> memref<1x128x128xf32, #tpu.memory_space<vmem>>
    %dma_wait3A_1047 = tpu.memref_squeeze %dma_wait3A_1046 : memref<1x128x128xf32, #tpu.memory_space<vmem>> -> memref<128x128xf32, #tpu.memory_space<vmem>>
    %dma_wait3A_1048 = arith.constant 0 : i32
    %dma_wait3A_1049 = tpu.memref_slice %arg6[%dma_wait3A_1041, %dma_wait3A_1048] : memref<16x128xi32, #tpu.memory_space<vmem>> -> memref<1x128xi32, #tpu.memory_space<vmem>>
    %dma_wait3A_1050 = tpu.memref_squeeze %dma_wait3A_1049 : memref<1x128xi32, #tpu.memory_space<vmem>> -> memref<128xi32, #tpu.memory_space<vmem>>
    %dma_wait3A_1051 = arith.constant 0 : i32
    %dma_wait3A_1052 = arith.constant 0 : i32
    %dma_wait3A_1053 = tpu.memref_slice %arg3[%dma_wait3A_1051, %dma_wait3A_1052] : memref<100000x128xf32, #tpu.memory_space<hbm>> -> memref<100000x128xf32, #tpu.memory_space<hbm>>
    %dma_wait3A_1054 = tpu.memref_slice %arg9[%dma_wait3A_1043] : memref<6x!tpu.dma_semaphore, #tpu.memory_space<semaphore_mem>> -> memref<1x!tpu.dma_semaphore, #tpu.memory_space<semaphore_mem>>
    %dma_wait3A_1055 = tpu.memref_squeeze %dma_wait3A_1054 : memref<1x!tpu.dma_semaphore, #tpu.memory_space<semaphore_mem>> -> memref<!tpu.dma_semaphore, #tpu.memory_space<semaphore_mem>>
    tpu.wait_indirect_dma semaphore(%dma_wait3A_1055 : memref<!tpu.dma_semaphore, #tpu.memory_space<semaphore_mem>>) src(%dma_wait3A_1053 : memref<100000x128xf32, #tpu.memory_space<hbm>>) dst(%dma_wait3A_1047 : memref<128x128xf32, #tpu.memory_space<vmem>>)
    %dma_start3A_1056 = arith.constant 1 : i32
    %dma_start3A_1057 = arith.constant 7 : i32
    %dma_start3A_1058 = arith.constant 1 : i32
    %dma_start3A_1059 = arith.constant 0 : i32
    %dma_start3A_1060 = arith.constant 0 : i32
    %dma_start3A_1061 = tpu.memref_slice %arg7[%dma_start3A_1056, %dma_start3A_1059, %dma_start3A_1060] : memref<6x128x128xf32, #tpu.memory_space<vmem>> -> memref<1x128x128xf32, #tpu.memory_space<vmem>>
    %dma_start3A_1062 = tpu.memref_squeeze %dma_start3A_1061 : memref<1x128x128xf32, #tpu.memory_space<vmem>> -> memref<128x128xf32, #tpu.memory_space<vmem>>
    %dma_start3A_1063 = arith.constant 0 : i32
    %dma_start3A_1064 = arith.constant 0 : i32
    %dma_start3A_1065 = tpu.memref_slice %arg5[%add3A, %dma_start3A_1057, %dma_start3A_1063, %dma_start3A_1064] : memref<32x16x128x128xf32, #tpu.memory_space<hbm>> -> memref<1x1x128x128xf32, #tpu.memory_space<hbm>>
    %dma_start3A_1066 = tpu.memref_squeeze %dma_start3A_1065 : memref<1x1x128x128xf32, #tpu.memory_space<hbm>> -> memref<128x128xf32, #tpu.memory_space<hbm>>
    %dma_start3A_1067 = tpu.memref_slice %arg11[%dma_start3A_1058] : memref<6x!tpu.dma_semaphore, #tpu.memory_space<semaphore_mem>> -> memref<1x!tpu.dma_semaphore, #tpu.memory_space<semaphore_mem>>
    %dma_start3A_1068 = tpu.memref_squeeze %dma_start3A_1067 : memref<1x!tpu.dma_semaphore, #tpu.memory_space<semaphore_mem>> -> memref<!tpu.dma_semaphore, #tpu.memory_space<semaphore_mem>>
    %dma_start3A_1069 = arith.constant 0 : i32
    %dma_start3A_1070 = arith.constant 0 : i32
    %dma_start3A_1071 = tpu.memref_slice %arg5[%add3A, %dma_start3A_1057, %dma_start3A_1069, %dma_start3A_1070] : memref<32x16x128x128xf32, #tpu.memory_space<hbm>> -> memref<1x1x128x128xf32, #tpu.memory_space<hbm>>
    %dma_start3A_1072 = tpu.memref_squeeze %dma_start3A_1071 : memref<1x1x128x128xf32, #tpu.memory_space<hbm>> -> memref<128x128xf32, #tpu.memory_space<hbm>>
    %dma_start3A_1073 = arith.constant 0 : i32
    %dma_start3A_1074 = arith.constant 0 : i32
    %dma_start3A_1075 = tpu.memref_slice %arg7[%dma_start3A_1056, %dma_start3A_1073, %dma_start3A_1074] : memref<6x128x128xf32, #tpu.memory_space<vmem>> -> memref<1x128x128xf32, #tpu.memory_space<vmem>>
    %dma_start3A_1076 = tpu.memref_squeeze %dma_start3A_1075 : memref<1x128x128xf32, #tpu.memory_space<vmem>> -> memref<128x128xf32, #tpu.memory_space<vmem>>
    tpu.enqueue_dma source(%dma_start3A_1076 : memref<128x128xf32, #tpu.memory_space<vmem>>) target(%dma_start3A_1072 : memref<128x128xf32, #tpu.memory_space<hbm>>) target_semaphore(%dma_start3A_1068 : memref<!tpu.dma_semaphore, #tpu.memory_space<semaphore_mem>>)
    %dma_wait3A_1077 = arith.constant 0 : i32
    %dma_wait3A_1078 = arith.constant 6 : i32
    %dma_wait3A_1079 = arith.constant 0 : i32
    %dma_wait3A_1080 = arith.constant 0 : i32
    %dma_wait3A_1081 = arith.constant 0 : i32
    %dma_wait3A_1082 = tpu.memref_slice %arg7[%dma_wait3A_1077, %dma_wait3A_1080, %dma_wait3A_1081] : memref<6x128x128xf32, #tpu.memory_space<vmem>> -> memref<1x128x128xf32, #tpu.memory_space<vmem>>
    %dma_wait3A_1083 = tpu.memref_squeeze %dma_wait3A_1082 : memref<1x128x128xf32, #tpu.memory_space<vmem>> -> memref<128x128xf32, #tpu.memory_space<vmem>>
    %dma_wait3A_1084 = arith.constant 0 : i32
    %dma_wait3A_1085 = arith.constant 0 : i32
    %dma_wait3A_1086 = tpu.memref_slice %arg5[%add3A, %dma_wait3A_1078, %dma_wait3A_1084, %dma_wait3A_1085] : memref<32x16x128x128xf32, #tpu.memory_space<hbm>> -> memref<1x1x128x128xf32, #tpu.memory_space<hbm>>
    %dma_wait3A_1087 = tpu.memref_squeeze %dma_wait3A_1086 : memref<1x1x128x128xf32, #tpu.memory_space<hbm>> -> memref<128x128xf32, #tpu.memory_space<hbm>>
    %dma_wait3A_1088 = tpu.memref_slice %arg11[%dma_wait3A_1079] : memref<6x!tpu.dma_semaphore, #tpu.memory_space<semaphore_mem>> -> memref<1x!tpu.dma_semaphore, #tpu.memory_space<semaphore_mem>>
    %dma_wait3A_1089 = tpu.memref_squeeze %dma_wait3A_1088 : memref<1x!tpu.dma_semaphore, #tpu.memory_space<semaphore_mem>> -> memref<!tpu.dma_semaphore, #tpu.memory_space<semaphore_mem>>
    %dma_wait3A_1090 = arith.constant 0 : i32
    %dma_wait3A_1091 = arith.constant 0 : i32
    %dma_wait3A_1092 = tpu.memref_slice %arg5[%add3A, %dma_wait3A_1078, %dma_wait3A_1090, %dma_wait3A_1091] : memref<32x16x128x128xf32, #tpu.memory_space<hbm>> -> memref<1x1x128x128xf32, #tpu.memory_space<hbm>>
    %dma_wait3A_1093 = tpu.memref_squeeze %dma_wait3A_1092 : memref<1x1x128x128xf32, #tpu.memory_space<hbm>> -> memref<128x128xf32, #tpu.memory_space<hbm>>
    %dma_wait3A_1094 = arith.constant 0 : i32
    %dma_wait3A_1095 = arith.constant 0 : i32
    %dma_wait3A_1096 = tpu.memref_slice %arg7[%dma_wait3A_1077, %dma_wait3A_1094, %dma_wait3A_1095] : memref<6x128x128xf32, #tpu.memory_space<vmem>> -> memref<1x128x128xf32, #tpu.memory_space<vmem>>
    %dma_wait3A_1097 = tpu.memref_squeeze %dma_wait3A_1096 : memref<1x128x128xf32, #tpu.memory_space<vmem>> -> memref<128x128xf32, #tpu.memory_space<vmem>>
    tpu.wait_dma2 semaphore(%dma_wait3A_1089 : memref<!tpu.dma_semaphore, #tpu.memory_space<semaphore_mem>>) src(%dma_wait3A_1097 : memref<128x128xf32, #tpu.memory_space<vmem>>) dst(%dma_wait3A_1093 : memref<128x128xf32, #tpu.memory_space<hbm>>)
    %dma_start3A_1098 = arith.constant 12 : i32
    %dma_start3A_1099 = arith.constant 0 : i32
    %dma_start3A_1100 = arith.constant 0 : i32
    %dma_start3A_1101 = arith.constant 0 : i32
    %dma_start3A_1102 = arith.constant 0 : i32
    %dma_start3A_1103 = tpu.memref_slice %arg7[%dma_start3A_1099, %dma_start3A_1101, %dma_start3A_1102] : memref<6x128x128xf32, #tpu.memory_space<vmem>> -> memref<1x128x128xf32, #tpu.memory_space<vmem>>
    %dma_start3A_1104 = tpu.memref_squeeze %dma_start3A_1103 : memref<1x128x128xf32, #tpu.memory_space<vmem>> -> memref<128x128xf32, #tpu.memory_space<vmem>>
    %dma_start3A_1105 = arith.constant 0 : i32
    %dma_start3A_1106 = arith.constant 0 : i32
    %dma_start3A_1107 = tpu.memref_slice %arg8[%dma_start3A_1098, %dma_start3A_1105, %dma_start3A_1106] : memref<16x128x128xf32, #tpu.memory_space<vmem_shared>> -> memref<1x128x128xf32, #tpu.memory_space<vmem_shared>>
    %dma_start3A_1108 = tpu.memref_squeeze %dma_start3A_1107 : memref<1x128x128xf32, #tpu.memory_space<vmem_shared>> -> memref<128x128xf32, #tpu.memory_space<vmem_shared>>
    %dma_start3A_1109 = tpu.memref_slice %arg10[%dma_start3A_1100] : memref<6x!tpu.dma_semaphore, #tpu.memory_space<semaphore_mem>> -> memref<1x!tpu.dma_semaphore, #tpu.memory_space<semaphore_mem>>
    %dma_start3A_1110 = tpu.memref_squeeze %dma_start3A_1109 : memref<1x!tpu.dma_semaphore, #tpu.memory_space<semaphore_mem>> -> memref<!tpu.dma_semaphore, #tpu.memory_space<semaphore_mem>>
    %dma_start3A_1111 = arith.constant 0 : i32
    %dma_start3A_1112 = arith.constant 0 : i32
    %dma_start3A_1113 = tpu.memref_slice %arg7[%dma_start3A_1099, %dma_start3A_1111, %dma_start3A_1112] : memref<6x128x128xf32, #tpu.memory_space<vmem>> -> memref<1x128x128xf32, #tpu.memory_space<vmem>>
    %dma_start3A_1114 = tpu.memref_squeeze %dma_start3A_1113 : memref<1x128x128xf32, #tpu.memory_space<vmem>> -> memref<128x128xf32, #tpu.memory_space<vmem>>
    %dma_start3A_1115 = arith.constant 0 : i32
    %dma_start3A_1116 = arith.constant 0 : i32
    %dma_start3A_1117 = tpu.memref_slice %arg8[%dma_start3A_1098, %dma_start3A_1115, %dma_start3A_1116] : memref<16x128x128xf32, #tpu.memory_space<vmem_shared>> -> memref<1x128x128xf32, #tpu.memory_space<vmem_shared>>
    %dma_start3A_1118 = tpu.memref_squeeze %dma_start3A_1117 : memref<1x128x128xf32, #tpu.memory_space<vmem_shared>> -> memref<128x128xf32, #tpu.memory_space<vmem_shared>>
    tpu.enqueue_dma source(%dma_start3A_1118 : memref<128x128xf32, #tpu.memory_space<vmem_shared>>) target(%dma_start3A_1114 : memref<128x128xf32, #tpu.memory_space<vmem>>) target_semaphore(%dma_start3A_1110 : memref<!tpu.dma_semaphore, #tpu.memory_space<semaphore_mem>>)
    %dma_wait3A_1119 = arith.constant 11 : i32
    %dma_wait3A_1120 = arith.constant 5 : i32
    %dma_wait3A_1121 = arith.constant 5 : i32
    %dma_wait3A_1122 = arith.constant 0 : i32
    %dma_wait3A_1123 = arith.constant 0 : i32
    %dma_wait3A_1124 = tpu.memref_slice %arg7[%dma_wait3A_1120, %dma_wait3A_1122, %dma_wait3A_1123] : memref<6x128x128xf32, #tpu.memory_space<vmem>> -> memref<1x128x128xf32, #tpu.memory_space<vmem>>
    %dma_wait3A_1125 = tpu.memref_squeeze %dma_wait3A_1124 : memref<1x128x128xf32, #tpu.memory_space<vmem>> -> memref<128x128xf32, #tpu.memory_space<vmem>>
    %dma_wait3A_1126 = arith.constant 0 : i32
    %dma_wait3A_1127 = arith.constant 0 : i32
    %dma_wait3A_1128 = tpu.memref_slice %arg8[%dma_wait3A_1119, %dma_wait3A_1126, %dma_wait3A_1127] : memref<16x128x128xf32, #tpu.memory_space<vmem_shared>> -> memref<1x128x128xf32, #tpu.memory_space<vmem_shared>>
    %dma_wait3A_1129 = tpu.memref_squeeze %dma_wait3A_1128 : memref<1x128x128xf32, #tpu.memory_space<vmem_shared>> -> memref<128x128xf32, #tpu.memory_space<vmem_shared>>
    %dma_wait3A_1130 = tpu.memref_slice %arg10[%dma_wait3A_1121] : memref<6x!tpu.dma_semaphore, #tpu.memory_space<semaphore_mem>> -> memref<1x!tpu.dma_semaphore, #tpu.memory_space<semaphore_mem>>
    %dma_wait3A_1131 = tpu.memref_squeeze %dma_wait3A_1130 : memref<1x!tpu.dma_semaphore, #tpu.memory_space<semaphore_mem>> -> memref<!tpu.dma_semaphore, #tpu.memory_space<semaphore_mem>>
    %dma_wait3A_1132 = arith.constant 0 : i32
    %dma_wait3A_1133 = arith.constant 0 : i32
    %dma_wait3A_1134 = tpu.memref_slice %arg7[%dma_wait3A_1120, %dma_wait3A_1132, %dma_wait3A_1133] : memref<6x128x128xf32, #tpu.memory_space<vmem>> -> memref<1x128x128xf32, #tpu.memory_space<vmem>>
    %dma_wait3A_1135 = tpu.memref_squeeze %dma_wait3A_1134 : memref<1x128x128xf32, #tpu.memory_space<vmem>> -> memref<128x128xf32, #tpu.memory_space<vmem>>
    %dma_wait3A_1136 = arith.constant 0 : i32
    %dma_wait3A_1137 = arith.constant 0 : i32
    %dma_wait3A_1138 = tpu.memref_slice %arg8[%dma_wait3A_1119, %dma_wait3A_1136, %dma_wait3A_1137] : memref<16x128x128xf32, #tpu.memory_space<vmem_shared>> -> memref<1x128x128xf32, #tpu.memory_space<vmem_shared>>
    %dma_wait3A_1139 = tpu.memref_squeeze %dma_wait3A_1138 : memref<1x128x128xf32, #tpu.memory_space<vmem_shared>> -> memref<128x128xf32, #tpu.memory_space<vmem_shared>>
    tpu.wait_dma2 semaphore(%dma_wait3A_1131 : memref<!tpu.dma_semaphore, #tpu.memory_space<semaphore_mem>>) src(%dma_wait3A_1139 : memref<128x128xf32, #tpu.memory_space<vmem_shared>>) dst(%dma_wait3A_1135 : memref<128x128xf32, #tpu.memory_space<vmem>>)
    %dma_start3A_1140 = arith.constant 11 : i32
    %dma_start3A_1141 = arith.constant 5 : i32
    %dma_start3A_1142 = arith.constant 5 : i32
    %dma_start3A_1143 = arith.constant 0 : i32
    %dma_start3A_1144 = arith.constant 0 : i32
    %dma_start3A_1145 = tpu.memref_slice %arg7[%dma_start3A_1141, %dma_start3A_1143, %dma_start3A_1144] : memref<6x128x128xf32, #tpu.memory_space<vmem>> -> memref<1x128x128xf32, #tpu.memory_space<vmem>>
    %dma_start3A_1146 = tpu.memref_squeeze %dma_start3A_1145 : memref<1x128x128xf32, #tpu.memory_space<vmem>> -> memref<128x128xf32, #tpu.memory_space<vmem>>
    %dma_start3A_1147 = arith.constant 0 : i32
    %dma_start3A_1148 = tpu.memref_slice %arg6[%dma_start3A_1140, %dma_start3A_1147] : memref<16x128xi32, #tpu.memory_space<vmem>> -> memref<1x128xi32, #tpu.memory_space<vmem>>
    %dma_start3A_1149 = tpu.memref_squeeze %dma_start3A_1148 : memref<1x128xi32, #tpu.memory_space<vmem>> -> memref<128xi32, #tpu.memory_space<vmem>>
    %dma_start3A_1150 = arith.constant 0 : i32
    %dma_start3A_1151 = arith.constant 0 : i32
    %dma_start3A_1152 = tpu.memref_slice %arg3[%dma_start3A_1150, %dma_start3A_1151] : memref<100000x128xf32, #tpu.memory_space<hbm>> -> memref<100000x128xf32, #tpu.memory_space<hbm>>
    %dma_start3A_1153 = tpu.memref_slice %arg9[%dma_start3A_1142] : memref<6x!tpu.dma_semaphore, #tpu.memory_space<semaphore_mem>> -> memref<1x!tpu.dma_semaphore, #tpu.memory_space<semaphore_mem>>
    %dma_start3A_1154 = tpu.memref_squeeze %dma_start3A_1153 : memref<1x!tpu.dma_semaphore, #tpu.memory_space<semaphore_mem>> -> memref<!tpu.dma_semaphore, #tpu.memory_space<semaphore_mem>>
    tpu.enqueue_indirect_dma source(%dma_start3A_1152 : memref<100000x128xf32, #tpu.memory_space<hbm>>) target(%dma_start3A_1146 : memref<128x128xf32, #tpu.memory_space<vmem>>) offsets(%dma_start3A_1149 : memref<128xi32, #tpu.memory_space<vmem>>) semaphore(%dma_start3A_1154 : memref<!tpu.dma_semaphore, #tpu.memory_space<semaphore_mem>>) {add = true}
    %dma_wait3A_1155 = arith.constant 8 : i32
    %dma_wait3A_1156 = arith.constant 2 : i32
    %dma_wait3A_1157 = arith.constant 2 : i32
    %dma_wait3A_1158 = arith.constant 0 : i32
    %dma_wait3A_1159 = arith.constant 0 : i32
    %dma_wait3A_1160 = tpu.memref_slice %arg7[%dma_wait3A_1156, %dma_wait3A_1158, %dma_wait3A_1159] : memref<6x128x128xf32, #tpu.memory_space<vmem>> -> memref<1x128x128xf32, #tpu.memory_space<vmem>>
    %dma_wait3A_1161 = tpu.memref_squeeze %dma_wait3A_1160 : memref<1x128x128xf32, #tpu.memory_space<vmem>> -> memref<128x128xf32, #tpu.memory_space<vmem>>
    %dma_wait3A_1162 = arith.constant 0 : i32
    %dma_wait3A_1163 = tpu.memref_slice %arg6[%dma_wait3A_1155, %dma_wait3A_1162] : memref<16x128xi32, #tpu.memory_space<vmem>> -> memref<1x128xi32, #tpu.memory_space<vmem>>
    %dma_wait3A_1164 = tpu.memref_squeeze %dma_wait3A_1163 : memref<1x128xi32, #tpu.memory_space<vmem>> -> memref<128xi32, #tpu.memory_space<vmem>>
    %dma_wait3A_1165 = arith.constant 0 : i32
    %dma_wait3A_1166 = arith.constant 0 : i32
    %dma_wait3A_1167 = tpu.memref_slice %arg3[%dma_wait3A_1165, %dma_wait3A_1166] : memref<100000x128xf32, #tpu.memory_space<hbm>> -> memref<100000x128xf32, #tpu.memory_space<hbm>>
    %dma_wait3A_1168 = tpu.memref_slice %arg9[%dma_wait3A_1157] : memref<6x!tpu.dma_semaphore, #tpu.memory_space<semaphore_mem>> -> memref<1x!tpu.dma_semaphore, #tpu.memory_space<semaphore_mem>>
    %dma_wait3A_1169 = tpu.memref_squeeze %dma_wait3A_1168 : memref<1x!tpu.dma_semaphore, #tpu.memory_space<semaphore_mem>> -> memref<!tpu.dma_semaphore, #tpu.memory_space<semaphore_mem>>
    tpu.wait_indirect_dma semaphore(%dma_wait3A_1169 : memref<!tpu.dma_semaphore, #tpu.memory_space<semaphore_mem>>) src(%dma_wait3A_1167 : memref<100000x128xf32, #tpu.memory_space<hbm>>) dst(%dma_wait3A_1161 : memref<128x128xf32, #tpu.memory_space<vmem>>)
    %dma_start3A_1170 = arith.constant 2 : i32
    %dma_start3A_1171 = arith.constant 8 : i32
    %dma_start3A_1172 = arith.constant 2 : i32
    %dma_start3A_1173 = arith.constant 0 : i32
    %dma_start3A_1174 = arith.constant 0 : i32
    %dma_start3A_1175 = tpu.memref_slice %arg7[%dma_start3A_1170, %dma_start3A_1173, %dma_start3A_1174] : memref<6x128x128xf32, #tpu.memory_space<vmem>> -> memref<1x128x128xf32, #tpu.memory_space<vmem>>
    %dma_start3A_1176 = tpu.memref_squeeze %dma_start3A_1175 : memref<1x128x128xf32, #tpu.memory_space<vmem>> -> memref<128x128xf32, #tpu.memory_space<vmem>>
    %dma_start3A_1177 = arith.constant 0 : i32
    %dma_start3A_1178 = arith.constant 0 : i32
    %dma_start3A_1179 = tpu.memref_slice %arg5[%add3A, %dma_start3A_1171, %dma_start3A_1177, %dma_start3A_1178] : memref<32x16x128x128xf32, #tpu.memory_space<hbm>> -> memref<1x1x128x128xf32, #tpu.memory_space<hbm>>
    %dma_start3A_1180 = tpu.memref_squeeze %dma_start3A_1179 : memref<1x1x128x128xf32, #tpu.memory_space<hbm>> -> memref<128x128xf32, #tpu.memory_space<hbm>>
    %dma_start3A_1181 = tpu.memref_slice %arg11[%dma_start3A_1172] : memref<6x!tpu.dma_semaphore, #tpu.memory_space<semaphore_mem>> -> memref<1x!tpu.dma_semaphore, #tpu.memory_space<semaphore_mem>>
    %dma_start3A_1182 = tpu.memref_squeeze %dma_start3A_1181 : memref<1x!tpu.dma_semaphore, #tpu.memory_space<semaphore_mem>> -> memref<!tpu.dma_semaphore, #tpu.memory_space<semaphore_mem>>
    %dma_start3A_1183 = arith.constant 0 : i32
    %dma_start3A_1184 = arith.constant 0 : i32
    %dma_start3A_1185 = tpu.memref_slice %arg5[%add3A, %dma_start3A_1171, %dma_start3A_1183, %dma_start3A_1184] : memref<32x16x128x128xf32, #tpu.memory_space<hbm>> -> memref<1x1x128x128xf32, #tpu.memory_space<hbm>>
    %dma_start3A_1186 = tpu.memref_squeeze %dma_start3A_1185 : memref<1x1x128x128xf32, #tpu.memory_space<hbm>> -> memref<128x128xf32, #tpu.memory_space<hbm>>
    %dma_start3A_1187 = arith.constant 0 : i32
    %dma_start3A_1188 = arith.constant 0 : i32
    %dma_start3A_1189 = tpu.memref_slice %arg7[%dma_start3A_1170, %dma_start3A_1187, %dma_start3A_1188] : memref<6x128x128xf32, #tpu.memory_space<vmem>> -> memref<1x128x128xf32, #tpu.memory_space<vmem>>
    %dma_start3A_1190 = tpu.memref_squeeze %dma_start3A_1189 : memref<1x128x128xf32, #tpu.memory_space<vmem>> -> memref<128x128xf32, #tpu.memory_space<vmem>>
    tpu.enqueue_dma source(%dma_start3A_1190 : memref<128x128xf32, #tpu.memory_space<vmem>>) target(%dma_start3A_1186 : memref<128x128xf32, #tpu.memory_space<hbm>>) target_semaphore(%dma_start3A_1182 : memref<!tpu.dma_semaphore, #tpu.memory_space<semaphore_mem>>)
    %dma_wait3A_1191 = arith.constant 1 : i32
    %dma_wait3A_1192 = arith.constant 7 : i32
    %dma_wait3A_1193 = arith.constant 1 : i32
    %dma_wait3A_1194 = arith.constant 0 : i32
    %dma_wait3A_1195 = arith.constant 0 : i32
    %dma_wait3A_1196 = tpu.memref_slice %arg7[%dma_wait3A_1191, %dma_wait3A_1194, %dma_wait3A_1195] : memref<6x128x128xf32, #tpu.memory_space<vmem>> -> memref<1x128x128xf32, #tpu.memory_space<vmem>>
    %dma_wait3A_1197 = tpu.memref_squeeze %dma_wait3A_1196 : memref<1x128x128xf32, #tpu.memory_space<vmem>> -> memref<128x128xf32, #tpu.memory_space<vmem>>
    %dma_wait3A_1198 = arith.constant 0 : i32
    %dma_wait3A_1199 = arith.constant 0 : i32
    %dma_wait3A_1200 = tpu.memref_slice %arg5[%add3A, %dma_wait3A_1192, %dma_wait3A_1198, %dma_wait3A_1199] : memref<32x16x128x128xf32, #tpu.memory_space<hbm>> -> memref<1x1x128x128xf32, #tpu.memory_space<hbm>>
    %dma_wait3A_1201 = tpu.memref_squeeze %dma_wait3A_1200 : memref<1x1x128x128xf32, #tpu.memory_space<hbm>> -> memref<128x128xf32, #tpu.memory_space<hbm>>
    %dma_wait3A_1202 = tpu.memref_slice %arg11[%dma_wait3A_1193] : memref<6x!tpu.dma_semaphore, #tpu.memory_space<semaphore_mem>> -> memref<1x!tpu.dma_semaphore, #tpu.memory_space<semaphore_mem>>
    %dma_wait3A_1203 = tpu.memref_squeeze %dma_wait3A_1202 : memref<1x!tpu.dma_semaphore, #tpu.memory_space<semaphore_mem>> -> memref<!tpu.dma_semaphore, #tpu.memory_space<semaphore_mem>>
    %dma_wait3A_1204 = arith.constant 0 : i32
    %dma_wait3A_1205 = arith.constant 0 : i32
    %dma_wait3A_1206 = tpu.memref_slice %arg5[%add3A, %dma_wait3A_1192, %dma_wait3A_1204, %dma_wait3A_1205] : memref<32x16x128x128xf32, #tpu.memory_space<hbm>> -> memref<1x1x128x128xf32, #tpu.memory_space<hbm>>
    %dma_wait3A_1207 = tpu.memref_squeeze %dma_wait3A_1206 : memref<1x1x128x128xf32, #tpu.memory_space<hbm>> -> memref<128x128xf32, #tpu.memory_space<hbm>>
    %dma_wait3A_1208 = arith.constant 0 : i32
    %dma_wait3A_1209 = arith.constant 0 : i32
    %dma_wait3A_1210 = tpu.memref_slice %arg7[%dma_wait3A_1191, %dma_wait3A_1208, %dma_wait3A_1209] : memref<6x128x128xf32, #tpu.memory_space<vmem>> -> memref<1x128x128xf32, #tpu.memory_space<vmem>>
    %dma_wait3A_1211 = tpu.memref_squeeze %dma_wait3A_1210 : memref<1x128x128xf32, #tpu.memory_space<vmem>> -> memref<128x128xf32, #tpu.memory_space<vmem>>
    tpu.wait_dma2 semaphore(%dma_wait3A_1203 : memref<!tpu.dma_semaphore, #tpu.memory_space<semaphore_mem>>) src(%dma_wait3A_1211 : memref<128x128xf32, #tpu.memory_space<vmem>>) dst(%dma_wait3A_1207 : memref<128x128xf32, #tpu.memory_space<hbm>>)
    %dma_start3A_1212 = arith.constant 13 : i32
    %dma_start3A_1213 = arith.constant 1 : i32
    %dma_start3A_1214 = arith.constant 1 : i32
    %dma_start3A_1215 = arith.constant 0 : i32
    %dma_start3A_1216 = arith.constant 0 : i32
    %dma_start3A_1217 = tpu.memref_slice %arg7[%dma_start3A_1213, %dma_start3A_1215, %dma_start3A_1216] : memref<6x128x128xf32, #tpu.memory_space<vmem>> -> memref<1x128x128xf32, #tpu.memory_space<vmem>>
    %dma_start3A_1218 = tpu.memref_squeeze %dma_start3A_1217 : memref<1x128x128xf32, #tpu.memory_space<vmem>> -> memref<128x128xf32, #tpu.memory_space<vmem>>
    %dma_start3A_1219 = arith.constant 0 : i32
    %dma_start3A_1220 = arith.constant 0 : i32
    %dma_start3A_1221 = tpu.memref_slice %arg8[%dma_start3A_1212, %dma_start3A_1219, %dma_start3A_1220] : memref<16x128x128xf32, #tpu.memory_space<vmem_shared>> -> memref<1x128x128xf32, #tpu.memory_space<vmem_shared>>
    %dma_start3A_1222 = tpu.memref_squeeze %dma_start3A_1221 : memref<1x128x128xf32, #tpu.memory_space<vmem_shared>> -> memref<128x128xf32, #tpu.memory_space<vmem_shared>>
    %dma_start3A_1223 = tpu.memref_slice %arg10[%dma_start3A_1214] : memref<6x!tpu.dma_semaphore, #tpu.memory_space<semaphore_mem>> -> memref<1x!tpu.dma_semaphore, #tpu.memory_space<semaphore_mem>>
    %dma_start3A_1224 = tpu.memref_squeeze %dma_start3A_1223 : memref<1x!tpu.dma_semaphore, #tpu.memory_space<semaphore_mem>> -> memref<!tpu.dma_semaphore, #tpu.memory_space<semaphore_mem>>
    %dma_start3A_1225 = arith.constant 0 : i32
    %dma_start3A_1226 = arith.constant 0 : i32
    %dma_start3A_1227 = tpu.memref_slice %arg7[%dma_start3A_1213, %dma_start3A_1225, %dma_start3A_1226] : memref<6x128x128xf32, #tpu.memory_space<vmem>> -> memref<1x128x128xf32, #tpu.memory_space<vmem>>
    %dma_start3A_1228 = tpu.memref_squeeze %dma_start3A_1227 : memref<1x128x128xf32, #tpu.memory_space<vmem>> -> memref<128x128xf32, #tpu.memory_space<vmem>>
    %dma_start3A_1229 = arith.constant 0 : i32
    %dma_start3A_1230 = arith.constant 0 : i32
    %dma_start3A_1231 = tpu.memref_slice %arg8[%dma_start3A_1212, %dma_start3A_1229, %dma_start3A_1230] : memref<16x128x128xf32, #tpu.memory_space<vmem_shared>> -> memref<1x128x128xf32, #tpu.memory_space<vmem_shared>>
    %dma_start3A_1232 = tpu.memref_squeeze %dma_start3A_1231 : memref<1x128x128xf32, #tpu.memory_space<vmem_shared>> -> memref<128x128xf32, #tpu.memory_space<vmem_shared>>
    tpu.enqueue_dma source(%dma_start3A_1232 : memref<128x128xf32, #tpu.memory_space<vmem_shared>>) target(%dma_start3A_1228 : memref<128x128xf32, #tpu.memory_space<vmem>>) target_semaphore(%dma_start3A_1224 : memref<!tpu.dma_semaphore, #tpu.memory_space<semaphore_mem>>)
    %dma_wait3A_1233 = arith.constant 12 : i32
    %dma_wait3A_1234 = arith.constant 0 : i32
    %dma_wait3A_1235 = arith.constant 0 : i32
    %dma_wait3A_1236 = arith.constant 0 : i32
    %dma_wait3A_1237 = arith.constant 0 : i32
    %dma_wait3A_1238 = tpu.memref_slice %arg7[%dma_wait3A_1234, %dma_wait3A_1236, %dma_wait3A_1237] : memref<6x128x128xf32, #tpu.memory_space<vmem>> -> memref<1x128x128xf32, #tpu.memory_space<vmem>>
    %dma_wait3A_1239 = tpu.memref_squeeze %dma_wait3A_1238 : memref<1x128x128xf32, #tpu.memory_space<vmem>> -> memref<128x128xf32, #tpu.memory_space<vmem>>
    %dma_wait3A_1240 = arith.constant 0 : i32
    %dma_wait3A_1241 = arith.constant 0 : i32
    %dma_wait3A_1242 = tpu.memref_slice %arg8[%dma_wait3A_1233, %dma_wait3A_1240, %dma_wait3A_1241] : memref<16x128x128xf32, #tpu.memory_space<vmem_shared>> -> memref<1x128x128xf32, #tpu.memory_space<vmem_shared>>
    %dma_wait3A_1243 = tpu.memref_squeeze %dma_wait3A_1242 : memref<1x128x128xf32, #tpu.memory_space<vmem_shared>> -> memref<128x128xf32, #tpu.memory_space<vmem_shared>>
    %dma_wait3A_1244 = tpu.memref_slice %arg10[%dma_wait3A_1235] : memref<6x!tpu.dma_semaphore, #tpu.memory_space<semaphore_mem>> -> memref<1x!tpu.dma_semaphore, #tpu.memory_space<semaphore_mem>>
    %dma_wait3A_1245 = tpu.memref_squeeze %dma_wait3A_1244 : memref<1x!tpu.dma_semaphore, #tpu.memory_space<semaphore_mem>> -> memref<!tpu.dma_semaphore, #tpu.memory_space<semaphore_mem>>
    %dma_wait3A_1246 = arith.constant 0 : i32
    %dma_wait3A_1247 = arith.constant 0 : i32
    %dma_wait3A_1248 = tpu.memref_slice %arg7[%dma_wait3A_1234, %dma_wait3A_1246, %dma_wait3A_1247] : memref<6x128x128xf32, #tpu.memory_space<vmem>> -> memref<1x128x128xf32, #tpu.memory_space<vmem>>
    %dma_wait3A_1249 = tpu.memref_squeeze %dma_wait3A_1248 : memref<1x128x128xf32, #tpu.memory_space<vmem>> -> memref<128x128xf32, #tpu.memory_space<vmem>>
    %dma_wait3A_1250 = arith.constant 0 : i32
    %dma_wait3A_1251 = arith.constant 0 : i32
    %dma_wait3A_1252 = tpu.memref_slice %arg8[%dma_wait3A_1233, %dma_wait3A_1250, %dma_wait3A_1251] : memref<16x128x128xf32, #tpu.memory_space<vmem_shared>> -> memref<1x128x128xf32, #tpu.memory_space<vmem_shared>>
    %dma_wait3A_1253 = tpu.memref_squeeze %dma_wait3A_1252 : memref<1x128x128xf32, #tpu.memory_space<vmem_shared>> -> memref<128x128xf32, #tpu.memory_space<vmem_shared>>
    tpu.wait_dma2 semaphore(%dma_wait3A_1245 : memref<!tpu.dma_semaphore, #tpu.memory_space<semaphore_mem>>) src(%dma_wait3A_1253 : memref<128x128xf32, #tpu.memory_space<vmem_shared>>) dst(%dma_wait3A_1249 : memref<128x128xf32, #tpu.memory_space<vmem>>)
    %dma_start3A_1254 = arith.constant 12 : i32
    %dma_start3A_1255 = arith.constant 0 : i32
    %dma_start3A_1256 = arith.constant 0 : i32
    %dma_start3A_1257 = arith.constant 0 : i32
    %dma_start3A_1258 = arith.constant 0 : i32
    %dma_start3A_1259 = tpu.memref_slice %arg7[%dma_start3A_1255, %dma_start3A_1257, %dma_start3A_1258] : memref<6x128x128xf32, #tpu.memory_space<vmem>> -> memref<1x128x128xf32, #tpu.memory_space<vmem>>
    %dma_start3A_1260 = tpu.memref_squeeze %dma_start3A_1259 : memref<1x128x128xf32, #tpu.memory_space<vmem>> -> memref<128x128xf32, #tpu.memory_space<vmem>>
    %dma_start3A_1261 = arith.constant 0 : i32
    %dma_start3A_1262 = tpu.memref_slice %arg6[%dma_start3A_1254, %dma_start3A_1261] : memref<16x128xi32, #tpu.memory_space<vmem>> -> memref<1x128xi32, #tpu.memory_space<vmem>>
    %dma_start3A_1263 = tpu.memref_squeeze %dma_start3A_1262 : memref<1x128xi32, #tpu.memory_space<vmem>> -> memref<128xi32, #tpu.memory_space<vmem>>
    %dma_start3A_1264 = arith.constant 0 : i32
    %dma_start3A_1265 = arith.constant 0 : i32
    %dma_start3A_1266 = tpu.memref_slice %arg3[%dma_start3A_1264, %dma_start3A_1265] : memref<100000x128xf32, #tpu.memory_space<hbm>> -> memref<100000x128xf32, #tpu.memory_space<hbm>>
    %dma_start3A_1267 = tpu.memref_slice %arg9[%dma_start3A_1256] : memref<6x!tpu.dma_semaphore, #tpu.memory_space<semaphore_mem>> -> memref<1x!tpu.dma_semaphore, #tpu.memory_space<semaphore_mem>>
    %dma_start3A_1268 = tpu.memref_squeeze %dma_start3A_1267 : memref<1x!tpu.dma_semaphore, #tpu.memory_space<semaphore_mem>> -> memref<!tpu.dma_semaphore, #tpu.memory_space<semaphore_mem>>
    tpu.enqueue_indirect_dma source(%dma_start3A_1266 : memref<100000x128xf32, #tpu.memory_space<hbm>>) target(%dma_start3A_1260 : memref<128x128xf32, #tpu.memory_space<vmem>>) offsets(%dma_start3A_1263 : memref<128xi32, #tpu.memory_space<vmem>>) semaphore(%dma_start3A_1268 : memref<!tpu.dma_semaphore, #tpu.memory_space<semaphore_mem>>) {add = true}
    %dma_wait3A_1269 = arith.constant 9 : i32
    %dma_wait3A_1270 = arith.constant 3 : i32
    %dma_wait3A_1271 = arith.constant 3 : i32
    %dma_wait3A_1272 = arith.constant 0 : i32
    %dma_wait3A_1273 = arith.constant 0 : i32
    %dma_wait3A_1274 = tpu.memref_slice %arg7[%dma_wait3A_1270, %dma_wait3A_1272, %dma_wait3A_1273] : memref<6x128x128xf32, #tpu.memory_space<vmem>> -> memref<1x128x128xf32, #tpu.memory_space<vmem>>
    %dma_wait3A_1275 = tpu.memref_squeeze %dma_wait3A_1274 : memref<1x128x128xf32, #tpu.memory_space<vmem>> -> memref<128x128xf32, #tpu.memory_space<vmem>>
    %dma_wait3A_1276 = arith.constant 0 : i32
    %dma_wait3A_1277 = tpu.memref_slice %arg6[%dma_wait3A_1269, %dma_wait3A_1276] : memref<16x128xi32, #tpu.memory_space<vmem>> -> memref<1x128xi32, #tpu.memory_space<vmem>>
    %dma_wait3A_1278 = tpu.memref_squeeze %dma_wait3A_1277 : memref<1x128xi32, #tpu.memory_space<vmem>> -> memref<128xi32, #tpu.memory_space<vmem>>
    %dma_wait3A_1279 = arith.constant 0 : i32
    %dma_wait3A_1280 = arith.constant 0 : i32
    %dma_wait3A_1281 = tpu.memref_slice %arg3[%dma_wait3A_1279, %dma_wait3A_1280] : memref<100000x128xf32, #tpu.memory_space<hbm>> -> memref<100000x128xf32, #tpu.memory_space<hbm>>
    %dma_wait3A_1282 = tpu.memref_slice %arg9[%dma_wait3A_1271] : memref<6x!tpu.dma_semaphore, #tpu.memory_space<semaphore_mem>> -> memref<1x!tpu.dma_semaphore, #tpu.memory_space<semaphore_mem>>
    %dma_wait3A_1283 = tpu.memref_squeeze %dma_wait3A_1282 : memref<1x!tpu.dma_semaphore, #tpu.memory_space<semaphore_mem>> -> memref<!tpu.dma_semaphore, #tpu.memory_space<semaphore_mem>>
    tpu.wait_indirect_dma semaphore(%dma_wait3A_1283 : memref<!tpu.dma_semaphore, #tpu.memory_space<semaphore_mem>>) src(%dma_wait3A_1281 : memref<100000x128xf32, #tpu.memory_space<hbm>>) dst(%dma_wait3A_1275 : memref<128x128xf32, #tpu.memory_space<vmem>>)
    %dma_start3A_1284 = arith.constant 3 : i32
    %dma_start3A_1285 = arith.constant 9 : i32
    %dma_start3A_1286 = arith.constant 3 : i32
    %dma_start3A_1287 = arith.constant 0 : i32
    %dma_start3A_1288 = arith.constant 0 : i32
    %dma_start3A_1289 = tpu.memref_slice %arg7[%dma_start3A_1284, %dma_start3A_1287, %dma_start3A_1288] : memref<6x128x128xf32, #tpu.memory_space<vmem>> -> memref<1x128x128xf32, #tpu.memory_space<vmem>>
    %dma_start3A_1290 = tpu.memref_squeeze %dma_start3A_1289 : memref<1x128x128xf32, #tpu.memory_space<vmem>> -> memref<128x128xf32, #tpu.memory_space<vmem>>
    %dma_start3A_1291 = arith.constant 0 : i32
    %dma_start3A_1292 = arith.constant 0 : i32
    %dma_start3A_1293 = tpu.memref_slice %arg5[%add3A, %dma_start3A_1285, %dma_start3A_1291, %dma_start3A_1292] : memref<32x16x128x128xf32, #tpu.memory_space<hbm>> -> memref<1x1x128x128xf32, #tpu.memory_space<hbm>>
    %dma_start3A_1294 = tpu.memref_squeeze %dma_start3A_1293 : memref<1x1x128x128xf32, #tpu.memory_space<hbm>> -> memref<128x128xf32, #tpu.memory_space<hbm>>
    %dma_start3A_1295 = tpu.memref_slice %arg11[%dma_start3A_1286] : memref<6x!tpu.dma_semaphore, #tpu.memory_space<semaphore_mem>> -> memref<1x!tpu.dma_semaphore, #tpu.memory_space<semaphore_mem>>
    %dma_start3A_1296 = tpu.memref_squeeze %dma_start3A_1295 : memref<1x!tpu.dma_semaphore, #tpu.memory_space<semaphore_mem>> -> memref<!tpu.dma_semaphore, #tpu.memory_space<semaphore_mem>>
    %dma_start3A_1297 = arith.constant 0 : i32
    %dma_start3A_1298 = arith.constant 0 : i32
    %dma_start3A_1299 = tpu.memref_slice %arg5[%add3A, %dma_start3A_1285, %dma_start3A_1297, %dma_start3A_1298] : memref<32x16x128x128xf32, #tpu.memory_space<hbm>> -> memref<1x1x128x128xf32, #tpu.memory_space<hbm>>
    %dma_start3A_1300 = tpu.memref_squeeze %dma_start3A_1299 : memref<1x1x128x128xf32, #tpu.memory_space<hbm>> -> memref<128x128xf32, #tpu.memory_space<hbm>>
    %dma_start3A_1301 = arith.constant 0 : i32
    %dma_start3A_1302 = arith.constant 0 : i32
    %dma_start3A_1303 = tpu.memref_slice %arg7[%dma_start3A_1284, %dma_start3A_1301, %dma_start3A_1302] : memref<6x128x128xf32, #tpu.memory_space<vmem>> -> memref<1x128x128xf32, #tpu.memory_space<vmem>>
    %dma_start3A_1304 = tpu.memref_squeeze %dma_start3A_1303 : memref<1x128x128xf32, #tpu.memory_space<vmem>> -> memref<128x128xf32, #tpu.memory_space<vmem>>
    tpu.enqueue_dma source(%dma_start3A_1304 : memref<128x128xf32, #tpu.memory_space<vmem>>) target(%dma_start3A_1300 : memref<128x128xf32, #tpu.memory_space<hbm>>) target_semaphore(%dma_start3A_1296 : memref<!tpu.dma_semaphore, #tpu.memory_space<semaphore_mem>>)
    %dma_wait3A_1305 = arith.constant 2 : i32
    %dma_wait3A_1306 = arith.constant 8 : i32
    %dma_wait3A_1307 = arith.constant 2 : i32
    %dma_wait3A_1308 = arith.constant 0 : i32
    %dma_wait3A_1309 = arith.constant 0 : i32
    %dma_wait3A_1310 = tpu.memref_slice %arg7[%dma_wait3A_1305, %dma_wait3A_1308, %dma_wait3A_1309] : memref<6x128x128xf32, #tpu.memory_space<vmem>> -> memref<1x128x128xf32, #tpu.memory_space<vmem>>
    %dma_wait3A_1311 = tpu.memref_squeeze %dma_wait3A_1310 : memref<1x128x128xf32, #tpu.memory_space<vmem>> -> memref<128x128xf32, #tpu.memory_space<vmem>>
    %dma_wait3A_1312 = arith.constant 0 : i32
    %dma_wait3A_1313 = arith.constant 0 : i32
    %dma_wait3A_1314 = tpu.memref_slice %arg5[%add3A, %dma_wait3A_1306, %dma_wait3A_1312, %dma_wait3A_1313] : memref<32x16x128x128xf32, #tpu.memory_space<hbm>> -> memref<1x1x128x128xf32, #tpu.memory_space<hbm>>
    %dma_wait3A_1315 = tpu.memref_squeeze %dma_wait3A_1314 : memref<1x1x128x128xf32, #tpu.memory_space<hbm>> -> memref<128x128xf32, #tpu.memory_space<hbm>>
    %dma_wait3A_1316 = tpu.memref_slice %arg11[%dma_wait3A_1307] : memref<6x!tpu.dma_semaphore, #tpu.memory_space<semaphore_mem>> -> memref<1x!tpu.dma_semaphore, #tpu.memory_space<semaphore_mem>>
    %dma_wait3A_1317 = tpu.memref_squeeze %dma_wait3A_1316 : memref<1x!tpu.dma_semaphore, #tpu.memory_space<semaphore_mem>> -> memref<!tpu.dma_semaphore, #tpu.memory_space<semaphore_mem>>
    %dma_wait3A_1318 = arith.constant 0 : i32
    %dma_wait3A_1319 = arith.constant 0 : i32
    %dma_wait3A_1320 = tpu.memref_slice %arg5[%add3A, %dma_wait3A_1306, %dma_wait3A_1318, %dma_wait3A_1319] : memref<32x16x128x128xf32, #tpu.memory_space<hbm>> -> memref<1x1x128x128xf32, #tpu.memory_space<hbm>>
    %dma_wait3A_1321 = tpu.memref_squeeze %dma_wait3A_1320 : memref<1x1x128x128xf32, #tpu.memory_space<hbm>> -> memref<128x128xf32, #tpu.memory_space<hbm>>
    %dma_wait3A_1322 = arith.constant 0 : i32
    %dma_wait3A_1323 = arith.constant 0 : i32
    %dma_wait3A_1324 = tpu.memref_slice %arg7[%dma_wait3A_1305, %dma_wait3A_1322, %dma_wait3A_1323] : memref<6x128x128xf32, #tpu.memory_space<vmem>> -> memref<1x128x128xf32, #tpu.memory_space<vmem>>
    %dma_wait3A_1325 = tpu.memref_squeeze %dma_wait3A_1324 : memref<1x128x128xf32, #tpu.memory_space<vmem>> -> memref<128x128xf32, #tpu.memory_space<vmem>>
    tpu.wait_dma2 semaphore(%dma_wait3A_1317 : memref<!tpu.dma_semaphore, #tpu.memory_space<semaphore_mem>>) src(%dma_wait3A_1325 : memref<128x128xf32, #tpu.memory_space<vmem>>) dst(%dma_wait3A_1321 : memref<128x128xf32, #tpu.memory_space<hbm>>)
    %dma_start3A_1326 = arith.constant 14 : i32
    %dma_start3A_1327 = arith.constant 2 : i32
    %dma_start3A_1328 = arith.constant 2 : i32
    %dma_start3A_1329 = arith.constant 0 : i32
    %dma_start3A_1330 = arith.constant 0 : i32
    %dma_start3A_1331 = tpu.memref_slice %arg7[%dma_start3A_1327, %dma_start3A_1329, %dma_start3A_1330] : memref<6x128x128xf32, #tpu.memory_space<vmem>> -> memref<1x128x128xf32, #tpu.memory_space<vmem>>
    %dma_start3A_1332 = tpu.memref_squeeze %dma_start3A_1331 : memref<1x128x128xf32, #tpu.memory_space<vmem>> -> memref<128x128xf32, #tpu.memory_space<vmem>>
    %dma_start3A_1333 = arith.constant 0 : i32
    %dma_start3A_1334 = arith.constant 0 : i32
    %dma_start3A_1335 = tpu.memref_slice %arg8[%dma_start3A_1326, %dma_start3A_1333, %dma_start3A_1334] : memref<16x128x128xf32, #tpu.memory_space<vmem_shared>> -> memref<1x128x128xf32, #tpu.memory_space<vmem_shared>>
    %dma_start3A_1336 = tpu.memref_squeeze %dma_start3A_1335 : memref<1x128x128xf32, #tpu.memory_space<vmem_shared>> -> memref<128x128xf32, #tpu.memory_space<vmem_shared>>
    %dma_start3A_1337 = tpu.memref_slice %arg10[%dma_start3A_1328] : memref<6x!tpu.dma_semaphore, #tpu.memory_space<semaphore_mem>> -> memref<1x!tpu.dma_semaphore, #tpu.memory_space<semaphore_mem>>
    %dma_start3A_1338 = tpu.memref_squeeze %dma_start3A_1337 : memref<1x!tpu.dma_semaphore, #tpu.memory_space<semaphore_mem>> -> memref<!tpu.dma_semaphore, #tpu.memory_space<semaphore_mem>>
    %dma_start3A_1339 = arith.constant 0 : i32
    %dma_start3A_1340 = arith.constant 0 : i32
    %dma_start3A_1341 = tpu.memref_slice %arg7[%dma_start3A_1327, %dma_start3A_1339, %dma_start3A_1340] : memref<6x128x128xf32, #tpu.memory_space<vmem>> -> memref<1x128x128xf32, #tpu.memory_space<vmem>>
    %dma_start3A_1342 = tpu.memref_squeeze %dma_start3A_1341 : memref<1x128x128xf32, #tpu.memory_space<vmem>> -> memref<128x128xf32, #tpu.memory_space<vmem>>
    %dma_start3A_1343 = arith.constant 0 : i32
    %dma_start3A_1344 = arith.constant 0 : i32
    %dma_start3A_1345 = tpu.memref_slice %arg8[%dma_start3A_1326, %dma_start3A_1343, %dma_start3A_1344] : memref<16x128x128xf32, #tpu.memory_space<vmem_shared>> -> memref<1x128x128xf32, #tpu.memory_space<vmem_shared>>
    %dma_start3A_1346 = tpu.memref_squeeze %dma_start3A_1345 : memref<1x128x128xf32, #tpu.memory_space<vmem_shared>> -> memref<128x128xf32, #tpu.memory_space<vmem_shared>>
    tpu.enqueue_dma source(%dma_start3A_1346 : memref<128x128xf32, #tpu.memory_space<vmem_shared>>) target(%dma_start3A_1342 : memref<128x128xf32, #tpu.memory_space<vmem>>) target_semaphore(%dma_start3A_1338 : memref<!tpu.dma_semaphore, #tpu.memory_space<semaphore_mem>>)
    %dma_wait3A_1347 = arith.constant 13 : i32
    %dma_wait3A_1348 = arith.constant 1 : i32
    %dma_wait3A_1349 = arith.constant 1 : i32
    %dma_wait3A_1350 = arith.constant 0 : i32
    %dma_wait3A_1351 = arith.constant 0 : i32
    %dma_wait3A_1352 = tpu.memref_slice %arg7[%dma_wait3A_1348, %dma_wait3A_1350, %dma_wait3A_1351] : memref<6x128x128xf32, #tpu.memory_space<vmem>> -> memref<1x128x128xf32, #tpu.memory_space<vmem>>
    %dma_wait3A_1353 = tpu.memref_squeeze %dma_wait3A_1352 : memref<1x128x128xf32, #tpu.memory_space<vmem>> -> memref<128x128xf32, #tpu.memory_space<vmem>>
    %dma_wait3A_1354 = arith.constant 0 : i32
    %dma_wait3A_1355 = arith.constant 0 : i32
    %dma_wait3A_1356 = tpu.memref_slice %arg8[%dma_wait3A_1347, %dma_wait3A_1354, %dma_wait3A_1355] : memref<16x128x128xf32, #tpu.memory_space<vmem_shared>> -> memref<1x128x128xf32, #tpu.memory_space<vmem_shared>>
    %dma_wait3A_1357 = tpu.memref_squeeze %dma_wait3A_1356 : memref<1x128x128xf32, #tpu.memory_space<vmem_shared>> -> memref<128x128xf32, #tpu.memory_space<vmem_shared>>
    %dma_wait3A_1358 = tpu.memref_slice %arg10[%dma_wait3A_1349] : memref<6x!tpu.dma_semaphore, #tpu.memory_space<semaphore_mem>> -> memref<1x!tpu.dma_semaphore, #tpu.memory_space<semaphore_mem>>
    %dma_wait3A_1359 = tpu.memref_squeeze %dma_wait3A_1358 : memref<1x!tpu.dma_semaphore, #tpu.memory_space<semaphore_mem>> -> memref<!tpu.dma_semaphore, #tpu.memory_space<semaphore_mem>>
    %dma_wait3A_1360 = arith.constant 0 : i32
    %dma_wait3A_1361 = arith.constant 0 : i32
    %dma_wait3A_1362 = tpu.memref_slice %arg7[%dma_wait3A_1348, %dma_wait3A_1360, %dma_wait3A_1361] : memref<6x128x128xf32, #tpu.memory_space<vmem>> -> memref<1x128x128xf32, #tpu.memory_space<vmem>>
    %dma_wait3A_1363 = tpu.memref_squeeze %dma_wait3A_1362 : memref<1x128x128xf32, #tpu.memory_space<vmem>> -> memref<128x128xf32, #tpu.memory_space<vmem>>
    %dma_wait3A_1364 = arith.constant 0 : i32
    %dma_wait3A_1365 = arith.constant 0 : i32
    %dma_wait3A_1366 = tpu.memref_slice %arg8[%dma_wait3A_1347, %dma_wait3A_1364, %dma_wait3A_1365] : memref<16x128x128xf32, #tpu.memory_space<vmem_shared>> -> memref<1x128x128xf32, #tpu.memory_space<vmem_shared>>
    %dma_wait3A_1367 = tpu.memref_squeeze %dma_wait3A_1366 : memref<1x128x128xf32, #tpu.memory_space<vmem_shared>> -> memref<128x128xf32, #tpu.memory_space<vmem_shared>>
    tpu.wait_dma2 semaphore(%dma_wait3A_1359 : memref<!tpu.dma_semaphore, #tpu.memory_space<semaphore_mem>>) src(%dma_wait3A_1367 : memref<128x128xf32, #tpu.memory_space<vmem_shared>>) dst(%dma_wait3A_1363 : memref<128x128xf32, #tpu.memory_space<vmem>>)
    %dma_start3A_1368 = arith.constant 13 : i32
    %dma_start3A_1369 = arith.constant 1 : i32
    %dma_start3A_1370 = arith.constant 1 : i32
    %dma_start3A_1371 = arith.constant 0 : i32
    %dma_start3A_1372 = arith.constant 0 : i32
    %dma_start3A_1373 = tpu.memref_slice %arg7[%dma_start3A_1369, %dma_start3A_1371, %dma_start3A_1372] : memref<6x128x128xf32, #tpu.memory_space<vmem>> -> memref<1x128x128xf32, #tpu.memory_space<vmem>>
    %dma_start3A_1374 = tpu.memref_squeeze %dma_start3A_1373 : memref<1x128x128xf32, #tpu.memory_space<vmem>> -> memref<128x128xf32, #tpu.memory_space<vmem>>
    %dma_start3A_1375 = arith.constant 0 : i32
    %dma_start3A_1376 = tpu.memref_slice %arg6[%dma_start3A_1368, %dma_start3A_1375] : memref<16x128xi32, #tpu.memory_space<vmem>> -> memref<1x128xi32, #tpu.memory_space<vmem>>
    %dma_start3A_1377 = tpu.memref_squeeze %dma_start3A_1376 : memref<1x128xi32, #tpu.memory_space<vmem>> -> memref<128xi32, #tpu.memory_space<vmem>>
    %dma_start3A_1378 = arith.constant 0 : i32
    %dma_start3A_1379 = arith.constant 0 : i32
    %dma_start3A_1380 = tpu.memref_slice %arg3[%dma_start3A_1378, %dma_start3A_1379] : memref<100000x128xf32, #tpu.memory_space<hbm>> -> memref<100000x128xf32, #tpu.memory_space<hbm>>
    %dma_start3A_1381 = tpu.memref_slice %arg9[%dma_start3A_1370] : memref<6x!tpu.dma_semaphore, #tpu.memory_space<semaphore_mem>> -> memref<1x!tpu.dma_semaphore, #tpu.memory_space<semaphore_mem>>
    %dma_start3A_1382 = tpu.memref_squeeze %dma_start3A_1381 : memref<1x!tpu.dma_semaphore, #tpu.memory_space<semaphore_mem>> -> memref<!tpu.dma_semaphore, #tpu.memory_space<semaphore_mem>>
    tpu.enqueue_indirect_dma source(%dma_start3A_1380 : memref<100000x128xf32, #tpu.memory_space<hbm>>) target(%dma_start3A_1374 : memref<128x128xf32, #tpu.memory_space<vmem>>) offsets(%dma_start3A_1377 : memref<128xi32, #tpu.memory_space<vmem>>) semaphore(%dma_start3A_1382 : memref<!tpu.dma_semaphore, #tpu.memory_space<semaphore_mem>>) {add = true}
    %dma_wait3A_1383 = arith.constant 10 : i32
    %dma_wait3A_1384 = arith.constant 4 : i32
    %dma_wait3A_1385 = arith.constant 4 : i32
    %dma_wait3A_1386 = arith.constant 0 : i32
    %dma_wait3A_1387 = arith.constant 0 : i32
    %dma_wait3A_1388 = tpu.memref_slice %arg7[%dma_wait3A_1384, %dma_wait3A_1386, %dma_wait3A_1387] : memref<6x128x128xf32, #tpu.memory_space<vmem>> -> memref<1x128x128xf32, #tpu.memory_space<vmem>>
    %dma_wait3A_1389 = tpu.memref_squeeze %dma_wait3A_1388 : memref<1x128x128xf32, #tpu.memory_space<vmem>> -> memref<128x128xf32, #tpu.memory_space<vmem>>
    %dma_wait3A_1390 = arith.constant 0 : i32
    %dma_wait3A_1391 = tpu.memref_slice %arg6[%dma_wait3A_1383, %dma_wait3A_1390] : memref<16x128xi32, #tpu.memory_space<vmem>> -> memref<1x128xi32, #tpu.memory_space<vmem>>
    %dma_wait3A_1392 = tpu.memref_squeeze %dma_wait3A_1391 : memref<1x128xi32, #tpu.memory_space<vmem>> -> memref<128xi32, #tpu.memory_space<vmem>>
    %dma_wait3A_1393 = arith.constant 0 : i32
    %dma_wait3A_1394 = arith.constant 0 : i32
    %dma_wait3A_1395 = tpu.memref_slice %arg3[%dma_wait3A_1393, %dma_wait3A_1394] : memref<100000x128xf32, #tpu.memory_space<hbm>> -> memref<100000x128xf32, #tpu.memory_space<hbm>>
    %dma_wait3A_1396 = tpu.memref_slice %arg9[%dma_wait3A_1385] : memref<6x!tpu.dma_semaphore, #tpu.memory_space<semaphore_mem>> -> memref<1x!tpu.dma_semaphore, #tpu.memory_space<semaphore_mem>>
    %dma_wait3A_1397 = tpu.memref_squeeze %dma_wait3A_1396 : memref<1x!tpu.dma_semaphore, #tpu.memory_space<semaphore_mem>> -> memref<!tpu.dma_semaphore, #tpu.memory_space<semaphore_mem>>
    tpu.wait_indirect_dma semaphore(%dma_wait3A_1397 : memref<!tpu.dma_semaphore, #tpu.memory_space<semaphore_mem>>) src(%dma_wait3A_1395 : memref<100000x128xf32, #tpu.memory_space<hbm>>) dst(%dma_wait3A_1389 : memref<128x128xf32, #tpu.memory_space<vmem>>)
    %dma_start3A_1398 = arith.constant 4 : i32
    %dma_start3A_1399 = arith.constant 10 : i32
    %dma_start3A_1400 = arith.constant 4 : i32
    %dma_start3A_1401 = arith.constant 0 : i32
    %dma_start3A_1402 = arith.constant 0 : i32
    %dma_start3A_1403 = tpu.memref_slice %arg7[%dma_start3A_1398, %dma_start3A_1401, %dma_start3A_1402] : memref<6x128x128xf32, #tpu.memory_space<vmem>> -> memref<1x128x128xf32, #tpu.memory_space<vmem>>
    %dma_start3A_1404 = tpu.memref_squeeze %dma_start3A_1403 : memref<1x128x128xf32, #tpu.memory_space<vmem>> -> memref<128x128xf32, #tpu.memory_space<vmem>>
    %dma_start3A_1405 = arith.constant 0 : i32
    %dma_start3A_1406 = arith.constant 0 : i32
    %dma_start3A_1407 = tpu.memref_slice %arg5[%add3A, %dma_start3A_1399, %dma_start3A_1405, %dma_start3A_1406] : memref<32x16x128x128xf32, #tpu.memory_space<hbm>> -> memref<1x1x128x128xf32, #tpu.memory_space<hbm>>
    %dma_start3A_1408 = tpu.memref_squeeze %dma_start3A_1407 : memref<1x1x128x128xf32, #tpu.memory_space<hbm>> -> memref<128x128xf32, #tpu.memory_space<hbm>>
    %dma_start3A_1409 = tpu.memref_slice %arg11[%dma_start3A_1400] : memref<6x!tpu.dma_semaphore, #tpu.memory_space<semaphore_mem>> -> memref<1x!tpu.dma_semaphore, #tpu.memory_space<semaphore_mem>>
    %dma_start3A_1410 = tpu.memref_squeeze %dma_start3A_1409 : memref<1x!tpu.dma_semaphore, #tpu.memory_space<semaphore_mem>> -> memref<!tpu.dma_semaphore, #tpu.memory_space<semaphore_mem>>
    %dma_start3A_1411 = arith.constant 0 : i32
    %dma_start3A_1412 = arith.constant 0 : i32
    %dma_start3A_1413 = tpu.memref_slice %arg5[%add3A, %dma_start3A_1399, %dma_start3A_1411, %dma_start3A_1412] : memref<32x16x128x128xf32, #tpu.memory_space<hbm>> -> memref<1x1x128x128xf32, #tpu.memory_space<hbm>>
    %dma_start3A_1414 = tpu.memref_squeeze %dma_start3A_1413 : memref<1x1x128x128xf32, #tpu.memory_space<hbm>> -> memref<128x128xf32, #tpu.memory_space<hbm>>
    %dma_start3A_1415 = arith.constant 0 : i32
    %dma_start3A_1416 = arith.constant 0 : i32
    %dma_start3A_1417 = tpu.memref_slice %arg7[%dma_start3A_1398, %dma_start3A_1415, %dma_start3A_1416] : memref<6x128x128xf32, #tpu.memory_space<vmem>> -> memref<1x128x128xf32, #tpu.memory_space<vmem>>
    %dma_start3A_1418 = tpu.memref_squeeze %dma_start3A_1417 : memref<1x128x128xf32, #tpu.memory_space<vmem>> -> memref<128x128xf32, #tpu.memory_space<vmem>>
    tpu.enqueue_dma source(%dma_start3A_1418 : memref<128x128xf32, #tpu.memory_space<vmem>>) target(%dma_start3A_1414 : memref<128x128xf32, #tpu.memory_space<hbm>>) target_semaphore(%dma_start3A_1410 : memref<!tpu.dma_semaphore, #tpu.memory_space<semaphore_mem>>)
    %dma_wait3A_1419 = arith.constant 3 : i32
    %dma_wait3A_1420 = arith.constant 9 : i32
    %dma_wait3A_1421 = arith.constant 3 : i32
    %dma_wait3A_1422 = arith.constant 0 : i32
    %dma_wait3A_1423 = arith.constant 0 : i32
    %dma_wait3A_1424 = tpu.memref_slice %arg7[%dma_wait3A_1419, %dma_wait3A_1422, %dma_wait3A_1423] : memref<6x128x128xf32, #tpu.memory_space<vmem>> -> memref<1x128x128xf32, #tpu.memory_space<vmem>>
    %dma_wait3A_1425 = tpu.memref_squeeze %dma_wait3A_1424 : memref<1x128x128xf32, #tpu.memory_space<vmem>> -> memref<128x128xf32, #tpu.memory_space<vmem>>
    %dma_wait3A_1426 = arith.constant 0 : i32
    %dma_wait3A_1427 = arith.constant 0 : i32
    %dma_wait3A_1428 = tpu.memref_slice %arg5[%add3A, %dma_wait3A_1420, %dma_wait3A_1426, %dma_wait3A_1427] : memref<32x16x128x128xf32, #tpu.memory_space<hbm>> -> memref<1x1x128x128xf32, #tpu.memory_space<hbm>>
    %dma_wait3A_1429 = tpu.memref_squeeze %dma_wait3A_1428 : memref<1x1x128x128xf32, #tpu.memory_space<hbm>> -> memref<128x128xf32, #tpu.memory_space<hbm>>
    %dma_wait3A_1430 = tpu.memref_slice %arg11[%dma_wait3A_1421] : memref<6x!tpu.dma_semaphore, #tpu.memory_space<semaphore_mem>> -> memref<1x!tpu.dma_semaphore, #tpu.memory_space<semaphore_mem>>
    %dma_wait3A_1431 = tpu.memref_squeeze %dma_wait3A_1430 : memref<1x!tpu.dma_semaphore, #tpu.memory_space<semaphore_mem>> -> memref<!tpu.dma_semaphore, #tpu.memory_space<semaphore_mem>>
    %dma_wait3A_1432 = arith.constant 0 : i32
    %dma_wait3A_1433 = arith.constant 0 : i32
    %dma_wait3A_1434 = tpu.memref_slice %arg5[%add3A, %dma_wait3A_1420, %dma_wait3A_1432, %dma_wait3A_1433] : memref<32x16x128x128xf32, #tpu.memory_space<hbm>> -> memref<1x1x128x128xf32, #tpu.memory_space<hbm>>
    %dma_wait3A_1435 = tpu.memref_squeeze %dma_wait3A_1434 : memref<1x1x128x128xf32, #tpu.memory_space<hbm>> -> memref<128x128xf32, #tpu.memory_space<hbm>>
    %dma_wait3A_1436 = arith.constant 0 : i32
    %dma_wait3A_1437 = arith.constant 0 : i32
    %dma_wait3A_1438 = tpu.memref_slice %arg7[%dma_wait3A_1419, %dma_wait3A_1436, %dma_wait3A_1437] : memref<6x128x128xf32, #tpu.memory_space<vmem>> -> memref<1x128x128xf32, #tpu.memory_space<vmem>>
    %dma_wait3A_1439 = tpu.memref_squeeze %dma_wait3A_1438 : memref<1x128x128xf32, #tpu.memory_space<vmem>> -> memref<128x128xf32, #tpu.memory_space<vmem>>
    tpu.wait_dma2 semaphore(%dma_wait3A_1431 : memref<!tpu.dma_semaphore, #tpu.memory_space<semaphore_mem>>) src(%dma_wait3A_1439 : memref<128x128xf32, #tpu.memory_space<vmem>>) dst(%dma_wait3A_1435 : memref<128x128xf32, #tpu.memory_space<hbm>>)
    %dma_start3A_1440 = arith.constant 15 : i32
    %dma_start3A_1441 = arith.constant 3 : i32
    %dma_start3A_1442 = arith.constant 3 : i32
    %dma_start3A_1443 = arith.constant 0 : i32
    %dma_start3A_1444 = arith.constant 0 : i32
    %dma_start3A_1445 = tpu.memref_slice %arg7[%dma_start3A_1441, %dma_start3A_1443, %dma_start3A_1444] : memref<6x128x128xf32, #tpu.memory_space<vmem>> -> memref<1x128x128xf32, #tpu.memory_space<vmem>>
    %dma_start3A_1446 = tpu.memref_squeeze %dma_start3A_1445 : memref<1x128x128xf32, #tpu.memory_space<vmem>> -> memref<128x128xf32, #tpu.memory_space<vmem>>
    %dma_start3A_1447 = arith.constant 0 : i32
    %dma_start3A_1448 = arith.constant 0 : i32
    %dma_start3A_1449 = tpu.memref_slice %arg8[%dma_start3A_1440, %dma_start3A_1447, %dma_start3A_1448] : memref<16x128x128xf32, #tpu.memory_space<vmem_shared>> -> memref<1x128x128xf32, #tpu.memory_space<vmem_shared>>
    %dma_start3A_1450 = tpu.memref_squeeze %dma_start3A_1449 : memref<1x128x128xf32, #tpu.memory_space<vmem_shared>> -> memref<128x128xf32, #tpu.memory_space<vmem_shared>>
    %dma_start3A_1451 = tpu.memref_slice %arg10[%dma_start3A_1442] : memref<6x!tpu.dma_semaphore, #tpu.memory_space<semaphore_mem>> -> memref<1x!tpu.dma_semaphore, #tpu.memory_space<semaphore_mem>>
    %dma_start3A_1452 = tpu.memref_squeeze %dma_start3A_1451 : memref<1x!tpu.dma_semaphore, #tpu.memory_space<semaphore_mem>> -> memref<!tpu.dma_semaphore, #tpu.memory_space<semaphore_mem>>
    %dma_start3A_1453 = arith.constant 0 : i32
    %dma_start3A_1454 = arith.constant 0 : i32
    %dma_start3A_1455 = tpu.memref_slice %arg7[%dma_start3A_1441, %dma_start3A_1453, %dma_start3A_1454] : memref<6x128x128xf32, #tpu.memory_space<vmem>> -> memref<1x128x128xf32, #tpu.memory_space<vmem>>
    %dma_start3A_1456 = tpu.memref_squeeze %dma_start3A_1455 : memref<1x128x128xf32, #tpu.memory_space<vmem>> -> memref<128x128xf32, #tpu.memory_space<vmem>>
    %dma_start3A_1457 = arith.constant 0 : i32
    %dma_start3A_1458 = arith.constant 0 : i32
    %dma_start3A_1459 = tpu.memref_slice %arg8[%dma_start3A_1440, %dma_start3A_1457, %dma_start3A_1458] : memref<16x128x128xf32, #tpu.memory_space<vmem_shared>> -> memref<1x128x128xf32, #tpu.memory_space<vmem_shared>>
    %dma_start3A_1460 = tpu.memref_squeeze %dma_start3A_1459 : memref<1x128x128xf32, #tpu.memory_space<vmem_shared>> -> memref<128x128xf32, #tpu.memory_space<vmem_shared>>
    tpu.enqueue_dma source(%dma_start3A_1460 : memref<128x128xf32, #tpu.memory_space<vmem_shared>>) target(%dma_start3A_1456 : memref<128x128xf32, #tpu.memory_space<vmem>>) target_semaphore(%dma_start3A_1452 : memref<!tpu.dma_semaphore, #tpu.memory_space<semaphore_mem>>)
    %dma_wait3A_1461 = arith.constant 14 : i32
    %dma_wait3A_1462 = arith.constant 2 : i32
    %dma_wait3A_1463 = arith.constant 2 : i32
    %dma_wait3A_1464 = arith.constant 0 : i32
    %dma_wait3A_1465 = arith.constant 0 : i32
    %dma_wait3A_1466 = tpu.memref_slice %arg7[%dma_wait3A_1462, %dma_wait3A_1464, %dma_wait3A_1465] : memref<6x128x128xf32, #tpu.memory_space<vmem>> -> memref<1x128x128xf32, #tpu.memory_space<vmem>>
    %dma_wait3A_1467 = tpu.memref_squeeze %dma_wait3A_1466 : memref<1x128x128xf32, #tpu.memory_space<vmem>> -> memref<128x128xf32, #tpu.memory_space<vmem>>
    %dma_wait3A_1468 = arith.constant 0 : i32
    %dma_wait3A_1469 = arith.constant 0 : i32
    %dma_wait3A_1470 = tpu.memref_slice %arg8[%dma_wait3A_1461, %dma_wait3A_1468, %dma_wait3A_1469] : memref<16x128x128xf32, #tpu.memory_space<vmem_shared>> -> memref<1x128x128xf32, #tpu.memory_space<vmem_shared>>
    %dma_wait3A_1471 = tpu.memref_squeeze %dma_wait3A_1470 : memref<1x128x128xf32, #tpu.memory_space<vmem_shared>> -> memref<128x128xf32, #tpu.memory_space<vmem_shared>>
    %dma_wait3A_1472 = tpu.memref_slice %arg10[%dma_wait3A_1463] : memref<6x!tpu.dma_semaphore, #tpu.memory_space<semaphore_mem>> -> memref<1x!tpu.dma_semaphore, #tpu.memory_space<semaphore_mem>>
    %dma_wait3A_1473 = tpu.memref_squeeze %dma_wait3A_1472 : memref<1x!tpu.dma_semaphore, #tpu.memory_space<semaphore_mem>> -> memref<!tpu.dma_semaphore, #tpu.memory_space<semaphore_mem>>
    %dma_wait3A_1474 = arith.constant 0 : i32
    %dma_wait3A_1475 = arith.constant 0 : i32
    %dma_wait3A_1476 = tpu.memref_slice %arg7[%dma_wait3A_1462, %dma_wait3A_1474, %dma_wait3A_1475] : memref<6x128x128xf32, #tpu.memory_space<vmem>> -> memref<1x128x128xf32, #tpu.memory_space<vmem>>
    %dma_wait3A_1477 = tpu.memref_squeeze %dma_wait3A_1476 : memref<1x128x128xf32, #tpu.memory_space<vmem>> -> memref<128x128xf32, #tpu.memory_space<vmem>>
    %dma_wait3A_1478 = arith.constant 0 : i32
    %dma_wait3A_1479 = arith.constant 0 : i32
    %dma_wait3A_1480 = tpu.memref_slice %arg8[%dma_wait3A_1461, %dma_wait3A_1478, %dma_wait3A_1479] : memref<16x128x128xf32, #tpu.memory_space<vmem_shared>> -> memref<1x128x128xf32, #tpu.memory_space<vmem_shared>>
    %dma_wait3A_1481 = tpu.memref_squeeze %dma_wait3A_1480 : memref<1x128x128xf32, #tpu.memory_space<vmem_shared>> -> memref<128x128xf32, #tpu.memory_space<vmem_shared>>
    tpu.wait_dma2 semaphore(%dma_wait3A_1473 : memref<!tpu.dma_semaphore, #tpu.memory_space<semaphore_mem>>) src(%dma_wait3A_1481 : memref<128x128xf32, #tpu.memory_space<vmem_shared>>) dst(%dma_wait3A_1477 : memref<128x128xf32, #tpu.memory_space<vmem>>)
    %dma_start3A_1482 = arith.constant 14 : i32
    %dma_start3A_1483 = arith.constant 2 : i32
    %dma_start3A_1484 = arith.constant 2 : i32
    %dma_start3A_1485 = arith.constant 0 : i32
    %dma_start3A_1486 = arith.constant 0 : i32
    %dma_start3A_1487 = tpu.memref_slice %arg7[%dma_start3A_1483, %dma_start3A_1485, %dma_start3A_1486] : memref<6x128x128xf32, #tpu.memory_space<vmem>> -> memref<1x128x128xf32, #tpu.memory_space<vmem>>
    %dma_start3A_1488 = tpu.memref_squeeze %dma_start3A_1487 : memref<1x128x128xf32, #tpu.memory_space<vmem>> -> memref<128x128xf32, #tpu.memory_space<vmem>>
    %dma_start3A_1489 = arith.constant 0 : i32
    %dma_start3A_1490 = tpu.memref_slice %arg6[%dma_start3A_1482, %dma_start3A_1489] : memref<16x128xi32, #tpu.memory_space<vmem>> -> memref<1x128xi32, #tpu.memory_space<vmem>>
    %dma_start3A_1491 = tpu.memref_squeeze %dma_start3A_1490 : memref<1x128xi32, #tpu.memory_space<vmem>> -> memref<128xi32, #tpu.memory_space<vmem>>
    %dma_start3A_1492 = arith.constant 0 : i32
    %dma_start3A_1493 = arith.constant 0 : i32
    %dma_start3A_1494 = tpu.memref_slice %arg3[%dma_start3A_1492, %dma_start3A_1493] : memref<100000x128xf32, #tpu.memory_space<hbm>> -> memref<100000x128xf32, #tpu.memory_space<hbm>>
    %dma_start3A_1495 = tpu.memref_slice %arg9[%dma_start3A_1484] : memref<6x!tpu.dma_semaphore, #tpu.memory_space<semaphore_mem>> -> memref<1x!tpu.dma_semaphore, #tpu.memory_space<semaphore_mem>>
    %dma_start3A_1496 = tpu.memref_squeeze %dma_start3A_1495 : memref<1x!tpu.dma_semaphore, #tpu.memory_space<semaphore_mem>> -> memref<!tpu.dma_semaphore, #tpu.memory_space<semaphore_mem>>
    tpu.enqueue_indirect_dma source(%dma_start3A_1494 : memref<100000x128xf32, #tpu.memory_space<hbm>>) target(%dma_start3A_1488 : memref<128x128xf32, #tpu.memory_space<vmem>>) offsets(%dma_start3A_1491 : memref<128xi32, #tpu.memory_space<vmem>>) semaphore(%dma_start3A_1496 : memref<!tpu.dma_semaphore, #tpu.memory_space<semaphore_mem>>) {add = true}
    %dma_wait3A_1497 = arith.constant 11 : i32
    %dma_wait3A_1498 = arith.constant 5 : i32
    %dma_wait3A_1499 = arith.constant 5 : i32
    %dma_wait3A_1500 = arith.constant 0 : i32
    %dma_wait3A_1501 = arith.constant 0 : i32
    %dma_wait3A_1502 = tpu.memref_slice %arg7[%dma_wait3A_1498, %dma_wait3A_1500, %dma_wait3A_1501] : memref<6x128x128xf32, #tpu.memory_space<vmem>> -> memref<1x128x128xf32, #tpu.memory_space<vmem>>
    %dma_wait3A_1503 = tpu.memref_squeeze %dma_wait3A_1502 : memref<1x128x128xf32, #tpu.memory_space<vmem>> -> memref<128x128xf32, #tpu.memory_space<vmem>>
    %dma_wait3A_1504 = arith.constant 0 : i32
    %dma_wait3A_1505 = tpu.memref_slice %arg6[%dma_wait3A_1497, %dma_wait3A_1504] : memref<16x128xi32, #tpu.memory_space<vmem>> -> memref<1x128xi32, #tpu.memory_space<vmem>>
    %dma_wait3A_1506 = tpu.memref_squeeze %dma_wait3A_1505 : memref<1x128xi32, #tpu.memory_space<vmem>> -> memref<128xi32, #tpu.memory_space<vmem>>
    %dma_wait3A_1507 = arith.constant 0 : i32
    %dma_wait3A_1508 = arith.constant 0 : i32
    %dma_wait3A_1509 = tpu.memref_slice %arg3[%dma_wait3A_1507, %dma_wait3A_1508] : memref<100000x128xf32, #tpu.memory_space<hbm>> -> memref<100000x128xf32, #tpu.memory_space<hbm>>
    %dma_wait3A_1510 = tpu.memref_slice %arg9[%dma_wait3A_1499] : memref<6x!tpu.dma_semaphore, #tpu.memory_space<semaphore_mem>> -> memref<1x!tpu.dma_semaphore, #tpu.memory_space<semaphore_mem>>
    %dma_wait3A_1511 = tpu.memref_squeeze %dma_wait3A_1510 : memref<1x!tpu.dma_semaphore, #tpu.memory_space<semaphore_mem>> -> memref<!tpu.dma_semaphore, #tpu.memory_space<semaphore_mem>>
    tpu.wait_indirect_dma semaphore(%dma_wait3A_1511 : memref<!tpu.dma_semaphore, #tpu.memory_space<semaphore_mem>>) src(%dma_wait3A_1509 : memref<100000x128xf32, #tpu.memory_space<hbm>>) dst(%dma_wait3A_1503 : memref<128x128xf32, #tpu.memory_space<vmem>>)
    %dma_start3A_1512 = arith.constant 5 : i32
    %dma_start3A_1513 = arith.constant 11 : i32
    %dma_start3A_1514 = arith.constant 5 : i32
    %dma_start3A_1515 = arith.constant 0 : i32
    %dma_start3A_1516 = arith.constant 0 : i32
    %dma_start3A_1517 = tpu.memref_slice %arg7[%dma_start3A_1512, %dma_start3A_1515, %dma_start3A_1516] : memref<6x128x128xf32, #tpu.memory_space<vmem>> -> memref<1x128x128xf32, #tpu.memory_space<vmem>>
    %dma_start3A_1518 = tpu.memref_squeeze %dma_start3A_1517 : memref<1x128x128xf32, #tpu.memory_space<vmem>> -> memref<128x128xf32, #tpu.memory_space<vmem>>
    %dma_start3A_1519 = arith.constant 0 : i32
    %dma_start3A_1520 = arith.constant 0 : i32
    %dma_start3A_1521 = tpu.memref_slice %arg5[%add3A, %dma_start3A_1513, %dma_start3A_1519, %dma_start3A_1520] : memref<32x16x128x128xf32, #tpu.memory_space<hbm>> -> memref<1x1x128x128xf32, #tpu.memory_space<hbm>>
    %dma_start3A_1522 = tpu.memref_squeeze %dma_start3A_1521 : memref<1x1x128x128xf32, #tpu.memory_space<hbm>> -> memref<128x128xf32, #tpu.memory_space<hbm>>
    %dma_start3A_1523 = tpu.memref_slice %arg11[%dma_start3A_1514] : memref<6x!tpu.dma_semaphore, #tpu.memory_space<semaphore_mem>> -> memref<1x!tpu.dma_semaphore, #tpu.memory_space<semaphore_mem>>
    %dma_start3A_1524 = tpu.memref_squeeze %dma_start3A_1523 : memref<1x!tpu.dma_semaphore, #tpu.memory_space<semaphore_mem>> -> memref<!tpu.dma_semaphore, #tpu.memory_space<semaphore_mem>>
    %dma_start3A_1525 = arith.constant 0 : i32
    %dma_start3A_1526 = arith.constant 0 : i32
    %dma_start3A_1527 = tpu.memref_slice %arg5[%add3A, %dma_start3A_1513, %dma_start3A_1525, %dma_start3A_1526] : memref<32x16x128x128xf32, #tpu.memory_space<hbm>> -> memref<1x1x128x128xf32, #tpu.memory_space<hbm>>
    %dma_start3A_1528 = tpu.memref_squeeze %dma_start3A_1527 : memref<1x1x128x128xf32, #tpu.memory_space<hbm>> -> memref<128x128xf32, #tpu.memory_space<hbm>>
    %dma_start3A_1529 = arith.constant 0 : i32
    %dma_start3A_1530 = arith.constant 0 : i32
    %dma_start3A_1531 = tpu.memref_slice %arg7[%dma_start3A_1512, %dma_start3A_1529, %dma_start3A_1530] : memref<6x128x128xf32, #tpu.memory_space<vmem>> -> memref<1x128x128xf32, #tpu.memory_space<vmem>>
    %dma_start3A_1532 = tpu.memref_squeeze %dma_start3A_1531 : memref<1x128x128xf32, #tpu.memory_space<vmem>> -> memref<128x128xf32, #tpu.memory_space<vmem>>
    tpu.enqueue_dma source(%dma_start3A_1532 : memref<128x128xf32, #tpu.memory_space<vmem>>) target(%dma_start3A_1528 : memref<128x128xf32, #tpu.memory_space<hbm>>) target_semaphore(%dma_start3A_1524 : memref<!tpu.dma_semaphore, #tpu.memory_space<semaphore_mem>>)
    %dma_wait3A_1533 = arith.constant 15 : i32
    %dma_wait3A_1534 = arith.constant 3 : i32
    %dma_wait3A_1535 = arith.constant 3 : i32
    %dma_wait3A_1536 = arith.constant 0 : i32
    %dma_wait3A_1537 = arith.constant 0 : i32
    %dma_wait3A_1538 = tpu.memref_slice %arg7[%dma_wait3A_1534, %dma_wait3A_1536, %dma_wait3A_1537] : memref<6x128x128xf32, #tpu.memory_space<vmem>> -> memref<1x128x128xf32, #tpu.memory_space<vmem>>
    %dma_wait3A_1539 = tpu.memref_squeeze %dma_wait3A_1538 : memref<1x128x128xf32, #tpu.memory_space<vmem>> -> memref<128x128xf32, #tpu.memory_space<vmem>>
    %dma_wait3A_1540 = arith.constant 0 : i32
    %dma_wait3A_1541 = arith.constant 0 : i32
    %dma_wait3A_1542 = tpu.memref_slice %arg8[%dma_wait3A_1533, %dma_wait3A_1540, %dma_wait3A_1541] : memref<16x128x128xf32, #tpu.memory_space<vmem_shared>> -> memref<1x128x128xf32, #tpu.memory_space<vmem_shared>>
    %dma_wait3A_1543 = tpu.memref_squeeze %dma_wait3A_1542 : memref<1x128x128xf32, #tpu.memory_space<vmem_shared>> -> memref<128x128xf32, #tpu.memory_space<vmem_shared>>
    %dma_wait3A_1544 = tpu.memref_slice %arg10[%dma_wait3A_1535] : memref<6x!tpu.dma_semaphore, #tpu.memory_space<semaphore_mem>> -> memref<1x!tpu.dma_semaphore, #tpu.memory_space<semaphore_mem>>
    %dma_wait3A_1545 = tpu.memref_squeeze %dma_wait3A_1544 : memref<1x!tpu.dma_semaphore, #tpu.memory_space<semaphore_mem>> -> memref<!tpu.dma_semaphore, #tpu.memory_space<semaphore_mem>>
    %dma_wait3A_1546 = arith.constant 0 : i32
    %dma_wait3A_1547 = arith.constant 0 : i32
    %dma_wait3A_1548 = tpu.memref_slice %arg7[%dma_wait3A_1534, %dma_wait3A_1546, %dma_wait3A_1547] : memref<6x128x128xf32, #tpu.memory_space<vmem>> -> memref<1x128x128xf32, #tpu.memory_space<vmem>>
    %dma_wait3A_1549 = tpu.memref_squeeze %dma_wait3A_1548 : memref<1x128x128xf32, #tpu.memory_space<vmem>> -> memref<128x128xf32, #tpu.memory_space<vmem>>
    %dma_wait3A_1550 = arith.constant 0 : i32
    %dma_wait3A_1551 = arith.constant 0 : i32
    %dma_wait3A_1552 = tpu.memref_slice %arg8[%dma_wait3A_1533, %dma_wait3A_1550, %dma_wait3A_1551] : memref<16x128x128xf32, #tpu.memory_space<vmem_shared>> -> memref<1x128x128xf32, #tpu.memory_space<vmem_shared>>
    %dma_wait3A_1553 = tpu.memref_squeeze %dma_wait3A_1552 : memref<1x128x128xf32, #tpu.memory_space<vmem_shared>> -> memref<128x128xf32, #tpu.memory_space<vmem_shared>>
    tpu.wait_dma2 semaphore(%dma_wait3A_1545 : memref<!tpu.dma_semaphore, #tpu.memory_space<semaphore_mem>>) src(%dma_wait3A_1553 : memref<128x128xf32, #tpu.memory_space<vmem_shared>>) dst(%dma_wait3A_1549 : memref<128x128xf32, #tpu.memory_space<vmem>>)
    %dma_start3A_1554 = arith.constant 15 : i32
    %dma_start3A_1555 = arith.constant 3 : i32
    %dma_start3A_1556 = arith.constant 3 : i32
    %dma_start3A_1557 = arith.constant 0 : i32
    %dma_start3A_1558 = arith.constant 0 : i32
    %dma_start3A_1559 = tpu.memref_slice %arg7[%dma_start3A_1555, %dma_start3A_1557, %dma_start3A_1558] : memref<6x128x128xf32, #tpu.memory_space<vmem>> -> memref<1x128x128xf32, #tpu.memory_space<vmem>>
    %dma_start3A_1560 = tpu.memref_squeeze %dma_start3A_1559 : memref<1x128x128xf32, #tpu.memory_space<vmem>> -> memref<128x128xf32, #tpu.memory_space<vmem>>
    %dma_start3A_1561 = arith.constant 0 : i32
    %dma_start3A_1562 = tpu.memref_slice %arg6[%dma_start3A_1554, %dma_start3A_1561] : memref<16x128xi32, #tpu.memory_space<vmem>> -> memref<1x128xi32, #tpu.memory_space<vmem>>
    %dma_start3A_1563 = tpu.memref_squeeze %dma_start3A_1562 : memref<1x128xi32, #tpu.memory_space<vmem>> -> memref<128xi32, #tpu.memory_space<vmem>>
    %dma_start3A_1564 = arith.constant 0 : i32
    %dma_start3A_1565 = arith.constant 0 : i32
    %dma_start3A_1566 = tpu.memref_slice %arg3[%dma_start3A_1564, %dma_start3A_1565] : memref<100000x128xf32, #tpu.memory_space<hbm>> -> memref<100000x128xf32, #tpu.memory_space<hbm>>
    %dma_start3A_1567 = tpu.memref_slice %arg9[%dma_start3A_1556] : memref<6x!tpu.dma_semaphore, #tpu.memory_space<semaphore_mem>> -> memref<1x!tpu.dma_semaphore, #tpu.memory_space<semaphore_mem>>
    %dma_start3A_1568 = tpu.memref_squeeze %dma_start3A_1567 : memref<1x!tpu.dma_semaphore, #tpu.memory_space<semaphore_mem>> -> memref<!tpu.dma_semaphore, #tpu.memory_space<semaphore_mem>>
    tpu.enqueue_indirect_dma source(%dma_start3A_1566 : memref<100000x128xf32, #tpu.memory_space<hbm>>) target(%dma_start3A_1560 : memref<128x128xf32, #tpu.memory_space<vmem>>) offsets(%dma_start3A_1563 : memref<128xi32, #tpu.memory_space<vmem>>) semaphore(%dma_start3A_1568 : memref<!tpu.dma_semaphore, #tpu.memory_space<semaphore_mem>>) {add = true}
    %dma_wait3A_1569 = arith.constant 12 : i32
    %dma_wait3A_1570 = arith.constant 0 : i32
    %dma_wait3A_1571 = arith.constant 0 : i32
    %dma_wait3A_1572 = arith.constant 0 : i32
    %dma_wait3A_1573 = arith.constant 0 : i32
    %dma_wait3A_1574 = tpu.memref_slice %arg7[%dma_wait3A_1570, %dma_wait3A_1572, %dma_wait3A_1573] : memref<6x128x128xf32, #tpu.memory_space<vmem>> -> memref<1x128x128xf32, #tpu.memory_space<vmem>>
    %dma_wait3A_1575 = tpu.memref_squeeze %dma_wait3A_1574 : memref<1x128x128xf32, #tpu.memory_space<vmem>> -> memref<128x128xf32, #tpu.memory_space<vmem>>
    %dma_wait3A_1576 = arith.constant 0 : i32
    %dma_wait3A_1577 = tpu.memref_slice %arg6[%dma_wait3A_1569, %dma_wait3A_1576] : memref<16x128xi32, #tpu.memory_space<vmem>> -> memref<1x128xi32, #tpu.memory_space<vmem>>
    %dma_wait3A_1578 = tpu.memref_squeeze %dma_wait3A_1577 : memref<1x128xi32, #tpu.memory_space<vmem>> -> memref<128xi32, #tpu.memory_space<vmem>>
    %dma_wait3A_1579 = arith.constant 0 : i32
    %dma_wait3A_1580 = arith.constant 0 : i32
    %dma_wait3A_1581 = tpu.memref_slice %arg3[%dma_wait3A_1579, %dma_wait3A_1580] : memref<100000x128xf32, #tpu.memory_space<hbm>> -> memref<100000x128xf32, #tpu.memory_space<hbm>>
    %dma_wait3A_1582 = tpu.memref_slice %arg9[%dma_wait3A_1571] : memref<6x!tpu.dma_semaphore, #tpu.memory_space<semaphore_mem>> -> memref<1x!tpu.dma_semaphore, #tpu.memory_space<semaphore_mem>>
    %dma_wait3A_1583 = tpu.memref_squeeze %dma_wait3A_1582 : memref<1x!tpu.dma_semaphore, #tpu.memory_space<semaphore_mem>> -> memref<!tpu.dma_semaphore, #tpu.memory_space<semaphore_mem>>
    tpu.wait_indirect_dma semaphore(%dma_wait3A_1583 : memref<!tpu.dma_semaphore, #tpu.memory_space<semaphore_mem>>) src(%dma_wait3A_1581 : memref<100000x128xf32, #tpu.memory_space<hbm>>) dst(%dma_wait3A_1575 : memref<128x128xf32, #tpu.memory_space<vmem>>)
    %dma_start3A_1584 = arith.constant 0 : i32
    %dma_start3A_1585 = arith.constant 12 : i32
    %dma_start3A_1586 = arith.constant 0 : i32
    %dma_start3A_1587 = arith.constant 0 : i32
    %dma_start3A_1588 = arith.constant 0 : i32
    %dma_start3A_1589 = tpu.memref_slice %arg7[%dma_start3A_1584, %dma_start3A_1587, %dma_start3A_1588] : memref<6x128x128xf32, #tpu.memory_space<vmem>> -> memref<1x128x128xf32, #tpu.memory_space<vmem>>
    %dma_start3A_1590 = tpu.memref_squeeze %dma_start3A_1589 : memref<1x128x128xf32, #tpu.memory_space<vmem>> -> memref<128x128xf32, #tpu.memory_space<vmem>>
    %dma_start3A_1591 = arith.constant 0 : i32
    %dma_start3A_1592 = arith.constant 0 : i32
    %dma_start3A_1593 = tpu.memref_slice %arg5[%add3A, %dma_start3A_1585, %dma_start3A_1591, %dma_start3A_1592] : memref<32x16x128x128xf32, #tpu.memory_space<hbm>> -> memref<1x1x128x128xf32, #tpu.memory_space<hbm>>
    %dma_start3A_1594 = tpu.memref_squeeze %dma_start3A_1593 : memref<1x1x128x128xf32, #tpu.memory_space<hbm>> -> memref<128x128xf32, #tpu.memory_space<hbm>>
    %dma_start3A_1595 = tpu.memref_slice %arg11[%dma_start3A_1586] : memref<6x!tpu.dma_semaphore, #tpu.memory_space<semaphore_mem>> -> memref<1x!tpu.dma_semaphore, #tpu.memory_space<semaphore_mem>>
    %dma_start3A_1596 = tpu.memref_squeeze %dma_start3A_1595 : memref<1x!tpu.dma_semaphore, #tpu.memory_space<semaphore_mem>> -> memref<!tpu.dma_semaphore, #tpu.memory_space<semaphore_mem>>
    %dma_start3A_1597 = arith.constant 0 : i32
    %dma_start3A_1598 = arith.constant 0 : i32
    %dma_start3A_1599 = tpu.memref_slice %arg5[%add3A, %dma_start3A_1585, %dma_start3A_1597, %dma_start3A_1598] : memref<32x16x128x128xf32, #tpu.memory_space<hbm>> -> memref<1x1x128x128xf32, #tpu.memory_space<hbm>>
    %dma_start3A_1600 = tpu.memref_squeeze %dma_start3A_1599 : memref<1x1x128x128xf32, #tpu.memory_space<hbm>> -> memref<128x128xf32, #tpu.memory_space<hbm>>
    %dma_start3A_1601 = arith.constant 0 : i32
    %dma_start3A_1602 = arith.constant 0 : i32
    %dma_start3A_1603 = tpu.memref_slice %arg7[%dma_start3A_1584, %dma_start3A_1601, %dma_start3A_1602] : memref<6x128x128xf32, #tpu.memory_space<vmem>> -> memref<1x128x128xf32, #tpu.memory_space<vmem>>
    %dma_start3A_1604 = tpu.memref_squeeze %dma_start3A_1603 : memref<1x128x128xf32, #tpu.memory_space<vmem>> -> memref<128x128xf32, #tpu.memory_space<vmem>>
    tpu.enqueue_dma source(%dma_start3A_1604 : memref<128x128xf32, #tpu.memory_space<vmem>>) target(%dma_start3A_1600 : memref<128x128xf32, #tpu.memory_space<hbm>>) target_semaphore(%dma_start3A_1596 : memref<!tpu.dma_semaphore, #tpu.memory_space<semaphore_mem>>)
    %dma_wait3A_1605 = arith.constant 13 : i32
    %dma_wait3A_1606 = arith.constant 1 : i32
    %dma_wait3A_1607 = arith.constant 1 : i32
    %dma_wait3A_1608 = arith.constant 0 : i32
    %dma_wait3A_1609 = arith.constant 0 : i32
    %dma_wait3A_1610 = tpu.memref_slice %arg7[%dma_wait3A_1606, %dma_wait3A_1608, %dma_wait3A_1609] : memref<6x128x128xf32, #tpu.memory_space<vmem>> -> memref<1x128x128xf32, #tpu.memory_space<vmem>>
    %dma_wait3A_1611 = tpu.memref_squeeze %dma_wait3A_1610 : memref<1x128x128xf32, #tpu.memory_space<vmem>> -> memref<128x128xf32, #tpu.memory_space<vmem>>
    %dma_wait3A_1612 = arith.constant 0 : i32
    %dma_wait3A_1613 = tpu.memref_slice %arg6[%dma_wait3A_1605, %dma_wait3A_1612] : memref<16x128xi32, #tpu.memory_space<vmem>> -> memref<1x128xi32, #tpu.memory_space<vmem>>
    %dma_wait3A_1614 = tpu.memref_squeeze %dma_wait3A_1613 : memref<1x128xi32, #tpu.memory_space<vmem>> -> memref<128xi32, #tpu.memory_space<vmem>>
    %dma_wait3A_1615 = arith.constant 0 : i32
    %dma_wait3A_1616 = arith.constant 0 : i32
    %dma_wait3A_1617 = tpu.memref_slice %arg3[%dma_wait3A_1615, %dma_wait3A_1616] : memref<100000x128xf32, #tpu.memory_space<hbm>> -> memref<100000x128xf32, #tpu.memory_space<hbm>>
    %dma_wait3A_1618 = tpu.memref_slice %arg9[%dma_wait3A_1607] : memref<6x!tpu.dma_semaphore, #tpu.memory_space<semaphore_mem>> -> memref<1x!tpu.dma_semaphore, #tpu.memory_space<semaphore_mem>>
    %dma_wait3A_1619 = tpu.memref_squeeze %dma_wait3A_1618 : memref<1x!tpu.dma_semaphore, #tpu.memory_space<semaphore_mem>> -> memref<!tpu.dma_semaphore, #tpu.memory_space<semaphore_mem>>
    tpu.wait_indirect_dma semaphore(%dma_wait3A_1619 : memref<!tpu.dma_semaphore, #tpu.memory_space<semaphore_mem>>) src(%dma_wait3A_1617 : memref<100000x128xf32, #tpu.memory_space<hbm>>) dst(%dma_wait3A_1611 : memref<128x128xf32, #tpu.memory_space<vmem>>)
    %dma_start3A_1620 = arith.constant 1 : i32
    %dma_start3A_1621 = arith.constant 13 : i32
    %dma_start3A_1622 = arith.constant 1 : i32
    %dma_start3A_1623 = arith.constant 0 : i32
    %dma_start3A_1624 = arith.constant 0 : i32
    %dma_start3A_1625 = tpu.memref_slice %arg7[%dma_start3A_1620, %dma_start3A_1623, %dma_start3A_1624] : memref<6x128x128xf32, #tpu.memory_space<vmem>> -> memref<1x128x128xf32, #tpu.memory_space<vmem>>
    %dma_start3A_1626 = tpu.memref_squeeze %dma_start3A_1625 : memref<1x128x128xf32, #tpu.memory_space<vmem>> -> memref<128x128xf32, #tpu.memory_space<vmem>>
    %dma_start3A_1627 = arith.constant 0 : i32
    %dma_start3A_1628 = arith.constant 0 : i32
    %dma_start3A_1629 = tpu.memref_slice %arg5[%add3A, %dma_start3A_1621, %dma_start3A_1627, %dma_start3A_1628] : memref<32x16x128x128xf32, #tpu.memory_space<hbm>> -> memref<1x1x128x128xf32, #tpu.memory_space<hbm>>
    %dma_start3A_1630 = tpu.memref_squeeze %dma_start3A_1629 : memref<1x1x128x128xf32, #tpu.memory_space<hbm>> -> memref<128x128xf32, #tpu.memory_space<hbm>>
    %dma_start3A_1631 = tpu.memref_slice %arg11[%dma_start3A_1622] : memref<6x!tpu.dma_semaphore, #tpu.memory_space<semaphore_mem>> -> memref<1x!tpu.dma_semaphore, #tpu.memory_space<semaphore_mem>>
    %dma_start3A_1632 = tpu.memref_squeeze %dma_start3A_1631 : memref<1x!tpu.dma_semaphore, #tpu.memory_space<semaphore_mem>> -> memref<!tpu.dma_semaphore, #tpu.memory_space<semaphore_mem>>
    %dma_start3A_1633 = arith.constant 0 : i32
    %dma_start3A_1634 = arith.constant 0 : i32
    %dma_start3A_1635 = tpu.memref_slice %arg5[%add3A, %dma_start3A_1621, %dma_start3A_1633, %dma_start3A_1634] : memref<32x16x128x128xf32, #tpu.memory_space<hbm>> -> memref<1x1x128x128xf32, #tpu.memory_space<hbm>>
    %dma_start3A_1636 = tpu.memref_squeeze %dma_start3A_1635 : memref<1x1x128x128xf32, #tpu.memory_space<hbm>> -> memref<128x128xf32, #tpu.memory_space<hbm>>
    %dma_start3A_1637 = arith.constant 0 : i32
    %dma_start3A_1638 = arith.constant 0 : i32
    %dma_start3A_1639 = tpu.memref_slice %arg7[%dma_start3A_1620, %dma_start3A_1637, %dma_start3A_1638] : memref<6x128x128xf32, #tpu.memory_space<vmem>> -> memref<1x128x128xf32, #tpu.memory_space<vmem>>
    %dma_start3A_1640 = tpu.memref_squeeze %dma_start3A_1639 : memref<1x128x128xf32, #tpu.memory_space<vmem>> -> memref<128x128xf32, #tpu.memory_space<vmem>>
    tpu.enqueue_dma source(%dma_start3A_1640 : memref<128x128xf32, #tpu.memory_space<vmem>>) target(%dma_start3A_1636 : memref<128x128xf32, #tpu.memory_space<hbm>>) target_semaphore(%dma_start3A_1632 : memref<!tpu.dma_semaphore, #tpu.memory_space<semaphore_mem>>)
    %dma_wait3A_1641 = arith.constant 14 : i32
    %dma_wait3A_1642 = arith.constant 2 : i32
    %dma_wait3A_1643 = arith.constant 2 : i32
    %dma_wait3A_1644 = arith.constant 0 : i32
    %dma_wait3A_1645 = arith.constant 0 : i32
    %dma_wait3A_1646 = tpu.memref_slice %arg7[%dma_wait3A_1642, %dma_wait3A_1644, %dma_wait3A_1645] : memref<6x128x128xf32, #tpu.memory_space<vmem>> -> memref<1x128x128xf32, #tpu.memory_space<vmem>>
    %dma_wait3A_1647 = tpu.memref_squeeze %dma_wait3A_1646 : memref<1x128x128xf32, #tpu.memory_space<vmem>> -> memref<128x128xf32, #tpu.memory_space<vmem>>
    %dma_wait3A_1648 = arith.constant 0 : i32
    %dma_wait3A_1649 = tpu.memref_slice %arg6[%dma_wait3A_1641, %dma_wait3A_1648] : memref<16x128xi32, #tpu.memory_space<vmem>> -> memref<1x128xi32, #tpu.memory_space<vmem>>
    %dma_wait3A_1650 = tpu.memref_squeeze %dma_wait3A_1649 : memref<1x128xi32, #tpu.memory_space<vmem>> -> memref<128xi32, #tpu.memory_space<vmem>>
    %dma_wait3A_1651 = arith.constant 0 : i32
    %dma_wait3A_1652 = arith.constant 0 : i32
    %dma_wait3A_1653 = tpu.memref_slice %arg3[%dma_wait3A_1651, %dma_wait3A_1652] : memref<100000x128xf32, #tpu.memory_space<hbm>> -> memref<100000x128xf32, #tpu.memory_space<hbm>>
    %dma_wait3A_1654 = tpu.memref_slice %arg9[%dma_wait3A_1643] : memref<6x!tpu.dma_semaphore, #tpu.memory_space<semaphore_mem>> -> memref<1x!tpu.dma_semaphore, #tpu.memory_space<semaphore_mem>>
    %dma_wait3A_1655 = tpu.memref_squeeze %dma_wait3A_1654 : memref<1x!tpu.dma_semaphore, #tpu.memory_space<semaphore_mem>> -> memref<!tpu.dma_semaphore, #tpu.memory_space<semaphore_mem>>
    tpu.wait_indirect_dma semaphore(%dma_wait3A_1655 : memref<!tpu.dma_semaphore, #tpu.memory_space<semaphore_mem>>) src(%dma_wait3A_1653 : memref<100000x128xf32, #tpu.memory_space<hbm>>) dst(%dma_wait3A_1647 : memref<128x128xf32, #tpu.memory_space<vmem>>)
    %dma_start3A_1656 = arith.constant 2 : i32
    %dma_start3A_1657 = arith.constant 14 : i32
    %dma_start3A_1658 = arith.constant 2 : i32
    %dma_start3A_1659 = arith.constant 0 : i32
    %dma_start3A_1660 = arith.constant 0 : i32
    %dma_start3A_1661 = tpu.memref_slice %arg7[%dma_start3A_1656, %dma_start3A_1659, %dma_start3A_1660] : memref<6x128x128xf32, #tpu.memory_space<vmem>> -> memref<1x128x128xf32, #tpu.memory_space<vmem>>
    %dma_start3A_1662 = tpu.memref_squeeze %dma_start3A_1661 : memref<1x128x128xf32, #tpu.memory_space<vmem>> -> memref<128x128xf32, #tpu.memory_space<vmem>>
    %dma_start3A_1663 = arith.constant 0 : i32
    %dma_start3A_1664 = arith.constant 0 : i32
    %dma_start3A_1665 = tpu.memref_slice %arg5[%add3A, %dma_start3A_1657, %dma_start3A_1663, %dma_start3A_1664] : memref<32x16x128x128xf32, #tpu.memory_space<hbm>> -> memref<1x1x128x128xf32, #tpu.memory_space<hbm>>
    %dma_start3A_1666 = tpu.memref_squeeze %dma_start3A_1665 : memref<1x1x128x128xf32, #tpu.memory_space<hbm>> -> memref<128x128xf32, #tpu.memory_space<hbm>>
    %dma_start3A_1667 = tpu.memref_slice %arg11[%dma_start3A_1658] : memref<6x!tpu.dma_semaphore, #tpu.memory_space<semaphore_mem>> -> memref<1x!tpu.dma_semaphore, #tpu.memory_space<semaphore_mem>>
    %dma_start3A_1668 = tpu.memref_squeeze %dma_start3A_1667 : memref<1x!tpu.dma_semaphore, #tpu.memory_space<semaphore_mem>> -> memref<!tpu.dma_semaphore, #tpu.memory_space<semaphore_mem>>
    %dma_start3A_1669 = arith.constant 0 : i32
    %dma_start3A_1670 = arith.constant 0 : i32
    %dma_start3A_1671 = tpu.memref_slice %arg5[%add3A, %dma_start3A_1657, %dma_start3A_1669, %dma_start3A_1670] : memref<32x16x128x128xf32, #tpu.memory_space<hbm>> -> memref<1x1x128x128xf32, #tpu.memory_space<hbm>>
    %dma_start3A_1672 = tpu.memref_squeeze %dma_start3A_1671 : memref<1x1x128x128xf32, #tpu.memory_space<hbm>> -> memref<128x128xf32, #tpu.memory_space<hbm>>
    %dma_start3A_1673 = arith.constant 0 : i32
    %dma_start3A_1674 = arith.constant 0 : i32
    %dma_start3A_1675 = tpu.memref_slice %arg7[%dma_start3A_1656, %dma_start3A_1673, %dma_start3A_1674] : memref<6x128x128xf32, #tpu.memory_space<vmem>> -> memref<1x128x128xf32, #tpu.memory_space<vmem>>
    %dma_start3A_1676 = tpu.memref_squeeze %dma_start3A_1675 : memref<1x128x128xf32, #tpu.memory_space<vmem>> -> memref<128x128xf32, #tpu.memory_space<vmem>>
    tpu.enqueue_dma source(%dma_start3A_1676 : memref<128x128xf32, #tpu.memory_space<vmem>>) target(%dma_start3A_1672 : memref<128x128xf32, #tpu.memory_space<hbm>>) target_semaphore(%dma_start3A_1668 : memref<!tpu.dma_semaphore, #tpu.memory_space<semaphore_mem>>)
    %dma_wait3A_1677 = arith.constant 15 : i32
    %dma_wait3A_1678 = arith.constant 3 : i32
    %dma_wait3A_1679 = arith.constant 3 : i32
    %dma_wait3A_1680 = arith.constant 0 : i32
    %dma_wait3A_1681 = arith.constant 0 : i32
    %dma_wait3A_1682 = tpu.memref_slice %arg7[%dma_wait3A_1678, %dma_wait3A_1680, %dma_wait3A_1681] : memref<6x128x128xf32, #tpu.memory_space<vmem>> -> memref<1x128x128xf32, #tpu.memory_space<vmem>>
    %dma_wait3A_1683 = tpu.memref_squeeze %dma_wait3A_1682 : memref<1x128x128xf32, #tpu.memory_space<vmem>> -> memref<128x128xf32, #tpu.memory_space<vmem>>
    %dma_wait3A_1684 = arith.constant 0 : i32
    %dma_wait3A_1685 = tpu.memref_slice %arg6[%dma_wait3A_1677, %dma_wait3A_1684] : memref<16x128xi32, #tpu.memory_space<vmem>> -> memref<1x128xi32, #tpu.memory_space<vmem>>
    %dma_wait3A_1686 = tpu.memref_squeeze %dma_wait3A_1685 : memref<1x128xi32, #tpu.memory_space<vmem>> -> memref<128xi32, #tpu.memory_space<vmem>>
    %dma_wait3A_1687 = arith.constant 0 : i32
    %dma_wait3A_1688 = arith.constant 0 : i32
    %dma_wait3A_1689 = tpu.memref_slice %arg3[%dma_wait3A_1687, %dma_wait3A_1688] : memref<100000x128xf32, #tpu.memory_space<hbm>> -> memref<100000x128xf32, #tpu.memory_space<hbm>>
    %dma_wait3A_1690 = tpu.memref_slice %arg9[%dma_wait3A_1679] : memref<6x!tpu.dma_semaphore, #tpu.memory_space<semaphore_mem>> -> memref<1x!tpu.dma_semaphore, #tpu.memory_space<semaphore_mem>>
    %dma_wait3A_1691 = tpu.memref_squeeze %dma_wait3A_1690 : memref<1x!tpu.dma_semaphore, #tpu.memory_space<semaphore_mem>> -> memref<!tpu.dma_semaphore, #tpu.memory_space<semaphore_mem>>
    tpu.wait_indirect_dma semaphore(%dma_wait3A_1691 : memref<!tpu.dma_semaphore, #tpu.memory_space<semaphore_mem>>) src(%dma_wait3A_1689 : memref<100000x128xf32, #tpu.memory_space<hbm>>) dst(%dma_wait3A_1683 : memref<128x128xf32, #tpu.memory_space<vmem>>)
    %dma_start3A_1692 = arith.constant 3 : i32
    %dma_start3A_1693 = arith.constant 15 : i32
    %dma_start3A_1694 = arith.constant 3 : i32
    %dma_start3A_1695 = arith.constant 0 : i32
    %dma_start3A_1696 = arith.constant 0 : i32
    %dma_start3A_1697 = tpu.memref_slice %arg7[%dma_start3A_1692, %dma_start3A_1695, %dma_start3A_1696] : memref<6x128x128xf32, #tpu.memory_space<vmem>> -> memref<1x128x128xf32, #tpu.memory_space<vmem>>
    %dma_start3A_1698 = tpu.memref_squeeze %dma_start3A_1697 : memref<1x128x128xf32, #tpu.memory_space<vmem>> -> memref<128x128xf32, #tpu.memory_space<vmem>>
    %dma_start3A_1699 = arith.constant 0 : i32
    %dma_start3A_1700 = arith.constant 0 : i32
    %dma_start3A_1701 = tpu.memref_slice %arg5[%add3A, %dma_start3A_1693, %dma_start3A_1699, %dma_start3A_1700] : memref<32x16x128x128xf32, #tpu.memory_space<hbm>> -> memref<1x1x128x128xf32, #tpu.memory_space<hbm>>
    %dma_start3A_1702 = tpu.memref_squeeze %dma_start3A_1701 : memref<1x1x128x128xf32, #tpu.memory_space<hbm>> -> memref<128x128xf32, #tpu.memory_space<hbm>>
    %dma_start3A_1703 = tpu.memref_slice %arg11[%dma_start3A_1694] : memref<6x!tpu.dma_semaphore, #tpu.memory_space<semaphore_mem>> -> memref<1x!tpu.dma_semaphore, #tpu.memory_space<semaphore_mem>>
    %dma_start3A_1704 = tpu.memref_squeeze %dma_start3A_1703 : memref<1x!tpu.dma_semaphore, #tpu.memory_space<semaphore_mem>> -> memref<!tpu.dma_semaphore, #tpu.memory_space<semaphore_mem>>
    %dma_start3A_1705 = arith.constant 0 : i32
    %dma_start3A_1706 = arith.constant 0 : i32
    %dma_start3A_1707 = tpu.memref_slice %arg5[%add3A, %dma_start3A_1693, %dma_start3A_1705, %dma_start3A_1706] : memref<32x16x128x128xf32, #tpu.memory_space<hbm>> -> memref<1x1x128x128xf32, #tpu.memory_space<hbm>>
    %dma_start3A_1708 = tpu.memref_squeeze %dma_start3A_1707 : memref<1x1x128x128xf32, #tpu.memory_space<hbm>> -> memref<128x128xf32, #tpu.memory_space<hbm>>
    %dma_start3A_1709 = arith.constant 0 : i32
    %dma_start3A_1710 = arith.constant 0 : i32
    %dma_start3A_1711 = tpu.memref_slice %arg7[%dma_start3A_1692, %dma_start3A_1709, %dma_start3A_1710] : memref<6x128x128xf32, #tpu.memory_space<vmem>> -> memref<1x128x128xf32, #tpu.memory_space<vmem>>
    %dma_start3A_1712 = tpu.memref_squeeze %dma_start3A_1711 : memref<1x128x128xf32, #tpu.memory_space<vmem>> -> memref<128x128xf32, #tpu.memory_space<vmem>>
    tpu.enqueue_dma source(%dma_start3A_1712 : memref<128x128xf32, #tpu.memory_space<vmem>>) target(%dma_start3A_1708 : memref<128x128xf32, #tpu.memory_space<hbm>>) target_semaphore(%dma_start3A_1704 : memref<!tpu.dma_semaphore, #tpu.memory_space<semaphore_mem>>)
    %dma_wait3A_1713 = arith.constant 4 : i32
    %dma_wait3A_1714 = arith.constant 10 : i32
    %dma_wait3A_1715 = arith.constant 4 : i32
    %dma_wait3A_1716 = arith.constant 0 : i32
    %dma_wait3A_1717 = arith.constant 0 : i32
    %dma_wait3A_1718 = tpu.memref_slice %arg7[%dma_wait3A_1713, %dma_wait3A_1716, %dma_wait3A_1717] : memref<6x128x128xf32, #tpu.memory_space<vmem>> -> memref<1x128x128xf32, #tpu.memory_space<vmem>>
    %dma_wait3A_1719 = tpu.memref_squeeze %dma_wait3A_1718 : memref<1x128x128xf32, #tpu.memory_space<vmem>> -> memref<128x128xf32, #tpu.memory_space<vmem>>
    %dma_wait3A_1720 = arith.constant 0 : i32
    %dma_wait3A_1721 = arith.constant 0 : i32
    %dma_wait3A_1722 = tpu.memref_slice %arg5[%add3A, %dma_wait3A_1714, %dma_wait3A_1720, %dma_wait3A_1721] : memref<32x16x128x128xf32, #tpu.memory_space<hbm>> -> memref<1x1x128x128xf32, #tpu.memory_space<hbm>>
    %dma_wait3A_1723 = tpu.memref_squeeze %dma_wait3A_1722 : memref<1x1x128x128xf32, #tpu.memory_space<hbm>> -> memref<128x128xf32, #tpu.memory_space<hbm>>
    %dma_wait3A_1724 = tpu.memref_slice %arg11[%dma_wait3A_1715] : memref<6x!tpu.dma_semaphore, #tpu.memory_space<semaphore_mem>> -> memref<1x!tpu.dma_semaphore, #tpu.memory_space<semaphore_mem>>
    %dma_wait3A_1725 = tpu.memref_squeeze %dma_wait3A_1724 : memref<1x!tpu.dma_semaphore, #tpu.memory_space<semaphore_mem>> -> memref<!tpu.dma_semaphore, #tpu.memory_space<semaphore_mem>>
    %dma_wait3A_1726 = arith.constant 0 : i32
    %dma_wait3A_1727 = arith.constant 0 : i32
    %dma_wait3A_1728 = tpu.memref_slice %arg5[%add3A, %dma_wait3A_1714, %dma_wait3A_1726, %dma_wait3A_1727] : memref<32x16x128x128xf32, #tpu.memory_space<hbm>> -> memref<1x1x128x128xf32, #tpu.memory_space<hbm>>
    %dma_wait3A_1729 = tpu.memref_squeeze %dma_wait3A_1728 : memref<1x1x128x128xf32, #tpu.memory_space<hbm>> -> memref<128x128xf32, #tpu.memory_space<hbm>>
    %dma_wait3A_1730 = arith.constant 0 : i32
    %dma_wait3A_1731 = arith.constant 0 : i32
    %dma_wait3A_1732 = tpu.memref_slice %arg7[%dma_wait3A_1713, %dma_wait3A_1730, %dma_wait3A_1731] : memref<6x128x128xf32, #tpu.memory_space<vmem>> -> memref<1x128x128xf32, #tpu.memory_space<vmem>>
    %dma_wait3A_1733 = tpu.memref_squeeze %dma_wait3A_1732 : memref<1x128x128xf32, #tpu.memory_space<vmem>> -> memref<128x128xf32, #tpu.memory_space<vmem>>
    tpu.wait_dma2 semaphore(%dma_wait3A_1725 : memref<!tpu.dma_semaphore, #tpu.memory_space<semaphore_mem>>) src(%dma_wait3A_1733 : memref<128x128xf32, #tpu.memory_space<vmem>>) dst(%dma_wait3A_1729 : memref<128x128xf32, #tpu.memory_space<hbm>>)
    %dma_wait3A_1734 = arith.constant 5 : i32
    %dma_wait3A_1735 = arith.constant 11 : i32
    %dma_wait3A_1736 = arith.constant 5 : i32
    %dma_wait3A_1737 = arith.constant 0 : i32
    %dma_wait3A_1738 = arith.constant 0 : i32
    %dma_wait3A_1739 = tpu.memref_slice %arg7[%dma_wait3A_1734, %dma_wait3A_1737, %dma_wait3A_1738] : memref<6x128x128xf32, #tpu.memory_space<vmem>> -> memref<1x128x128xf32, #tpu.memory_space<vmem>>
    %dma_wait3A_1740 = tpu.memref_squeeze %dma_wait3A_1739 : memref<1x128x128xf32, #tpu.memory_space<vmem>> -> memref<128x128xf32, #tpu.memory_space<vmem>>
    %dma_wait3A_1741 = arith.constant 0 : i32
    %dma_wait3A_1742 = arith.constant 0 : i32
    %dma_wait3A_1743 = tpu.memref_slice %arg5[%add3A, %dma_wait3A_1735, %dma_wait3A_1741, %dma_wait3A_1742] : memref<32x16x128x128xf32, #tpu.memory_space<hbm>> -> memref<1x1x128x128xf32, #tpu.memory_space<hbm>>
    %dma_wait3A_1744 = tpu.memref_squeeze %dma_wait3A_1743 : memref<1x1x128x128xf32, #tpu.memory_space<hbm>> -> memref<128x128xf32, #tpu.memory_space<hbm>>
    %dma_wait3A_1745 = tpu.memref_slice %arg11[%dma_wait3A_1736] : memref<6x!tpu.dma_semaphore, #tpu.memory_space<semaphore_mem>> -> memref<1x!tpu.dma_semaphore, #tpu.memory_space<semaphore_mem>>
    %dma_wait3A_1746 = tpu.memref_squeeze %dma_wait3A_1745 : memref<1x!tpu.dma_semaphore, #tpu.memory_space<semaphore_mem>> -> memref<!tpu.dma_semaphore, #tpu.memory_space<semaphore_mem>>
    %dma_wait3A_1747 = arith.constant 0 : i32
    %dma_wait3A_1748 = arith.constant 0 : i32
    %dma_wait3A_1749 = tpu.memref_slice %arg5[%add3A, %dma_wait3A_1735, %dma_wait3A_1747, %dma_wait3A_1748] : memref<32x16x128x128xf32, #tpu.memory_space<hbm>> -> memref<1x1x128x128xf32, #tpu.memory_space<hbm>>
    %dma_wait3A_1750 = tpu.memref_squeeze %dma_wait3A_1749 : memref<1x1x128x128xf32, #tpu.memory_space<hbm>> -> memref<128x128xf32, #tpu.memory_space<hbm>>
    %dma_wait3A_1751 = arith.constant 0 : i32
    %dma_wait3A_1752 = arith.constant 0 : i32
    %dma_wait3A_1753 = tpu.memref_slice %arg7[%dma_wait3A_1734, %dma_wait3A_1751, %dma_wait3A_1752] : memref<6x128x128xf32, #tpu.memory_space<vmem>> -> memref<1x128x128xf32, #tpu.memory_space<vmem>>
    %dma_wait3A_1754 = tpu.memref_squeeze %dma_wait3A_1753 : memref<1x128x128xf32, #tpu.memory_space<vmem>> -> memref<128x128xf32, #tpu.memory_space<vmem>>
    tpu.wait_dma2 semaphore(%dma_wait3A_1746 : memref<!tpu.dma_semaphore, #tpu.memory_space<semaphore_mem>>) src(%dma_wait3A_1754 : memref<128x128xf32, #tpu.memory_space<vmem>>) dst(%dma_wait3A_1750 : memref<128x128xf32, #tpu.memory_space<hbm>>)
    %dma_wait3A_1755 = arith.constant 0 : i32
    %dma_wait3A_1756 = arith.constant 12 : i32
    %dma_wait3A_1757 = arith.constant 0 : i32
    %dma_wait3A_1758 = arith.constant 0 : i32
    %dma_wait3A_1759 = arith.constant 0 : i32
    %dma_wait3A_1760 = tpu.memref_slice %arg7[%dma_wait3A_1755, %dma_wait3A_1758, %dma_wait3A_1759] : memref<6x128x128xf32, #tpu.memory_space<vmem>> -> memref<1x128x128xf32, #tpu.memory_space<vmem>>
    %dma_wait3A_1761 = tpu.memref_squeeze %dma_wait3A_1760 : memref<1x128x128xf32, #tpu.memory_space<vmem>> -> memref<128x128xf32, #tpu.memory_space<vmem>>
    %dma_wait3A_1762 = arith.constant 0 : i32
    %dma_wait3A_1763 = arith.constant 0 : i32
    %dma_wait3A_1764 = tpu.memref_slice %arg5[%add3A, %dma_wait3A_1756, %dma_wait3A_1762, %dma_wait3A_1763] : memref<32x16x128x128xf32, #tpu.memory_space<hbm>> -> memref<1x1x128x128xf32, #tpu.memory_space<hbm>>
    %dma_wait3A_1765 = tpu.memref_squeeze %dma_wait3A_1764 : memref<1x1x128x128xf32, #tpu.memory_space<hbm>> -> memref<128x128xf32, #tpu.memory_space<hbm>>
    %dma_wait3A_1766 = tpu.memref_slice %arg11[%dma_wait3A_1757] : memref<6x!tpu.dma_semaphore, #tpu.memory_space<semaphore_mem>> -> memref<1x!tpu.dma_semaphore, #tpu.memory_space<semaphore_mem>>
    %dma_wait3A_1767 = tpu.memref_squeeze %dma_wait3A_1766 : memref<1x!tpu.dma_semaphore, #tpu.memory_space<semaphore_mem>> -> memref<!tpu.dma_semaphore, #tpu.memory_space<semaphore_mem>>
    %dma_wait3A_1768 = arith.constant 0 : i32
    %dma_wait3A_1769 = arith.constant 0 : i32
    %dma_wait3A_1770 = tpu.memref_slice %arg5[%add3A, %dma_wait3A_1756, %dma_wait3A_1768, %dma_wait3A_1769] : memref<32x16x128x128xf32, #tpu.memory_space<hbm>> -> memref<1x1x128x128xf32, #tpu.memory_space<hbm>>
    %dma_wait3A_1771 = tpu.memref_squeeze %dma_wait3A_1770 : memref<1x1x128x128xf32, #tpu.memory_space<hbm>> -> memref<128x128xf32, #tpu.memory_space<hbm>>
    %dma_wait3A_1772 = arith.constant 0 : i32
    %dma_wait3A_1773 = arith.constant 0 : i32
    %dma_wait3A_1774 = tpu.memref_slice %arg7[%dma_wait3A_1755, %dma_wait3A_1772, %dma_wait3A_1773] : memref<6x128x128xf32, #tpu.memory_space<vmem>> -> memref<1x128x128xf32, #tpu.memory_space<vmem>>
    %dma_wait3A_1775 = tpu.memref_squeeze %dma_wait3A_1774 : memref<1x128x128xf32, #tpu.memory_space<vmem>> -> memref<128x128xf32, #tpu.memory_space<vmem>>
    tpu.wait_dma2 semaphore(%dma_wait3A_1767 : memref<!tpu.dma_semaphore, #tpu.memory_space<semaphore_mem>>) src(%dma_wait3A_1775 : memref<128x128xf32, #tpu.memory_space<vmem>>) dst(%dma_wait3A_1771 : memref<128x128xf32, #tpu.memory_space<hbm>>)
    %dma_wait3A_1776 = arith.constant 1 : i32
    %dma_wait3A_1777 = arith.constant 13 : i32
    %dma_wait3A_1778 = arith.constant 1 : i32
    %dma_wait3A_1779 = arith.constant 0 : i32
    %dma_wait3A_1780 = arith.constant 0 : i32
    %dma_wait3A_1781 = tpu.memref_slice %arg7[%dma_wait3A_1776, %dma_wait3A_1779, %dma_wait3A_1780] : memref<6x128x128xf32, #tpu.memory_space<vmem>> -> memref<1x128x128xf32, #tpu.memory_space<vmem>>
    %dma_wait3A_1782 = tpu.memref_squeeze %dma_wait3A_1781 : memref<1x128x128xf32, #tpu.memory_space<vmem>> -> memref<128x128xf32, #tpu.memory_space<vmem>>
    %dma_wait3A_1783 = arith.constant 0 : i32
    %dma_wait3A_1784 = arith.constant 0 : i32
    %dma_wait3A_1785 = tpu.memref_slice %arg5[%add3A, %dma_wait3A_1777, %dma_wait3A_1783, %dma_wait3A_1784] : memref<32x16x128x128xf32, #tpu.memory_space<hbm>> -> memref<1x1x128x128xf32, #tpu.memory_space<hbm>>
    %dma_wait3A_1786 = tpu.memref_squeeze %dma_wait3A_1785 : memref<1x1x128x128xf32, #tpu.memory_space<hbm>> -> memref<128x128xf32, #tpu.memory_space<hbm>>
    %dma_wait3A_1787 = tpu.memref_slice %arg11[%dma_wait3A_1778] : memref<6x!tpu.dma_semaphore, #tpu.memory_space<semaphore_mem>> -> memref<1x!tpu.dma_semaphore, #tpu.memory_space<semaphore_mem>>
    %dma_wait3A_1788 = tpu.memref_squeeze %dma_wait3A_1787 : memref<1x!tpu.dma_semaphore, #tpu.memory_space<semaphore_mem>> -> memref<!tpu.dma_semaphore, #tpu.memory_space<semaphore_mem>>
    %dma_wait3A_1789 = arith.constant 0 : i32
    %dma_wait3A_1790 = arith.constant 0 : i32
    %dma_wait3A_1791 = tpu.memref_slice %arg5[%add3A, %dma_wait3A_1777, %dma_wait3A_1789, %dma_wait3A_1790] : memref<32x16x128x128xf32, #tpu.memory_space<hbm>> -> memref<1x1x128x128xf32, #tpu.memory_space<hbm>>
    %dma_wait3A_1792 = tpu.memref_squeeze %dma_wait3A_1791 : memref<1x1x128x128xf32, #tpu.memory_space<hbm>> -> memref<128x128xf32, #tpu.memory_space<hbm>>
    %dma_wait3A_1793 = arith.constant 0 : i32
    %dma_wait3A_1794 = arith.constant 0 : i32
    %dma_wait3A_1795 = tpu.memref_slice %arg7[%dma_wait3A_1776, %dma_wait3A_1793, %dma_wait3A_1794] : memref<6x128x128xf32, #tpu.memory_space<vmem>> -> memref<1x128x128xf32, #tpu.memory_space<vmem>>
    %dma_wait3A_1796 = tpu.memref_squeeze %dma_wait3A_1795 : memref<1x128x128xf32, #tpu.memory_space<vmem>> -> memref<128x128xf32, #tpu.memory_space<vmem>>
    tpu.wait_dma2 semaphore(%dma_wait3A_1788 : memref<!tpu.dma_semaphore, #tpu.memory_space<semaphore_mem>>) src(%dma_wait3A_1796 : memref<128x128xf32, #tpu.memory_space<vmem>>) dst(%dma_wait3A_1792 : memref<128x128xf32, #tpu.memory_space<hbm>>)
    %dma_wait3A_1797 = arith.constant 2 : i32
    %dma_wait3A_1798 = arith.constant 14 : i32
    %dma_wait3A_1799 = arith.constant 2 : i32
    %dma_wait3A_1800 = arith.constant 0 : i32
    %dma_wait3A_1801 = arith.constant 0 : i32
    %dma_wait3A_1802 = tpu.memref_slice %arg7[%dma_wait3A_1797, %dma_wait3A_1800, %dma_wait3A_1801] : memref<6x128x128xf32, #tpu.memory_space<vmem>> -> memref<1x128x128xf32, #tpu.memory_space<vmem>>
    %dma_wait3A_1803 = tpu.memref_squeeze %dma_wait3A_1802 : memref<1x128x128xf32, #tpu.memory_space<vmem>> -> memref<128x128xf32, #tpu.memory_space<vmem>>
    %dma_wait3A_1804 = arith.constant 0 : i32
    %dma_wait3A_1805 = arith.constant 0 : i32
    %dma_wait3A_1806 = tpu.memref_slice %arg5[%add3A, %dma_wait3A_1798, %dma_wait3A_1804, %dma_wait3A_1805] : memref<32x16x128x128xf32, #tpu.memory_space<hbm>> -> memref<1x1x128x128xf32, #tpu.memory_space<hbm>>
    %dma_wait3A_1807 = tpu.memref_squeeze %dma_wait3A_1806 : memref<1x1x128x128xf32, #tpu.memory_space<hbm>> -> memref<128x128xf32, #tpu.memory_space<hbm>>
    %dma_wait3A_1808 = tpu.memref_slice %arg11[%dma_wait3A_1799] : memref<6x!tpu.dma_semaphore, #tpu.memory_space<semaphore_mem>> -> memref<1x!tpu.dma_semaphore, #tpu.memory_space<semaphore_mem>>
    %dma_wait3A_1809 = tpu.memref_squeeze %dma_wait3A_1808 : memref<1x!tpu.dma_semaphore, #tpu.memory_space<semaphore_mem>> -> memref<!tpu.dma_semaphore, #tpu.memory_space<semaphore_mem>>
    %dma_wait3A_1810 = arith.constant 0 : i32
    %dma_wait3A_1811 = arith.constant 0 : i32
    %dma_wait3A_1812 = tpu.memref_slice %arg5[%add3A, %dma_wait3A_1798, %dma_wait3A_1810, %dma_wait3A_1811] : memref<32x16x128x128xf32, #tpu.memory_space<hbm>> -> memref<1x1x128x128xf32, #tpu.memory_space<hbm>>
    %dma_wait3A_1813 = tpu.memref_squeeze %dma_wait3A_1812 : memref<1x1x128x128xf32, #tpu.memory_space<hbm>> -> memref<128x128xf32, #tpu.memory_space<hbm>>
    %dma_wait3A_1814 = arith.constant 0 : i32
    %dma_wait3A_1815 = arith.constant 0 : i32
    %dma_wait3A_1816 = tpu.memref_slice %arg7[%dma_wait3A_1797, %dma_wait3A_1814, %dma_wait3A_1815] : memref<6x128x128xf32, #tpu.memory_space<vmem>> -> memref<1x128x128xf32, #tpu.memory_space<vmem>>
    %dma_wait3A_1817 = tpu.memref_squeeze %dma_wait3A_1816 : memref<1x128x128xf32, #tpu.memory_space<vmem>> -> memref<128x128xf32, #tpu.memory_space<vmem>>
    tpu.wait_dma2 semaphore(%dma_wait3A_1809 : memref<!tpu.dma_semaphore, #tpu.memory_space<semaphore_mem>>) src(%dma_wait3A_1817 : memref<128x128xf32, #tpu.memory_space<vmem>>) dst(%dma_wait3A_1813 : memref<128x128xf32, #tpu.memory_space<hbm>>)
    %dma_wait3A_1818 = arith.constant 3 : i32
    %dma_wait3A_1819 = arith.constant 15 : i32
    %dma_wait3A_1820 = arith.constant 3 : i32
    %dma_wait3A_1821 = arith.constant 0 : i32
    %dma_wait3A_1822 = arith.constant 0 : i32
    %dma_wait3A_1823 = tpu.memref_slice %arg7[%dma_wait3A_1818, %dma_wait3A_1821, %dma_wait3A_1822] : memref<6x128x128xf32, #tpu.memory_space<vmem>> -> memref<1x128x128xf32, #tpu.memory_space<vmem>>
    %dma_wait3A_1824 = tpu.memref_squeeze %dma_wait3A_1823 : memref<1x128x128xf32, #tpu.memory_space<vmem>> -> memref<128x128xf32, #tpu.memory_space<vmem>>
    %dma_wait3A_1825 = arith.constant 0 : i32
    %dma_wait3A_1826 = arith.constant 0 : i32
    %dma_wait3A_1827 = tpu.memref_slice %arg5[%add3A, %dma_wait3A_1819, %dma_wait3A_1825, %dma_wait3A_1826] : memref<32x16x128x128xf32, #tpu.memory_space<hbm>> -> memref<1x1x128x128xf32, #tpu.memory_space<hbm>>
    %dma_wait3A_1828 = tpu.memref_squeeze %dma_wait3A_1827 : memref<1x1x128x128xf32, #tpu.memory_space<hbm>> -> memref<128x128xf32, #tpu.memory_space<hbm>>
    %dma_wait3A_1829 = tpu.memref_slice %arg11[%dma_wait3A_1820] : memref<6x!tpu.dma_semaphore, #tpu.memory_space<semaphore_mem>> -> memref<1x!tpu.dma_semaphore, #tpu.memory_space<semaphore_mem>>
    %dma_wait3A_1830 = tpu.memref_squeeze %dma_wait3A_1829 : memref<1x!tpu.dma_semaphore, #tpu.memory_space<semaphore_mem>> -> memref<!tpu.dma_semaphore, #tpu.memory_space<semaphore_mem>>
    %dma_wait3A_1831 = arith.constant 0 : i32
    %dma_wait3A_1832 = arith.constant 0 : i32
    %dma_wait3A_1833 = tpu.memref_slice %arg5[%add3A, %dma_wait3A_1819, %dma_wait3A_1831, %dma_wait3A_1832] : memref<32x16x128x128xf32, #tpu.memory_space<hbm>> -> memref<1x1x128x128xf32, #tpu.memory_space<hbm>>
    %dma_wait3A_1834 = tpu.memref_squeeze %dma_wait3A_1833 : memref<1x1x128x128xf32, #tpu.memory_space<hbm>> -> memref<128x128xf32, #tpu.memory_space<hbm>>
    %dma_wait3A_1835 = arith.constant 0 : i32
    %dma_wait3A_1836 = arith.constant 0 : i32
    %dma_wait3A_1837 = tpu.memref_slice %arg7[%dma_wait3A_1818, %dma_wait3A_1835, %dma_wait3A_1836] : memref<6x128x128xf32, #tpu.memory_space<vmem>> -> memref<1x128x128xf32, #tpu.memory_space<vmem>>
    %dma_wait3A_1838 = tpu.memref_squeeze %dma_wait3A_1837 : memref<1x128x128xf32, #tpu.memory_space<vmem>> -> memref<128x128xf32, #tpu.memory_space<vmem>>
    tpu.wait_dma2 semaphore(%dma_wait3A_1830 : memref<!tpu.dma_semaphore, #tpu.memory_space<semaphore_mem>>) src(%dma_wait3A_1838 : memref<128x128xf32, #tpu.memory_space<vmem>>) dst(%dma_wait3A_1834 : memref<128x128xf32, #tpu.memory_space<hbm>>)
    return
  }
}

</mosaic_0001>

<sc_bundles>
// kernel: kernel.3.cloned.1.call-start
scs
__scs_entry_jumppad:
0x0: {  	(pc) =	sbr.rel $0x88, $3  }
0x1: {  	(tag) =	ssettag $0x0;
	lr =	simm.s32 $0x1  }
0x2: {  	[smem:$0x3F9E] =	sst lr;
	_ =	strace $0xD0000000  }
0x3: {  	_ = 	snop  }
0x4: {  	_ = 	snop  }
0x5: {  	_ = 	snop  }
0x6: {  	_ = 	snop  }
0x7: {  	_ = 	snop  }
__scs_overlays_trampoline_lowered:
0x8: {  	[smem:$0x3FAD] =	sst s0  }
0x9: {  	[smem:$0x3FAE] =	sst s1  }
0xa: {  	[smem:$0x3FAF] =	sst s2  }
0xb: {  	[smem:$0x3FB0] =	sst s3  }
0xc: {  	[smem:$0x3FB1] =	sst s4  }
0xd: {  	[smem:$0x3FB2] =	sst s5  }
0xe: {  	[smem:$0x3FB3] =	sst s6  }
0xf: {  	[smem:$0x3FB4] =	sst s7  }
0x10: {  	[smem:$0x3FB5] =	sst s8  }
0x11: {  	[smem:$0x3FB6] =	sst s9;
	s0 =	simm.s32 @!p0 $0x0  }
0x12: {  	s1 =	sld [smem:$0x3F9C];
	s0 =	simm.s32 @p0 $0x1  }
0x13: {  	[smem:$0x3FB7] =	sst s0;
	s0 =	simm.s32 @!p1 $0x0  }
0x14: {  	s2 =	sld [smem:$0x3F9B];
	s0 =	simm.s32 @p1 $0x1  }
0x15: {  	[smem:$0x3FB8] =	sst s0;
	s0 =	simm.s32 @!p2 $0x0  }
0x16: {  	s3 =	sld [smem:$0x3FDB];
	s0 =	simm.s32 @p2 $0x1  }
0x17: {  	s4 =	simm.s32 $0x1BF5;
	[smem:$0x3FBA] =	sst s0  }
0x18: {  	s0 =	sld [smem:$0x3F9D];
	_ =	swait.ge [sflag:s4], $0x0  }
0x19: {  	s7 =	sld [smem:$0x3F9E]  }
0x1a: {  	s8 =	sadd.s32 $0xFFFFE003, lr  }
0x1b: {  	s9 =	sadd.s32 $0xFFFFFEF7, lr;
	s5 =	simm.s32 $0xFFFFFFFF;
	p2 =	slt.u32 s8, $0xFFFFF086  }
0x1c: {  	p1 =	slt.u32 s9, $0xF7A;
	s5 =	simm.s32 @!p2 $0x0  }
0x1d: {  	s5 =	simm.s32 @p1 $0x1;
	p0 =	seq.s32 s7, s2  }
0x1e: {  	s7 =	smul.u32 @!p0 $0xF7A, s2;
	p2 =	seq.s32 @!p0 s5, $0x0  }
0x1f: {  	s9 =	smul.u32 $0xF7A, s1;
	s8 =	simm.s32 @!p0 $0x1BF5;
	p2 =	por !p2, p0  }
0x20: {  	[sflag:s8] =	ssyncset.s32 @!p0 $0xFFFFF086;
	s6 =	sadd.s32 @!p0 s3, s7;
	s7 =	simm.s32 @!p0 $0x108  }
0x21: {  	s3 =	sadd.s32 s3, s9;
	s6 =	sadd.s32 @!p0 $0x88, s6;
	s7 =	simm.s32 @p2 $0x1082  }
0x22: {  	[simem:s7], [sflag:s8] =	dma.local @!p0 [hbm:s6], $0xF7A  }
0x23: {  	s9 =	sor.u32 $0xD0000000, s2;
	s6 =	simm.s32 $0x108;
	_ =	swait.ge @!p0 [sflag:s8], $0x0  }
0x24: {  	s3 =	sadd.s32 $0x88, s3;
	s6 =	simm.s32 @!p1 $0x1082;
	[sflag:s4] =	ssyncset.s32 $0xFFFFF086  }
0x25: {  	[simem:s6], [sflag:s4] =	dma.local [hbm:s3], $0xF7A  }
0x26: {  	[smem:$0x3F9E] =	sst s1;
	(tag) =	ssettag s2;
	_ =	strace s9  }
0x27: {  	s1 =	sld [smem:$0x3FAE]  }
0x28: {  	s2 =	sld [smem:$0x3FAF]  }
0x29: {  	s4 =	sld [smem:$0x3FB1]  }
0x2a: {  	p0 =	seq.s32 s5, $0x0;
	s5 =	sld [smem:$0x3FB2]  }
0x2b: {  	s6 =	sld [smem:$0x3FB3]  }
0x2c: {  	s7 =	sld [smem:$0x3FB4]  }
0x2d: {  	s3 =	simm.s32 $0x108;
	s8 =	sld [smem:$0x3FB5]  }
0x2e: {  	s3 =	simm.s32 @!p0 $0x1082;
	s9 =	sld [smem:$0x3FB6]  }
0x2f: {  	lr =	sadd.s32 s0, s3;
	s0 =	sld [smem:$0x3FAD]  }
0x30: {  	s3 =	sld [smem:$0x3FB0]  }
0x31: {  	[smem:$0x3FB9] =	sst s10  }
0x32: {  	s10 =	sld [smem:$0x3FB7];
	_ =	sdelay $0x3  }
0x33: {  	p0 =	seq.s32 s10, $0x1;
	s10 =	sld [smem:$0x3FB9];
	_ =	sdelay $0x3  }
0x34: {  	[smem:$0x3FB9] =	sst s10  }
0x35: {  	s10 =	sld [smem:$0x3FB8];
	_ =	sdelay $0x3  }
0x36: {  	p1 =	seq.s32 s10, $0x1;
	s10 =	sld [smem:$0x3FB9];
	_ =	sdelay $0x3  }
0x37: {  	[smem:$0x3FB9] =	sst s10  }
0x38: {  	s10 =	sld [smem:$0x3FBA]  }
0x39: {  	_ = 	snop;
	(pc) =	sbr.ind lr, $3  }
0x3a: {  	_ = 	snop  }
0x3b: {  	_ = 	snop  }
0x3c: {  	p2 =	seq.s32 s10, $0x1;
	s10 =	sld [smem:$0x3FB9]  }
0x3d: {  	_ =	shalt  }
0x3e: {  	_ =	shalt  }
0x3f: {  	_ =	shalt  }
0x40: {  	_ =	shalt  }
0x41: {  	_ =	shalt  }
0x42: {  	_ =	shalt  }
0x43: {  	_ =	shalt  }
0x44: {  	_ =	shalt  }
0x45: {  	_ =	shalt  }
0x46: {  	_ =	shalt  }
0x47: {  	_ =	shalt  }
0x48: {  	_ =	shalt  }
0x49: {  	_ =	shalt  }
0x4a: {  	_ =	shalt  }
0x4b: {  	_ =	shalt  }
0x4c: {  	_ =	shalt  }
0x4d: {  	_ =	shalt  }
0x4e: {  	_ =	shalt  }
0x4f: {  	_ =	shalt  }
0x50: {  	_ =	shalt  }
0x51: {  	_ =	shalt  }
0x52: {  	_ =	shalt  }
0x53: {  	_ =	shalt  }
0x54: {  	_ =	shalt  }
0x55: {  	_ =	shalt  }
0x56: {  	_ =	shalt  }
0x57: {  	_ =	shalt  }
0x58: {  	_ =	shalt  }
0x59: {  	_ =	shalt  }
0x5a: {  	_ =	shalt  }
0x5b: {  	_ =	shalt  }
0x5c: {  	_ =	shalt  }
0x5d: {  	_ =	shalt  }
0x5e: {  	_ =	shalt  }
0x5f: {  	_ =	shalt  }
0x60: {  	_ =	shalt  }
0x61: {  	_ =	shalt  }
0x62: {  	_ =	shalt  }
0x63: {  	_ =	shalt  }
0x64: {  	_ =	shalt  }
0x65: {  	_ =	shalt  }
0x66: {  	_ =	shalt  }
0x67: {  	_ =	shalt  }
0x68: {  	_ =	shalt  }
0x69: {  	_ =	shalt  }
0x6a: {  	_ =	shalt  }
0x6b: {  	_ =	shalt  }
0x6c: {  	_ =	shalt  }
0x6d: {  	_ =	shalt  }
0x6e: {  	_ =	shalt  }
0x6f: {  	_ =	shalt  }
0x70: {  	_ =	shalt  }
0x71: {  	_ =	shalt  }
0x72: {  	_ =	shalt  }
0x73: {  	_ =	shalt  }
0x74: {  	_ =	shalt  }
0x75: {  	_ =	shalt  }
0x76: {  	_ =	shalt  }
0x77: {  	_ =	shalt  }
0x78: {  	_ =	shalt  }
0x79: {  	_ =	shalt  }
0x7a: {  	_ =	shalt  }
0x7b: {  	_ =	shalt  }
0x7c: {  	_ =	shalt  }
0x7d: {  	_ =	shalt  }
0x7e: {  	_ =	shalt  }
0x7f: {  	_ =	shalt  }
0x80: {  	_ =	shalt  }
0x81: {  	_ =	shalt  }
0x82: {  	_ =	shalt  }
0x83: {  	_ =	shalt  }
0x84: {  	_ =	shalt  }
0x85: {  	_ =	shalt  }
0x86: {  	_ =	shalt  }
0x87: {  	_ =	shalt  }
.Lfunc_end0:
.L_simem_size_0:
called_computation_lowered:
.L_overlay_start_0:
0x88: {  	s2 =	sld [smem:$0x3FD9]  }
0x89: {  	s3 =	sld [smem:$0x3FFE];
	_ =	sdelay $0x1  }
0x8a: {  	s1 =	srdreg.scid  }
0x8b: {  	s0 =	sand.u32 $0x1, s1  }
0x8c: {  	s17 =	sshll.u32 s0, $0xA;
	s2 =	sadd.s32 s3, s2  }
0x8d: {  	s2 =	sadd.s32 s2, s17  }
0x8e: {  	[smem:$0x3FC5] =	sst s2  }
0x8f: {  	_ = 	snop  }
0x90: {  	s2 =	sld [smem:$0x3FC8]  }
0x91: {  	s18 =	sld [smem:$0x3FC7]  }
0x92: {  	s4 =	sld [smem:$0x3FD0];
	(tm) =	ssettm $0x1  }
0x93: {  	s5 =	sld [smem:$0x3FFB];
	_ =	sdelay $0x3  }
0x94: {  	_ =	strace s5  }
0x95: {  	s5 =	sld [smem:$0x3FFC];
	_ =	sdelay $0x3  }
0x96: {  	_ =	strace s5  }
0x97: {  	s5 =	sld [smem:$0x3FFD];
	_ =	sdelay $0x3  }
0x98: {  	_ =	strace s5  }
0x99: {  	_ =	strace $0x8FFFFFFF  }
0x9a: {  	s19 =	sld [smem:$0x3FDB];
	_ =	sdelay $0x1  }
0x9b: {  	s6 =	simm.s32 $_scs_section_size  }
0x9c: {  	s7 =	simm.s32 $_size__tile_overlayer_lowered;
	s8 =	simm.s32 $_tile_overlayer_lowered  }
0x9d: {  	s22 =	simm.s32 $0x1BFF;
	s21 =	sshll.u32 s8, $0x1;
	s5 =	sadd.s32 s6, s19  }
0x9e: {  	s9 =	simm.s32 $0x0;
	s20 =	sshll.u32 s7, $0x1;
	s7 =	sadd.s32 s21, s5  }
0x9f: {  	[timem:s9], [sflag:s22] =	dma.local [hbm:s7], s20  }
0xa0: {  	_ =	swait.ge [sflag:s22], s20  }
0xa1: {  	s6 =	ssub.s32 $0x0, s20;
	[sflag:s22] =	ssyncset.done $0x0  }
0xa2: {  	[sflag:s22] =	ssyncadd.s32 s6;
	_ =	sdelay $0x1  }
0xa3: {  	s23 =	simm.s32 $0x1B8B  }
0xa4: {  	_ =	swait.ge [sflag:s23], $0x1  }
0xa5: {  	[sflag:s23] =	ssyncset.done $0x0  }
0xa6: {  	s25 =	simm.s32 $0x1B8E;
	s24 =	sld [smem:$0x3FFE];
	[sflag:s23] =	ssyncadd.s32 $0xFFFFFFFF  }
0xa7: {  	s26 =	simm.s32 $execute0_lowered;
	[smem:$0x3FD2] =	sst s25  }
0xa8: {  	s7 =	sshll.u32 s26, $0x1;
	_ =	strace $0x80000046;
	[dreg:$0x1] =	wrdreg $0xFFFFFFFF  }
0xa9: {  	s28 =	simm.s32 $_size_execute0_lowered;
	s5 =	sadd.s32 s5, s7;
	[dreg:$0x0] =	wrdreg $0x0  }
0xaa: {  	s7 =	sshll.u32 s28, $0x1;
	[dreg:$0x2] =	wrdreg s5  }
0xab: {  	[dreg:$0x3] =	wrdreg s7  }
0xac: {  	[dreg:$0x4] =	wrdreg $0xC0  }
0xad: {  	_ =	task [dreg:s9], $0x5FFFF  }
0xae: {  	[dreg:$0x1] =	wrdreg $0xFFFFFFFF  }
0xaf: {  	[dreg:$0x0] =	wrdreg $0x60  }
0xb0: {  	[dreg:$0x2] =	wrdreg s24  }
0xb1: {  	[dreg:$0x3] =	wrdreg s2  }
0xb2: {  	[dreg:$0x4] =	wrdreg s18  }
0xb3: {  	[dreg:$0x5] =	wrdreg s4  }
0xb4: {  	[dreg:$0x6] =	wrdreg $0x188000  }
0xb5: {  	[dreg:$0x7] =	wrdreg $0x9  }
0xb6: {  	_ =	task.clear_ibuf [dreg:s9], $0x8FFFF;
	_ =	strace $0x90000046  }
0xb7: {  	s29 =	simm.s32 $0x9;
	_ =	strace $0x80000048  }
0xb8: {  	_ =	swait.ge [sflag:s29], $0x1  }
0xb9: {  	[sflag:s29] =	ssyncadd.s32 $0xFFFFFFFF  }
0xba: {  	_ =	strace $0x90000048  }
0xbb: {  	_ =	sfence  }
0xbc: {  	s30 =	sld [smem:$0x0];
	_ =	sdelay $0x2  }
0xbd: {  	s31 =	sshll.u32 s1, $0xD;
	s1 =	sshrl.u32 s1, $0x2  }
0xbe: {  	s3 =	sand.u32 $0x4000, s31;
	s1 =	sadd.s32 s1, s30  }
0xbf: {  	s0 =	sor.u32 s3, s0;
	s1 =	sshll.u32 s1, $0x11  }
0xc0: {  	s0 =	sor.u32 s1, s0  }
0xc1: {  	s0 =	sadd.s32 $0x8F2B, s0  }
0xc2: {  	[sflag:s0] =	ssyncadd.remote.s32 $0x1  }
0xc3: {  	_ =	sfence.sel $0xFFFF  }
0xc4: {  	[dreg:$0x0] =	wrdreg $0xFFFFFFFF;
	(pc) =	sbr.abs _section_cstart, $3  }
0xc5: {  	[dreg:$0x1] =	wrdreg $0xFFFFFFFF  }
0xc6: {  	_ =	task.clear_ibuf [dreg:s9], $0x2FFFF;
	_ =	strace $0x9FFFFFFF  }
0xc7: {  	(tm) =	ssettm $0x7FFFFFFF  }
tec
execute0_lowered:
.L_overlay_start_1:
0x0: {  	(tag) =	ssettag $0x1  }
0x1: {  	s0 =	rddreg [dreg:$0x0]  }
0x2: {  	s1 =	rddreg [dreg:$0x1]  }
0x3: {  	s2 =	rddreg [dreg:$0x2];
	s3 =	srdreg.scid  }
0x4: {  	s8 =	stileid.u32;
	s5 =	rddreg [dreg:$0x3]  }
0x5: {  	s12 =	sand.u32 $0x1, s3;
	s4 =	sshll.u32 s8, $0x1;
	s3 =	rddreg [dreg:$0x4]  }
0x6: {  	s18 =	sshll.u32 s8, $0xB;
	s6 =	sor.u32 s12, s4;
	s4 =	simm.s32 $0x0  }
0x7: {  	s20 =	sshll.u32 s8, $0x6;
	s19 =	sadd.s32 s2, s18;
	[smem:$0x7FF] =	sst s4  }
0x8: {  	s21 =	sor.u32 $0x1C14, s20;
	_ =	strace $0x80000047;
	[dreg:$0x7] =	wrdreg s19  }
0x9: {  	s22 =	sadd.s32 $0x4000, s3;
	[dreg:$0x8] =	wrdreg s21  }
0xa: {  	s23 =	sadd.s32 $0x8000, s3;
	[dreg:$0x9] =	wrdreg s22  }
0xb: {  	s24 =	sadd.s32 $0xC000, s3;
	[dreg:$0xa] =	wrdreg s23  }
0xc: {  	s25 =	sadd.s32 $0x10000, s3;
	[dreg:$0xb] =	wrdreg s24  }
0xd: {  	s2 =	sadd.s32 $0x14000, s3;
	[dreg:$0xc] =	wrdreg s25  }
0xe: {  	s10 =	sadd.s32 $0x1C000, s3;
	[dreg:$0xd] =	wrdreg s2  }
0xf: {  	s13 =	sadd.s32 $0x20000, s3;
	[dreg:$0x11] =	wrdreg s10  }
0x10: {  	s15 =	sadd.s32 $0x24000, s3;
	[dreg:$0x13] =	wrdreg s13  }
0x11: {  	s17 =	sadd.s32 $0x28000, s3;
	s7 =	sshll.u32 s6, $0x8;
	[dreg:$0x15] =	wrdreg s15  }
0x12: {  	s0 =	sadd.s32 s7, s0;
	s7 =	sadd.s32 $0x18000, s3;
	[dreg:$0x17] =	wrdreg s17  }
0x13: {  	s19 =	sadd.s32 $0x2C000, s3;
	[dreg:$0xf] =	wrdreg s7  }
0x14: {  	s21 =	sadd.s32 $0x30000, s3;
	[dreg:$0x19] =	wrdreg s19  }
0x15: {  	s23 =	sadd.s32 $0x34000, s3;
	[dreg:$0x1b] =	wrdreg s21  }
0x16: {  	s25 =	sadd.s32 $0x38000, s3;
	[dreg:$0x1d] =	wrdreg s23  }
0x17: {  	s2 =	sadd.s32 $0x3C000, s3;
	[dreg:$0x1f] =	wrdreg s25  }
0x18: {  	s15 =	simm.s32 $0x100;
	[smem:$0x7F6] =	sst s2  }
0x19: {  	s26 =	sshll.u32 s6, $0xF;
	s17 =	simm.s32 $0x200;
	[smem:$0x7E8] =	sst s15  }
0x1a: {  	s5 =	sadd.s32 s5, s26;
	s10 =	sshll.u32 s8, $0xE;
	[smem:$0x7EB] =	sst s17  }
0x1b: {  	s0 =	sadd.s32 $0x400, s0;
	s2 =	sadd.s32 s10, s3;
	s10 =	rddreg [dreg:$0x8]  }
0x1c: {  	s6 =	sadd.s32 $0x800, s5;
	[dreg:$0x6] =	wrdreg s0  }
0x1d: {  	s9 =	sadd.s32 $0x1000, s5;
	[dreg:$0xe] =	wrdreg s6  }
0x1e: {  	s11 =	sadd.s32 $0x1800, s5;
	[dreg:$0x10] =	wrdreg s9  }
0x1f: {  	s14 =	sadd.s32 $0x2000, s5;
	[dreg:$0x12] =	wrdreg s11  }
0x20: {  	s16 =	sadd.s32 $0x2800, s5;
	[dreg:$0x14] =	wrdreg s14  }
0x21: {  	s18 =	sadd.s32 $0x3000, s5;
	[dreg:$0x16] =	wrdreg s16  }
0x22: {  	s20 =	sadd.s32 $0x3800, s5;
	[dreg:$0x18] =	wrdreg s18  }
0x23: {  	s22 =	sadd.s32 $0x4000, s5;
	[dreg:$0x1a] =	wrdreg s20  }
0x24: {  	s24 =	sadd.s32 $0x4800, s5;
	[dreg:$0x1c] =	wrdreg s22  }
0x25: {  	s26 =	sadd.s32 $0x5000, s5;
	[dreg:$0x1e] =	wrdreg s24  }
0x26: {  	s7 =	sadd.s32 $0x6000, s5;
	[smem:$0x7F5] =	sst s26  }
0x27: {  	s13 =	sadd.s32 $0x7800, s5;
	[smem:$0x7FA] =	sst s7  }
0x28: {  	s19 =	simm.s32 $0x300;
	[smem:$0x7FD] =	sst s13  }
0x29: {  	s21 =	simm.s32 $0x400;
	[smem:$0x7ED] =	sst s19  }
0x2a: {  	s23 =	simm.s32 $0x500;
	[smem:$0x7EF] =	sst s21  }
0x2b: {  	s25 =	simm.s32 $0x600;
	[smem:$0x7F1] =	sst s23  }
0x2c: {  	s6 =	sadd.s32 $0x5800, s5;
	[smem:$0x7F3] =	sst s25  }
0x2d: {  	s9 =	sadd.s32 $0x6800, s5;
	[smem:$0x7F8] =	sst s6  }
0x2e: {  	s11 =	sadd.s32 $0x7000, s5;
	[smem:$0x7FB] =	sst s9  }
0x2f: {  	s14 =	sshrl.u32 s2, $0x3;
	[smem:$0x7FC] =	sst s11  }
0x30: {  	s16 =	simm.s32 $0x180;
	[smem:$0x7E7] =	sst s14  }
0x31: {  	s18 =	simm.s32 $0x280;
	[smem:$0x7E9] =	sst s16  }
0x32: {  	s20 =	simm.s32 $0x380;
	[smem:$0x7EC] =	sst s18  }
0x33: {  	s22 =	simm.s32 $0x480;
	[smem:$0x7EE] =	sst s20  }
0x34: {  	s24 =	simm.s32 $0x580;
	[smem:$0x7F0] =	sst s22  }
0x35: {  	s26 =	simm.s32 $0x680;
	[smem:$0x7F2] =	sst s24  }
0x36: {  	s2 =	simm.s32 $0x700;
	[smem:$0x7F4] =	sst s26  }
0x37: {  	[smem:$0x7F7] =	sst s2  }
0x38: {  	s6 =	rddreg [dreg:$0x7]  }
0x39: {  	s11 =	rddreg [dreg:$0x6]  }
0x3a: {  	s13 =	simm.s32 $0x780;
	s9 =	sld [smem:$0x7E7]  }
0x3b: {  	s14 =	simm.s32 $0x14;
	[smem:$0x7F9] =	sst s13  }
0x3c: {  	[tilespmem:s4], [sflag:$0x13] =	stream.linear.gather [hbm4b:s11+s4], $0x800, $0x38;
	[tilespmem:$0x1C800] =	vst v63  }
0x3d: {  	[spmem:s9], [sflag:s10] =	dma.local [hbm:s6], $0x800  }
0x3e: {  	_ =	swait.ge [sflag:s14], $0x800  }
0x3f: {  	[sflag:s14] =	ssyncset.done $0x0  }
0x40: {  	s15 =	simm.s32 $0x13;
	[sflag:s14] =	ssyncadd.s32 $0xFFFFF800  }
0x41: {  	_ =	swait.ge [sflag:s15], $0x800  }
0x42: {  	[sflag:s15] =	ssyncset.done $0x0  }
0x43: {  	[sflag:s15] =	ssyncadd.s32 $0xFFFFF800  }
0x44: {  	s8 =	simm.s32 $0x800;
	[bflag:$0x0] =	sbarrier.arrive $0xFFFF  }
0x45: {  	[tilespmem:s8], [sflag:$0x7] =	stream.linear.gather [spmem:s3], $0x4000, $0x38;
	[tilespmem:$0x1C800] =	vst v63  }
0x46: {  	s9 =	simm.s32 $0x4800;
	s16 =	rddreg [dreg:$0x9]  }
0x47: {  	[tilespmem:s9], [sflag:$0x8] =	stream.linear.gather [spmem:s16], $0x4000, $0x38;
	[tilespmem:$0x1C800] =	vst v63  }
0x48: {  	s10 =	simm.s32 $0x8800;
	s17 =	rddreg [dreg:$0xa]  }
0x49: {  	[tilespmem:s10], [sflag:$0x9] =	stream.linear.gather [spmem:s17], $0x4000, $0x38;
	[tilespmem:$0x1C800] =	vst v63  }
0x4a: {  	s11 =	simm.s32 $0xC800;
	s18 =	rddreg [dreg:$0xb]  }
0x4b: {  	[tilespmem:s11], [sflag:$0xA] =	stream.linear.gather [spmem:s18], $0x4000, $0x38;
	[tilespmem:$0x1C800] =	vst v63  }
0x4c: {  	s13 =	simm.s32 $0x7;
	s6 =	simm.s32 $0x10800;
	s19 =	rddreg [dreg:$0xc]  }
0x4d: {  	[tilespmem:s6], [sflag:$0xB] =	stream.linear.gather [spmem:s19], $0x4000, $0x38;
	[tilespmem:$0x1C800] =	vst v63  }
0x4e: {  	_ =	swait.ge [sflag:s13], $0x4000  }
0x4f: {  	[sflag:s13] =	ssyncset.done $0x0  }
0x50: {  	s14 =	simm.s32 $0x80;
	s15 =	simm.s32 $0x8;
	[sflag:s13] =	ssyncadd.s32 $0xFFFFC000  }
0x51: {  	[tilespmem:s8], [sflag:$0x1] =	stream.indirect.gather.add.f32 [hbm:s1], $0x80, s4, s14, $0xb8;
	[tilespmem:$0x1C800] =	vst v63  }
0x52: {  	_ =	swait.ge [sflag:s15], $0x4000  }
0x53: {  	[sflag:s15] =	ssyncset.done $0x0  }
0x54: {  	s16 =	simm.s32 $0x9;
	[sflag:s15] =	ssyncadd.s32 $0xFFFFC000  }
0x55: {  	[tilespmem:s9], [sflag:$0x2] =	stream.indirect.gather.add.f32 [hbm:s1], $0x80, s14, s14, $0xb8;
	[tilespmem:$0x1C800] =	vst v63  }
0x56: {  	_ =	swait.ge [sflag:s16], $0x4000  }
0x57: {  	s20 =	sld [smem:$0x7E8]  }
0x58: {  	[sflag:s16] =	ssyncset.done $0x0  }
0x59: {  	s17 =	simm.s32 $0xA;
	[sflag:s16] =	ssyncadd.s32 $0xFFFFC000  }
0x5a: {  	[tilespmem:s10], [sflag:$0x3] =	stream.indirect.gather.add.f32 [hbm:s1], $0x80, s20, s14, $0xb8;
	[tilespmem:$0x1C800] =	vst v63  }
0x5b: {  	_ =	swait.ge [sflag:s17], $0x4000  }
0x5c: {  	s21 =	sld [smem:$0x7E9]  }
0x5d: {  	[sflag:s17] =	ssyncset.done $0x0  }
0x5e: {  	s18 =	simm.s32 $0x1;
	[sflag:s17] =	ssyncadd.s32 $0xFFFFC000  }
0x5f: {  	[tilespmem:s11], [sflag:$0x4] =	stream.indirect.gather.add.f32 [hbm:s1], $0x80, s21, s14, $0xb8;
	[tilespmem:$0x1C800] =	vst v63  }
0x60: {  	_ =	swait.ge [sflag:s18], $0x4000  }
0x61: {  	[sflag:s18] =	ssyncset.done $0x0  }
0x62: {  	s22 =	rddreg [dreg:$0xd];
	[sflag:s18] =	ssyncadd.s32 $0xFFFFC000  }
0x63: {  	[hbm4b:s5+s4] =	stream.linear.scatter [tilespmem:s8], [sflag:$0xD], $0x4000, $0x38;
	[tilespmem:$0x1C800] =	vst v63  }
0x64: {  	s19 =	simm.s32 $0x14800;
	s20 =	simm.s32 $0xB;
	[smem:$0x7EA] =	sst s5  }
0x65: {  	[tilespmem:s19], [sflag:$0xC] =	stream.linear.gather [spmem:s22], $0x4000, $0x38;
	[tilespmem:$0x1C800] =	vst v63  }
0x66: {  	_ =	swait.ge [sflag:s20], $0x4000  }
0x67: {  	s23 =	sld [smem:$0x7EB]  }
0x68: {  	[sflag:s20] =	ssyncset.done $0x0  }
0x69: {  	s21 =	simm.s32 $0x2;
	[sflag:s20] =	ssyncadd.s32 $0xFFFFC000  }
0x6a: {  	[tilespmem:s6], [sflag:$0x5] =	stream.indirect.gather.add.f32 [hbm:s1], $0x80, s23, s14, $0xb8;
	[tilespmem:$0x1C800] =	vst v63  }
0x6b: {  	_ =	swait.ge [sflag:s21], $0x4000  }
0x6c: {  	[sflag:s21] =	ssyncset.done $0x0  }
0x6d: {  	s22 =	simm.s32 $0xD;
	s24 =	rddreg [dreg:$0xe];
	[sflag:s21] =	ssyncadd.s32 $0xFFFFC000  }
0x6e: {  	[hbm4b:s24+s4] =	stream.linear.scatter [tilespmem:s9], [sflag:$0xE], $0x4000, $0x38;
	[tilespmem:$0x1C800] =	vst v63  }
0x6f: {  	_ =	swait.ge [sflag:s22], $0x4000  }
0x70: {  	[sflag:s22] =	ssyncset.done $0x0  }
0x71: {  	s23 =	simm.s32 $0xC;
	s25 =	rddreg [dreg:$0xf];
	[sflag:s22] =	ssyncadd.s32 $0xFFFFC000  }
0x72: {  	[tilespmem:s8], [sflag:$0x7] =	stream.linear.gather [spmem:s25], $0x4000, $0x38;
	[tilespmem:$0x1C800] =	vst v63  }
0x73: {  	_ =	swait.ge [sflag:s23], $0x4000  }
0x74: {  	s26 =	sld [smem:$0x7EC]  }
0x75: {  	[sflag:s23] =	ssyncset.done $0x0  }
0x76: {  	s24 =	simm.s32 $0x3;
	[sflag:s23] =	ssyncadd.s32 $0xFFFFC000  }
0x77: {  	[tilespmem:s19], [sflag:$0x6] =	stream.indirect.gather.add.f32 [hbm:s1], $0x80, s26, s14, $0xb8;
	[tilespmem:$0x1C800] =	vst v63  }
0x78: {  	_ =	swait.ge [sflag:s24], $0x4000  }
0x79: {  	[sflag:s24] =	ssyncset.done $0x0  }
0x7a: {  	s25 =	simm.s32 $0xE;
	s2 =	rddreg [dreg:$0x10];
	[sflag:s24] =	ssyncadd.s32 $0xFFFFC000  }
0x7b: {  	[hbm4b:s2+s4] =	stream.linear.scatter [tilespmem:s10], [sflag:$0xF], $0x4000, $0x38;
	[tilespmem:$0x1C800] =	vst v63  }
0x7c: {  	_ =	swait.ge [sflag:s25], $0x4000  }
0x7d: {  	[sflag:s25] =	ssyncset.done $0x0  }
0x7e: {  	s3 =	rddreg [dreg:$0x11];
	[sflag:s25] =	ssyncadd.s32 $0xFFFFC000  }
0x7f: {  	[tilespmem:s9], [sflag:$0x8] =	stream.linear.gather [spmem:s3], $0x4000, $0x38;
	[tilespmem:$0x1C800] =	vst v63  }
0x80: {  	_ =	swait.ge [sflag:s13], $0x4000  }
0x81: {  	s5 =	sld [smem:$0x7ED]  }
0x82: {  	[sflag:s13] =	ssyncset.done $0x0  }
0x83: {  	s26 =	simm.s32 $0x4;
	[sflag:s13] =	ssyncadd.s32 $0xFFFFC000  }
0x84: {  	[tilespmem:s8], [sflag:$0x1] =	stream.indirect.gather.add.f32 [hbm:s1], $0x80, s5, s14, $0xb8;
	[tilespmem:$0x1C800] =	vst v63  }
0x85: {  	_ =	swait.ge [sflag:s26], $0x4000  }
0x86: {  	[sflag:s26] =	ssyncset.done $0x0  }
0x87: {  	s28 =	simm.s32 $0xF;
	s7 =	rddreg [dreg:$0x12];
	[sflag:s26] =	ssyncadd.s32 $0xFFFFC000  }
0x88: {  	[hbm4b:s7+s4] =	stream.linear.scatter [tilespmem:s11], [sflag:$0x10], $0x4000, $0x38;
	[tilespmem:$0x1C800] =	vst v63  }
0x89: {  	_ =	swait.ge [sflag:s28], $0x4000  }
0x8a: {  	[sflag:s28] =	ssyncset.done $0x0  }
0x8b: {  	s2 =	rddreg [dreg:$0x13];
	[sflag:s28] =	ssyncadd.s32 $0xFFFFC000  }
0x8c: {  	[tilespmem:s10], [sflag:$0x9] =	stream.linear.gather [spmem:s2], $0x4000, $0x38;
	[tilespmem:$0x1C800] =	vst v63  }
0x8d: {  	_ =	swait.ge [sflag:s15], $0x4000  }
0x8e: {  	s3 =	sld [smem:$0x7EE]  }
0x8f: {  	[sflag:s15] =	ssyncset.done $0x0  }
0x90: {  	s29 =	simm.s32 $0x5;
	[sflag:s15] =	ssyncadd.s32 $0xFFFFC000  }
0x91: {  	[tilespmem:s9], [sflag:$0x2] =	stream.indirect.gather.add.f32 [hbm:s1], $0x80, s3, s14, $0xb8;
	[tilespmem:$0x1C800] =	vst v63  }
0x92: {  	_ =	swait.ge [sflag:s29], $0x4000  }
0x93: {  	[sflag:s29] =	ssyncset.done $0x0  }
0x94: {  	s30 =	simm.s32 $0x10;
	s5 =	rddreg [dreg:$0x14];
	[sflag:s29] =	ssyncadd.s32 $0xFFFFC000  }
0x95: {  	[hbm4b:s5+s4] =	stream.linear.scatter [tilespmem:s6], [sflag:$0x11], $0x4000, $0x38;
	[tilespmem:$0x1C800] =	vst v63  }
0x96: {  	_ =	swait.ge [sflag:s30], $0x4000  }
0x97: {  	[sflag:s30] =	ssyncset.done $0x0  }
0x98: {  	s7 =	rddreg [dreg:$0x15];
	[sflag:s30] =	ssyncadd.s32 $0xFFFFC000  }
0x99: {  	[tilespmem:s11], [sflag:$0xA] =	stream.linear.gather [spmem:s7], $0x4000, $0x38;
	[tilespmem:$0x1C800] =	vst v63  }
0x9a: {  	_ =	swait.ge [sflag:s16], $0x4000  }
0x9b: {  	s2 =	sld [smem:$0x7EF]  }
0x9c: {  	[sflag:s16] =	ssyncset.done $0x0  }
0x9d: {  	s31 =	simm.s32 $0x6;
	[sflag:s16] =	ssyncadd.s32 $0xFFFFC000  }
0x9e: {  	[tilespmem:s10], [sflag:$0x3] =	stream.indirect.gather.add.f32 [hbm:s1], $0x80, s2, s14, $0xb8;
	[tilespmem:$0x1C800] =	vst v63  }
0x9f: {  	_ =	swait.ge [sflag:s31], $0x4000  }
0xa0: {  	[sflag:s31] =	ssyncset.done $0x0  }
0xa1: {  	s2 =	simm.s32 $0x11;
	s3 =	rddreg [dreg:$0x16];
	[sflag:s31] =	ssyncadd.s32 $0xFFFFC000  }
0xa2: {  	[hbm4b:s3+s4] =	stream.linear.scatter [tilespmem:s19], [sflag:$0x12], $0x4000, $0x38;
	[tilespmem:$0x1C800] =	vst v63  }
0xa3: {  	_ =	swait.ge [sflag:s2], $0x4000  }
0xa4: {  	[sflag:s2] =	ssyncset.done $0x0  }
0xa5: {  	s5 =	rddreg [dreg:$0x17];
	[sflag:s2] =	ssyncadd.s32 $0xFFFFC000  }
0xa6: {  	[tilespmem:s6], [sflag:$0xB] =	stream.linear.gather [spmem:s5], $0x4000, $0x38;
	[tilespmem:$0x1C800] =	vst v63  }
0xa7: {  	_ =	swait.ge [sflag:s17], $0x4000  }
0xa8: {  	s7 =	sld [smem:$0x7F0]  }
0xa9: {  	[sflag:s17] =	ssyncset.done $0x0  }
0xaa: {  	[sflag:s17] =	ssyncadd.s32 $0xFFFFC000  }
0xab: {  	[tilespmem:s11], [sflag:$0x4] =	stream.indirect.gather.add.f32 [hbm:s1], $0x80, s7, s14, $0xb8;
	[tilespmem:$0x1C800] =	vst v63  }
0xac: {  	_ =	swait.ge [sflag:s18], $0x4000  }
0xad: {  	[sflag:s18] =	ssyncset.done $0x0  }
0xae: {  	s0 =	simm.s32 $0x12;
	s3 =	rddreg [dreg:$0x18];
	[sflag:s18] =	ssyncadd.s32 $0xFFFFC000  }
0xaf: {  	[hbm4b:s3+s4] =	stream.linear.scatter [tilespmem:s8], [sflag:$0xD], $0x4000, $0x38;
	[tilespmem:$0x1C800] =	vst v63  }
0xb0: {  	_ =	swait.ge [sflag:s0], $0x4000  }
0xb1: {  	[sflag:s0] =	ssyncset.done $0x0  }
0xb2: {  	s5 =	rddreg [dreg:$0x19];
	[sflag:s0] =	ssyncadd.s32 $0xFFFFC000  }
0xb3: {  	[tilespmem:s19], [sflag:$0xC] =	stream.linear.gather [spmem:s5], $0x4000, $0x38;
	[tilespmem:$0x1C800] =	vst v63  }
0xb4: {  	_ =	swait.ge [sflag:s20], $0x4000  }
0xb5: {  	s7 =	sld [smem:$0x7F1]  }
0xb6: {  	[sflag:s20] =	ssyncset.done $0x0  }
0xb7: {  	[sflag:s20] =	ssyncadd.s32 $0xFFFFC000  }
0xb8: {  	[tilespmem:s6], [sflag:$0x5] =	stream.indirect.gather.add.f32 [hbm:s1], $0x80, s7, s14, $0xb8;
	[tilespmem:$0x1C800] =	vst v63  }
0xb9: {  	_ =	swait.ge [sflag:s21], $0x4000  }
0xba: {  	[sflag:s21] =	ssyncset.done $0x0  }
0xbb: {  	s5 =	rddreg [dreg:$0x1a];
	[sflag:s21] =	ssyncadd.s32 $0xFFFFC000  }
0xbc: {  	[hbm4b:s5+s4] =	stream.linear.scatter [tilespmem:s9], [sflag:$0xE], $0x4000, $0x38;
	[tilespmem:$0x1C800] =	vst v63  }
0xbd: {  	_ =	swait.ge [sflag:s22], $0x4000  }
0xbe: {  	[sflag:s22] =	ssyncset.done $0x0  }
0xbf: {  	s7 =	rddreg [dreg:$0x1b];
	[sflag:s22] =	ssyncadd.s32 $0xFFFFC000  }
0xc0: {  	[tilespmem:s8], [sflag:$0x7] =	stream.linear.gather [spmem:s7], $0x4000, $0x38;
	[tilespmem:$0x1C800] =	vst v63  }
0xc1: {  	_ =	swait.ge [sflag:s23], $0x4000  }
0xc2: {  	s5 =	sld [smem:$0x7F2]  }
0xc3: {  	[sflag:s23] =	ssyncset.done $0x0  }
0xc4: {  	[sflag:s23] =	ssyncadd.s32 $0xFFFFC000  }
0xc5: {  	[tilespmem:s19], [sflag:$0x6] =	stream.indirect.gather.add.f32 [hbm:s1], $0x80, s5, s14, $0xb8;
	[tilespmem:$0x1C800] =	vst v63  }
0xc6: {  	_ =	swait.ge [sflag:s24], $0x4000  }
0xc7: {  	[sflag:s24] =	ssyncset.done $0x0  }
0xc8: {  	s7 =	rddreg [dreg:$0x1c];
	[sflag:s24] =	ssyncadd.s32 $0xFFFFC000  }
0xc9: {  	[hbm4b:s7+s4] =	stream.linear.scatter [tilespmem:s10], [sflag:$0xF], $0x4000, $0x38;
	[tilespmem:$0x1C800] =	vst v63  }
0xca: {  	_ =	swait.ge [sflag:s25], $0x4000  }
0xcb: {  	[sflag:s25] =	ssyncset.done $0x0  }
0xcc: {  	s5 =	rddreg [dreg:$0x1d];
	[sflag:s25] =	ssyncadd.s32 $0xFFFFC000  }
0xcd: {  	[tilespmem:s9], [sflag:$0x8] =	stream.linear.gather [spmem:s5], $0x4000, $0x38;
	[tilespmem:$0x1C800] =	vst v63  }
0xce: {  	_ =	swait.ge [sflag:s13], $0x4000  }
0xcf: {  	s7 =	sld [smem:$0x7F3]  }
0xd0: {  	[sflag:s13] =	ssyncset.done $0x0  }
0xd1: {  	[sflag:s13] =	ssyncadd.s32 $0xFFFFC000  }
0xd2: {  	[tilespmem:s8], [sflag:$0x1] =	stream.indirect.gather.add.f32 [hbm:s1], $0x80, s7, s14, $0xb8;
	[tilespmem:$0x1C800] =	vst v63  }
0xd3: {  	_ =	swait.ge [sflag:s26], $0x4000  }
0xd4: {  	[sflag:s26] =	ssyncset.done $0x0  }
0xd5: {  	s5 =	rddreg [dreg:$0x1e];
	[sflag:s26] =	ssyncadd.s32 $0xFFFFC000  }
0xd6: {  	[hbm4b:s5+s4] =	stream.linear.scatter [tilespmem:s11], [sflag:$0x10], $0x4000, $0x38;
	[tilespmem:$0x1C800] =	vst v63  }
0xd7: {  	_ =	swait.ge [sflag:s28], $0x4000  }
0xd8: {  	[sflag:s28] =	ssyncset.done $0x0  }
0xd9: {  	s7 =	rddreg [dreg:$0x1f];
	[sflag:s28] =	ssyncadd.s32 $0xFFFFC000  }
0xda: {  	[tilespmem:s10], [sflag:$0x9] =	stream.linear.gather [spmem:s7], $0x4000, $0x38;
	[tilespmem:$0x1C800] =	vst v63  }
0xdb: {  	_ =	swait.ge [sflag:s15], $0x4000  }
0xdc: {  	s5 =	sld [smem:$0x7F4]  }
0xdd: {  	[sflag:s15] =	ssyncset.done $0x0  }
0xde: {  	[sflag:s15] =	ssyncadd.s32 $0xFFFFC000  }
0xdf: {  	[tilespmem:s9], [sflag:$0x2] =	stream.indirect.gather.add.f32 [hbm:s1], $0x80, s5, s14, $0xb8;
	[tilespmem:$0x1C800] =	vst v63  }
0xe0: {  	_ =	swait.ge [sflag:s29], $0x4000  }
0xe1: {  	s7 =	sld [smem:$0x7F5]  }
0xe2: {  	[sflag:s29] =	ssyncset.done $0x0  }
0xe3: {  	[sflag:s29] =	ssyncadd.s32 $0xFFFFC000  }
0xe4: {  	[hbm4b:s7+s4] =	stream.linear.scatter [tilespmem:s6], [sflag:$0x11], $0x4000, $0x38;
	[tilespmem:$0x1C800] =	vst v63  }
0xe5: {  	_ =	swait.ge [sflag:s30], $0x4000  }
0xe6: {  	s5 =	sld [smem:$0x7F6]  }
0xe7: {  	[sflag:s30] =	ssyncset.done $0x0  }
0xe8: {  	[sflag:s30] =	ssyncadd.s32 $0xFFFFC000  }
0xe9: {  	[tilespmem:s11], [sflag:$0xA] =	stream.linear.gather [spmem:s5], $0x4000, $0x38;
	[tilespmem:$0x1C800] =	vst v63  }
0xea: {  	_ =	swait.ge [sflag:s16], $0x4000  }
0xeb: {  	s6 =	sld [smem:$0x7F7]  }
0xec: {  	[sflag:s16] =	ssyncset.done $0x0  }
0xed: {  	[sflag:s16] =	ssyncadd.s32 $0xFFFFC000  }
0xee: {  	[tilespmem:s10], [sflag:$0x3] =	stream.indirect.gather.add.f32 [hbm:s1], $0x80, s6, s14, $0xb8;
	[tilespmem:$0x1C800] =	vst v63  }
0xef: {  	_ =	swait.ge [sflag:s31], $0x4000  }
0xf0: {  	s7 =	sld [smem:$0x7F8]  }
0xf1: {  	[sflag:s31] =	ssyncset.done $0x0  }
0xf2: {  	[sflag:s31] =	ssyncadd.s32 $0xFFFFC000  }
0xf3: {  	[hbm4b:s7+s4] =	stream.linear.scatter [tilespmem:s19], [sflag:$0x12], $0x4000, $0x38;
	[tilespmem:$0x1C800] =	vst v63  }
0xf4: {  	_ =	swait.ge [sflag:s17], $0x4000  }
0xf5: {  	s5 =	sld [smem:$0x7F9]  }
0xf6: {  	[sflag:s17] =	ssyncset.done $0x0  }
0xf7: {  	[sflag:s17] =	ssyncadd.s32 $0xFFFFC000  }
0xf8: {  	[tilespmem:s11], [sflag:$0x4] =	stream.indirect.gather.add.f32 [hbm:s1], $0x80, s5, s14, $0xb8;
	[tilespmem:$0x1C800] =	vst v63  }
0xf9: {  	_ =	swait.ge [sflag:s18], $0x4000  }
0xfa: {  	s6 =	sld [smem:$0x7FA]  }
0xfb: {  	[sflag:s18] =	ssyncset.done $0x0  }
0xfc: {  	[sflag:s18] =	ssyncadd.s32 $0xFFFFC000  }
0xfd: {  	[hbm4b:s6+s4] =	stream.linear.scatter [tilespmem:s8], [sflag:$0xD], $0x4000, $0x38;
	[tilespmem:$0x1C800] =	vst v63  }
0xfe: {  	_ =	swait.ge [sflag:s21], $0x4000  }
0xff: {  	s7 =	sld [smem:$0x7FB]  }
0x100: {  	[sflag:s21] =	ssyncset.done $0x0  }
0x101: {  	[sflag:s21] =	ssyncadd.s32 $0xFFFFC000  }
0x102: {  	[hbm4b:s7+s4] =	stream.linear.scatter [tilespmem:s9], [sflag:$0xE], $0x4000, $0x38;
	[tilespmem:$0x1C800] =	vst v63  }
0x103: {  	_ =	swait.ge [sflag:s24], $0x4000  }
0x104: {  	s5 =	sld [smem:$0x7FC]  }
0x105: {  	[sflag:s24] =	ssyncset.done $0x0  }
0x106: {  	[sflag:s24] =	ssyncadd.s32 $0xFFFFC000  }
0x107: {  	[hbm4b:s5+s4] =	stream.linear.scatter [tilespmem:s10], [sflag:$0xF], $0x4000, $0x38;
	[tilespmem:$0x1C800] =	vst v63  }
0x108: {  	_ =	swait.ge [sflag:s26], $0x4000  }
0x109: {  	s6 =	sld [smem:$0x7FD]  }
0x10a: {  	[sflag:s26] =	ssyncset.done $0x0  }
0x10b: {  	[sflag:s26] =	ssyncadd.s32 $0xFFFFC000  }
0x10c: {  	[hbm4b:s6+s4] =	stream.linear.scatter [tilespmem:s11], [sflag:$0x10], $0x4000, $0x38;
	[tilespmem:$0x1C800] =	vst v63  }
0x10d: {  	_ =	swait.ge [sflag:s2], $0x4000  }
0x10e: {  	[sflag:s2] =	ssyncset.done $0x0  }
0x10f: {  	[sflag:s2] =	ssyncadd.s32 $0xFFFFC000  }
0x110: {  	_ =	swait.ge [sflag:s0], $0x4000  }
0x111: {  	[sflag:s0] =	ssyncset.done $0x0  }
0x112: {  	[sflag:s0] =	ssyncadd.s32 $0xFFFFC000  }
0x113: {  	s7 =	ssub.s32 $0x2, s12;
	_ =	swait.ge [sflag:s22], $0x4000  }
0x114: {  	s12 =	sshrl.u32 s7, $0x1;
	[sflag:s22] =	ssyncset.done $0x0  }
0x115: {  	s3 =	ssub.s32 s7, s12;
	[sflag:s22] =	ssyncadd.s32 $0xFFFFC000  }
0x116: {  	s3 =	smax.u32 s3, $0x1;
	_ =	swait.ge [sflag:s25], $0x4000  }
0x117: {  	p0 =	sne.s32 s3, $0x1;
	[sflag:s25] =	ssyncset.done $0x0  }
.Ltmp0:
0x118: {  	[sflag:s25] =	ssyncadd.s32 $0xFFFFC000;
	(pc) =	sbr.rel @!p0 .LBB2_2-.Ltmp0, $4  }
0x119: {  	_ =	swait.ge [sflag:s28], $0x4000  }
0x11a: {  	[sflag:s28] =	ssyncset.done $0x0  }
0x11b: {  	[sflag:s28] =	ssyncadd.s32 $0xFFFFC000  }
0x11c: {  	s3 =	sadd.s32 $0xFFFFFFFF, s3;
	_ =	swait.ge [sflag:s30], $0x4000  }
.LBB2_1:
0x11d: {  	s5 =	rddreg [dreg:$0x7]  }
0x11e: {  	s6 =	rddreg [dreg:$0x8]  }
0x11f: {  	[sflag:s30] =	ssyncset.done $0x0;
	s12 =	sld [smem:$0x7E7]  }
0x120: {  	s7 =	rddreg [dreg:$0x6];
	[sflag:s30] =	ssyncadd.s32 $0xFFFFC000  }
0x121: {  	[tilespmem:s4], [sflag:$0x13] =	stream.linear.gather [hbm4b:s7+s4], $0x800, $0x38;
	[tilespmem:$0x1C800] =	vst v63  }
0x122: {  	[spmem:s12], [sflag:s6] =	dma.local [hbm:s5], $0x800  }
0x123: {  	s12 =	simm.s32 $0x14  }
0x124: {  	_ =	swait.ge [sflag:s12], $0x800  }
0x125: {  	[sflag:s12] =	ssyncset.done $0x0  }
0x126: {  	s6 =	simm.s32 $0x13;
	[sflag:s12] =	ssyncadd.s32 $0xFFFFF800  }
0x127: {  	_ =	swait.ge [sflag:s6], $0x800  }
0x128: {  	[sflag:s6] =	ssyncset.done $0x0  }
0x129: {  	[sflag:s6] =	ssyncadd.s32 $0xFFFFF800  }
0x12a: {  	[bflag:$0x0] =	sbarrier.arrive $0xFFFF  }
0x12b: {  	s7 =	rddreg [dreg:$0x4]  }
0x12c: {  	[tilespmem:s8], [sflag:$0x7] =	stream.linear.gather [spmem:s7], $0x4000, $0x38;
	[tilespmem:$0x1C800] =	vst v63  }
0x12d: {  	s5 =	rddreg [dreg:$0x9]  }
0x12e: {  	[tilespmem:s9], [sflag:$0x8] =	stream.linear.gather [spmem:s5], $0x4000, $0x38;
	[tilespmem:$0x1C800] =	vst v63  }
0x12f: {  	s12 =	rddreg [dreg:$0xa]  }
0x130: {  	[tilespmem:s10], [sflag:$0x9] =	stream.linear.gather [spmem:s12], $0x4000, $0x38;
	[tilespmem:$0x1C800] =	vst v63  }
0x131: {  	s7 =	rddreg [dreg:$0xb]  }
0x132: {  	[tilespmem:s11], [sflag:$0xA] =	stream.linear.gather [spmem:s7], $0x4000, $0x38;
	[tilespmem:$0x1C800] =	vst v63  }
0x133: {  	s12 =	rddreg [dreg:$0xc];
	s7 =	simm.s32 $0x10800  }
0x134: {  	[tilespmem:s7], [sflag:$0xB] =	stream.linear.gather [spmem:s12], $0x4000, $0x38;
	[tilespmem:$0x1C800] =	vst v63  }
0x135: {  	_ =	swait.ge [sflag:s13], $0x4000  }
0x136: {  	[sflag:s13] =	ssyncset.done $0x0  }
0x137: {  	[sflag:s13] =	ssyncadd.s32 $0xFFFFC000  }
0x138: {  	[tilespmem:s8], [sflag:$0x1] =	stream.indirect.gather.add.f32 [hbm:s1], $0x80, s4, s14, $0xb8;
	[tilespmem:$0x1C800] =	vst v63  }
0x139: {  	_ =	swait.ge [sflag:s15], $0x4000  }
0x13a: {  	[sflag:s15] =	ssyncset.done $0x0  }
0x13b: {  	[sflag:s15] =	ssyncadd.s32 $0xFFFFC000  }
0x13c: {  	[tilespmem:s9], [sflag:$0x2] =	stream.indirect.gather.add.f32 [hbm:s1], $0x80, s14, s14, $0xb8;
	[tilespmem:$0x1C800] =	vst v63  }
0x13d: {  	_ =	swait.ge [sflag:s16], $0x4000  }
0x13e: {  	s12 =	sld [smem:$0x7E8]  }
0x13f: {  	[sflag:s16] =	ssyncset.done $0x0  }
0x140: {  	[sflag:s16] =	ssyncadd.s32 $0xFFFFC000  }
0x141: {  	[tilespmem:s10], [sflag:$0x3] =	stream.indirect.gather.add.f32 [hbm:s1], $0x80, s12, s14, $0xb8;
	[tilespmem:$0x1C800] =	vst v63  }
0x142: {  	_ =	swait.ge [sflag:s17], $0x4000  }
0x143: {  	s6 =	sld [smem:$0x7E9]  }
0x144: {  	[sflag:s17] =	ssyncset.done $0x0  }
0x145: {  	[sflag:s17] =	ssyncadd.s32 $0xFFFFC000  }
0x146: {  	[tilespmem:s11], [sflag:$0x4] =	stream.indirect.gather.add.f32 [hbm:s1], $0x80, s6, s14, $0xb8;
	[tilespmem:$0x1C800] =	vst v63  }
0x147: {  	_ =	swait.ge [sflag:s18], $0x4000  }
0x148: {  	s12 =	sld [smem:$0x7EA]  }
0x149: {  	[sflag:s18] =	ssyncset.done $0x0  }
0x14a: {  	[sflag:s18] =	ssyncadd.s32 $0xFFFFC000  }
0x14b: {  	[hbm4b:s12+s4] =	stream.linear.scatter [tilespmem:s8], [sflag:$0xD], $0x4000, $0x38;
	[tilespmem:$0x1C800] =	vst v63  }
0x14c: {  	s5 =	rddreg [dreg:$0xd]  }
0x14d: {  	[tilespmem:s19], [sflag:$0xC] =	stream.linear.gather [spmem:s5], $0x4000, $0x38;
	[tilespmem:$0x1C800] =	vst v63  }
0x14e: {  	_ =	swait.ge [sflag:s20], $0x4000  }
0x14f: {  	s6 =	sld [smem:$0x7EB]  }
0x150: {  	[sflag:s20] =	ssyncset.done $0x0  }
0x151: {  	[sflag:s20] =	ssyncadd.s32 $0xFFFFC000  }
0x152: {  	[tilespmem:s7], [sflag:$0x5] =	stream.indirect.gather.add.f32 [hbm:s1], $0x80, s6, s14, $0xb8;
	[tilespmem:$0x1C800] =	vst v63  }
0x153: {  	_ =	swait.ge [sflag:s21], $0x4000  }
0x154: {  	[sflag:s21] =	ssyncset.done $0x0  }
0x155: {  	s12 =	rddreg [dreg:$0xe];
	[sflag:s21] =	ssyncadd.s32 $0xFFFFC000  }
0x156: {  	[hbm4b:s12+s4] =	stream.linear.scatter [tilespmem:s9], [sflag:$0xE], $0x4000, $0x38;
	[tilespmem:$0x1C800] =	vst v63  }
0x157: {  	_ =	swait.ge [sflag:s22], $0x4000  }
0x158: {  	[sflag:s22] =	ssyncset.done $0x0  }
0x159: {  	s6 =	rddreg [dreg:$0xf];
	[sflag:s22] =	ssyncadd.s32 $0xFFFFC000  }
0x15a: {  	[tilespmem:s8], [sflag:$0x7] =	stream.linear.gather [spmem:s6], $0x4000, $0x38;
	[tilespmem:$0x1C800] =	vst v63  }
0x15b: {  	_ =	swait.ge [sflag:s23], $0x4000  }
0x15c: {  	s12 =	sld [smem:$0x7EC]  }
0x15d: {  	[sflag:s23] =	ssyncset.done $0x0  }
0x15e: {  	[sflag:s23] =	ssyncadd.s32 $0xFFFFC000  }
0x15f: {  	[tilespmem:s19], [sflag:$0x6] =	stream.indirect.gather.add.f32 [hbm:s1], $0x80, s12, s14, $0xb8;
	[tilespmem:$0x1C800] =	vst v63  }
0x160: {  	_ =	swait.ge [sflag:s24], $0x4000  }
0x161: {  	[sflag:s24] =	ssyncset.done $0x0  }
0x162: {  	s6 =	rddreg [dreg:$0x10];
	[sflag:s24] =	ssyncadd.s32 $0xFFFFC000  }
0x163: {  	[hbm4b:s6+s4] =	stream.linear.scatter [tilespmem:s10], [sflag:$0xF], $0x4000, $0x38;
	[tilespmem:$0x1C800] =	vst v63  }
0x164: {  	_ =	swait.ge [sflag:s25], $0x4000  }
0x165: {  	[sflag:s25] =	ssyncset.done $0x0  }
0x166: {  	s12 =	rddreg [dreg:$0x11];
	[sflag:s25] =	ssyncadd.s32 $0xFFFFC000  }
0x167: {  	[tilespmem:s9], [sflag:$0x8] =	stream.linear.gather [spmem:s12], $0x4000, $0x38;
	[tilespmem:$0x1C800] =	vst v63  }
0x168: {  	_ =	swait.ge [sflag:s13], $0x4000  }
0x169: {  	s6 =	sld [smem:$0x7ED]  }
0x16a: {  	[sflag:s13] =	ssyncset.done $0x0  }
0x16b: {  	[sflag:s13] =	ssyncadd.s32 $0xFFFFC000  }
0x16c: {  	[tilespmem:s8], [sflag:$0x1] =	stream.indirect.gather.add.f32 [hbm:s1], $0x80, s6, s14, $0xb8;
	[tilespmem:$0x1C800] =	vst v63  }
0x16d: {  	_ =	swait.ge [sflag:s26], $0x4000  }
0x16e: {  	[sflag:s26] =	ssyncset.done $0x0  }
0x16f: {  	s12 =	rddreg [dreg:$0x12];
	[sflag:s26] =	ssyncadd.s32 $0xFFFFC000  }
0x170: {  	[hbm4b:s12+s4] =	stream.linear.scatter [tilespmem:s11], [sflag:$0x10], $0x4000, $0x38;
	[tilespmem:$0x1C800] =	vst v63  }
0x171: {  	_ =	swait.ge [sflag:s28], $0x4000  }
0x172: {  	[sflag:s28] =	ssyncset.done $0x0  }
0x173: {  	s6 =	rddreg [dreg:$0x13];
	[sflag:s28] =	ssyncadd.s32 $0xFFFFC000  }
0x174: {  	[tilespmem:s10], [sflag:$0x9] =	stream.linear.gather [spmem:s6], $0x4000, $0x38;
	[tilespmem:$0x1C800] =	vst v63  }
0x175: {  	_ =	swait.ge [sflag:s15], $0x4000  }
0x176: {  	s12 =	sld [smem:$0x7EE]  }
0x177: {  	[sflag:s15] =	ssyncset.done $0x0  }
0x178: {  	[sflag:s15] =	ssyncadd.s32 $0xFFFFC000  }
0x179: {  	[tilespmem:s9], [sflag:$0x2] =	stream.indirect.gather.add.f32 [hbm:s1], $0x80, s12, s14, $0xb8;
	[tilespmem:$0x1C800] =	vst v63  }
0x17a: {  	_ =	swait.ge [sflag:s29], $0x4000  }
0x17b: {  	[sflag:s29] =	ssyncset.done $0x0  }
0x17c: {  	s6 =	rddreg [dreg:$0x14];
	[sflag:s29] =	ssyncadd.s32 $0xFFFFC000  }
0x17d: {  	[hbm4b:s6+s4] =	stream.linear.scatter [tilespmem:s7], [sflag:$0x11], $0x4000, $0x38;
	[tilespmem:$0x1C800] =	vst v63  }
0x17e: {  	_ =	swait.ge [sflag:s30], $0x4000  }
0x17f: {  	[sflag:s30] =	ssyncset.done $0x0  }
0x180: {  	s12 =	rddreg [dreg:$0x15];
	[sflag:s30] =	ssyncadd.s32 $0xFFFFC000  }
0x181: {  	[tilespmem:s11], [sflag:$0xA] =	stream.linear.gather [spmem:s12], $0x4000, $0x38;
	[tilespmem:$0x1C800] =	vst v63  }
0x182: {  	_ =	swait.ge [sflag:s16], $0x4000  }
0x183: {  	s6 =	sld [smem:$0x7EF]  }
0x184: {  	[sflag:s16] =	ssyncset.done $0x0  }
0x185: {  	[sflag:s16] =	ssyncadd.s32 $0xFFFFC000  }
0x186: {  	[tilespmem:s10], [sflag:$0x3] =	stream.indirect.gather.add.f32 [hbm:s1], $0x80, s6, s14, $0xb8;
	[tilespmem:$0x1C800] =	vst v63  }
0x187: {  	_ =	swait.ge [sflag:s31], $0x4000  }
0x188: {  	[sflag:s31] =	ssyncset.done $0x0  }
0x189: {  	s12 =	rddreg [dreg:$0x16];
	[sflag:s31] =	ssyncadd.s32 $0xFFFFC000  }
0x18a: {  	[hbm4b:s12+s4] =	stream.linear.scatter [tilespmem:s19], [sflag:$0x12], $0x4000, $0x38;
	[tilespmem:$0x1C800] =	vst v63  }
0x18b: {  	_ =	swait.ge [sflag:s2], $0x4000  }
0x18c: {  	[sflag:s2] =	ssyncset.done $0x0  }
0x18d: {  	s6 =	rddreg [dreg:$0x17];
	[sflag:s2] =	ssyncadd.s32 $0xFFFFC000  }
0x18e: {  	[tilespmem:s7], [sflag:$0xB] =	stream.linear.gather [spmem:s6], $0x4000, $0x38;
	[tilespmem:$0x1C800] =	vst v63  }
0x18f: {  	_ =	swait.ge [sflag:s17], $0x4000  }
0x190: {  	s12 =	sld [smem:$0x7F0]  }
0x191: {  	[sflag:s17] =	ssyncset.done $0x0  }
0x192: {  	[sflag:s17] =	ssyncadd.s32 $0xFFFFC000  }
0x193: {  	[tilespmem:s11], [sflag:$0x4] =	stream.indirect.gather.add.f32 [hbm:s1], $0x80, s12, s14, $0xb8;
	[tilespmem:$0x1C800] =	vst v63  }
0x194: {  	_ =	swait.ge [sflag:s18], $0x4000  }
0x195: {  	[sflag:s18] =	ssyncset.done $0x0  }
0x196: {  	s6 =	rddreg [dreg:$0x18];
	[sflag:s18] =	ssyncadd.s32 $0xFFFFC000  }
0x197: {  	[hbm4b:s6+s4] =	stream.linear.scatter [tilespmem:s8], [sflag:$0xD], $0x4000, $0x38;
	[tilespmem:$0x1C800] =	vst v63  }
0x198: {  	_ =	swait.ge [sflag:s0], $0x4000  }
0x199: {  	[sflag:s0] =	ssyncset.done $0x0  }
0x19a: {  	s12 =	rddreg [dreg:$0x19];
	[sflag:s0] =	ssyncadd.s32 $0xFFFFC000  }
0x19b: {  	[tilespmem:s19], [sflag:$0xC] =	stream.linear.gather [spmem:s12], $0x4000, $0x38;
	[tilespmem:$0x1C800] =	vst v63  }
0x19c: {  	_ =	swait.ge [sflag:s20], $0x4000  }
0x19d: {  	s6 =	sld [smem:$0x7F1]  }
0x19e: {  	[sflag:s20] =	ssyncset.done $0x0  }
0x19f: {  	[sflag:s20] =	ssyncadd.s32 $0xFFFFC000  }
0x1a0: {  	[tilespmem:s7], [sflag:$0x5] =	stream.indirect.gather.add.f32 [hbm:s1], $0x80, s6, s14, $0xb8;
	[tilespmem:$0x1C800] =	vst v63  }
0x1a1: {  	_ =	swait.ge [sflag:s21], $0x4000  }
0x1a2: {  	[sflag:s21] =	ssyncset.done $0x0  }
0x1a3: {  	s12 =	rddreg [dreg:$0x1a];
	[sflag:s21] =	ssyncadd.s32 $0xFFFFC000  }
0x1a4: {  	[hbm4b:s12+s4] =	stream.linear.scatter [tilespmem:s9], [sflag:$0xE], $0x4000, $0x38;
	[tilespmem:$0x1C800] =	vst v63  }
0x1a5: {  	_ =	swait.ge [sflag:s22], $0x4000  }
0x1a6: {  	[sflag:s22] =	ssyncset.done $0x0  }
0x1a7: {  	s6 =	rddreg [dreg:$0x1b];
	[sflag:s22] =	ssyncadd.s32 $0xFFFFC000  }
0x1a8: {  	[tilespmem:s8], [sflag:$0x7] =	stream.linear.gather [spmem:s6], $0x4000, $0x38;
	[tilespmem:$0x1C800] =	vst v63  }
0x1a9: {  	_ =	swait.ge [sflag:s23], $0x4000  }
0x1aa: {  	s12 =	sld [smem:$0x7F2]  }
0x1ab: {  	[sflag:s23] =	ssyncset.done $0x0  }
0x1ac: {  	[sflag:s23] =	ssyncadd.s32 $0xFFFFC000  }
0x1ad: {  	[tilespmem:s19], [sflag:$0x6] =	stream.indirect.gather.add.f32 [hbm:s1], $0x80, s12, s14, $0xb8;
	[tilespmem:$0x1C800] =	vst v63  }
0x1ae: {  	_ =	swait.ge [sflag:s24], $0x4000  }
0x1af: {  	[sflag:s24] =	ssyncset.done $0x0  }
0x1b0: {  	s6 =	rddreg [dreg:$0x1c];
	[sflag:s24] =	ssyncadd.s32 $0xFFFFC000  }
0x1b1: {  	[hbm4b:s6+s4] =	stream.linear.scatter [tilespmem:s10], [sflag:$0xF], $0x4000, $0x38;
	[tilespmem:$0x1C800] =	vst v63  }
0x1b2: {  	_ =	swait.ge [sflag:s25], $0x4000  }
0x1b3: {  	[sflag:s25] =	ssyncset.done $0x0  }
0x1b4: {  	s12 =	rddreg [dreg:$0x1d];
	[sflag:s25] =	ssyncadd.s32 $0xFFFFC000  }
0x1b5: {  	[tilespmem:s9], [sflag:$0x8] =	stream.linear.gather [spmem:s12], $0x4000, $0x38;
	[tilespmem:$0x1C800] =	vst v63  }
0x1b6: {  	_ =	swait.ge [sflag:s13], $0x4000  }
0x1b7: {  	s6 =	sld [smem:$0x7F3]  }
0x1b8: {  	[sflag:s13] =	ssyncset.done $0x0  }
0x1b9: {  	[sflag:s13] =	ssyncadd.s32 $0xFFFFC000  }
0x1ba: {  	[tilespmem:s8], [sflag:$0x1] =	stream.indirect.gather.add.f32 [hbm:s1], $0x80, s6, s14, $0xb8;
	[tilespmem:$0x1C800] =	vst v63  }
0x1bb: {  	_ =	swait.ge [sflag:s26], $0x4000  }
0x1bc: {  	[sflag:s26] =	ssyncset.done $0x0  }
0x1bd: {  	s12 =	rddreg [dreg:$0x1e];
	[sflag:s26] =	ssyncadd.s32 $0xFFFFC000  }
0x1be: {  	[hbm4b:s12+s4] =	stream.linear.scatter [tilespmem:s11], [sflag:$0x10], $0x4000, $0x38;
	[tilespmem:$0x1C800] =	vst v63  }
0x1bf: {  	_ =	swait.ge [sflag:s28], $0x4000  }
0x1c0: {  	[sflag:s28] =	ssyncset.done $0x0  }
0x1c1: {  	s6 =	rddreg [dreg:$0x1f];
	[sflag:s28] =	ssyncadd.s32 $0xFFFFC000  }
0x1c2: {  	[tilespmem:s10], [sflag:$0x9] =	stream.linear.gather [spmem:s6], $0x4000, $0x38;
	[tilespmem:$0x1C800] =	vst v63  }
0x1c3: {  	_ =	swait.ge [sflag:s15], $0x4000  }
0x1c4: {  	s12 =	sld [smem:$0x7F4]  }
0x1c5: {  	[sflag:s15] =	ssyncset.done $0x0  }
0x1c6: {  	[sflag:s15] =	ssyncadd.s32 $0xFFFFC000  }
0x1c7: {  	[tilespmem:s9], [sflag:$0x2] =	stream.indirect.gather.add.f32 [hbm:s1], $0x80, s12, s14, $0xb8;
	[tilespmem:$0x1C800] =	vst v63  }
0x1c8: {  	_ =	swait.ge [sflag:s29], $0x4000  }
0x1c9: {  	s6 =	sld [smem:$0x7F5]  }
0x1ca: {  	[sflag:s29] =	ssyncset.done $0x0  }
0x1cb: {  	[sflag:s29] =	ssyncadd.s32 $0xFFFFC000  }
0x1cc: {  	[hbm4b:s6+s4] =	stream.linear.scatter [tilespmem:s7], [sflag:$0x11], $0x4000, $0x38;
	[tilespmem:$0x1C800] =	vst v63  }
0x1cd: {  	_ =	swait.ge [sflag:s30], $0x4000  }
0x1ce: {  	s7 =	sld [smem:$0x7F6]  }
0x1cf: {  	[sflag:s30] =	ssyncset.done $0x0  }
0x1d0: {  	[sflag:s30] =	ssyncadd.s32 $0xFFFFC000  }
0x1d1: {  	[tilespmem:s11], [sflag:$0xA] =	stream.linear.gather [spmem:s7], $0x4000, $0x38;
	[tilespmem:$0x1C800] =	vst v63  }
0x1d2: {  	_ =	swait.ge [sflag:s16], $0x4000  }
0x1d3: {  	s12 =	sld [smem:$0x7F7]  }
0x1d4: {  	[sflag:s16] =	ssyncset.done $0x0  }
0x1d5: {  	[sflag:s16] =	ssyncadd.s32 $0xFFFFC000  }
0x1d6: {  	[tilespmem:s10], [sflag:$0x3] =	stream.indirect.gather.add.f32 [hbm:s1], $0x80, s12, s14, $0xb8;
	[tilespmem:$0x1C800] =	vst v63  }
0x1d7: {  	_ =	swait.ge [sflag:s31], $0x4000  }
0x1d8: {  	s6 =	sld [smem:$0x7F8]  }
0x1d9: {  	[sflag:s31] =	ssyncset.done $0x0  }
0x1da: {  	[sflag:s31] =	ssyncadd.s32 $0xFFFFC000  }
0x1db: {  	[hbm4b:s6+s4] =	stream.linear.scatter [tilespmem:s19], [sflag:$0x12], $0x4000, $0x38;
	[tilespmem:$0x1C800] =	vst v63  }
0x1dc: {  	_ =	swait.ge [sflag:s17], $0x4000  }
0x1dd: {  	s7 =	sld [smem:$0x7F9]  }
0x1de: {  	[sflag:s17] =	ssyncset.done $0x0  }
0x1df: {  	[sflag:s17] =	ssyncadd.s32 $0xFFFFC000  }
0x1e0: {  	[tilespmem:s11], [sflag:$0x4] =	stream.indirect.gather.add.f32 [hbm:s1], $0x80, s7, s14, $0xb8;
	[tilespmem:$0x1C800] =	vst v63  }
0x1e1: {  	_ =	swait.ge [sflag:s18], $0x4000  }
0x1e2: {  	s12 =	sld [smem:$0x7FA]  }
0x1e3: {  	[sflag:s18] =	ssyncset.done $0x0  }
0x1e4: {  	[sflag:s18] =	ssyncadd.s32 $0xFFFFC000  }
0x1e5: {  	[hbm4b:s12+s4] =	stream.linear.scatter [tilespmem:s8], [sflag:$0xD], $0x4000, $0x38;
	[tilespmem:$0x1C800] =	vst v63  }
0x1e6: {  	_ =	swait.ge [sflag:s21], $0x4000  }
0x1e7: {  	s6 =	sld [smem:$0x7FB]  }
0x1e8: {  	[sflag:s21] =	ssyncset.done $0x0  }
0x1e9: {  	[sflag:s21] =	ssyncadd.s32 $0xFFFFC000  }
0x1ea: {  	[hbm4b:s6+s4] =	stream.linear.scatter [tilespmem:s9], [sflag:$0xE], $0x4000, $0x38;
	[tilespmem:$0x1C800] =	vst v63  }
0x1eb: {  	_ =	swait.ge [sflag:s24], $0x4000  }
0x1ec: {  	s7 =	sld [smem:$0x7FC]  }
0x1ed: {  	[sflag:s24] =	ssyncset.done $0x0  }
0x1ee: {  	[sflag:s24] =	ssyncadd.s32 $0xFFFFC000  }
0x1ef: {  	[hbm4b:s7+s4] =	stream.linear.scatter [tilespmem:s10], [sflag:$0xF], $0x4000, $0x38;
	[tilespmem:$0x1C800] =	vst v63  }
0x1f0: {  	_ =	swait.ge [sflag:s26], $0x4000  }
0x1f1: {  	s12 =	sld [smem:$0x7FD]  }
0x1f2: {  	[sflag:s26] =	ssyncset.done $0x0  }
0x1f3: {  	[sflag:s26] =	ssyncadd.s32 $0xFFFFC000  }
0x1f4: {  	[hbm4b:s12+s4] =	stream.linear.scatter [tilespmem:s11], [sflag:$0x10], $0x4000, $0x38;
	[tilespmem:$0x1C800] =	vst v63  }
0x1f5: {  	_ =	swait.ge [sflag:s2], $0x4000  }
0x1f6: {  	[sflag:s2] =	ssyncset.done $0x0  }
0x1f7: {  	[sflag:s2] =	ssyncadd.s32 $0xFFFFC000  }
0x1f8: {  	_ =	swait.ge [sflag:s0], $0x4000  }
0x1f9: {  	[sflag:s0] =	ssyncset.done $0x0  }
0x1fa: {  	[sflag:s0] =	ssyncadd.s32 $0xFFFFC000  }
0x1fb: {  	_ =	swait.ge [sflag:s22], $0x4000  }
0x1fc: {  	[sflag:s22] =	ssyncset.done $0x0  }
0x1fd: {  	[sflag:s22] =	ssyncadd.s32 $0xFFFFC000  }
0x1fe: {  	_ =	swait.ge [sflag:s25], $0x4000  }
0x1ff: {  	p0 =	sne.s32 s3, $0x1;
	[sflag:s25] =	ssyncset.done $0x0  }
.Ltmp1:
0x200: {  	[sflag:s25] =	ssyncadd.s32 $0xFFFFC000;
	(pc) =	sbr.rel @p0 .LBB2_1-.Ltmp1, $4  }
0x201: {  	_ =	swait.ge [sflag:s28], $0x4000  }
0x202: {  	[sflag:s28] =	ssyncset.done $0x0  }
0x203: {  	[sflag:s28] =	ssyncadd.s32 $0xFFFFC000  }
0x204: {  	s3 =	sadd.s32 $0xFFFFFFFF, s3;
	_ =	swait.ge [sflag:s30], $0x4000  }
.LBB2_2:
0x205: {  	[sflag:s30] =	ssyncset.done $0x0  }
0x206: {  	[sflag:s30] =	ssyncadd.s32 $0xFFFFC000  }
0x207: {  	_ =	sfence.sel $0x180000  }
0x208: {  	[bflag:$0x0] =	sbarrier.arrive $0xFFFF  }
0x209: {  	_ =	strace $0x90000047  }
0x20a: {  	s0 =	stileid.u32;
	[bflag:$0x2] =	sbarrier.arrive $0xFFFF  }
0x20b: {  	p0 =	sne.s32 s0, $0x0;
	s0 =	rddreg [dreg:$0x5]  }
0x20c: {  	s0 =	sadd.s32 @!p0 $0x100000, s0  }
0x20d: {  	[sflag:s0] =	ssyncadd.tile.s32 @!p0 $0x1;
	_ =	shalt  }
.Lfunc_end2:
_tile_overlayer_lowered:
.L_overlay_start_2:
0x20e: {  	(tag) =	ssettag $0x2  }
0x20f: {  	s0 =	rddreg [dreg:$0x0];
	s2 =	stileid.u32  }
0x210: {  	s1 =	rddreg [dreg:$0x1];
	p0 =	sne.s32 s2, $0x0  }
0x211: {  	s3 =	rddreg [dreg:$0x2];
	[bflag:$0x3] =	sbarrier.arrive $0xFFFF;
	s2 =	simm.s32 @!p0 $0x1C14  }
0x212: {  	[timem:s3], [sflag:s2] =	dma.local @!p0 [hbm:s0], s1  }
0x213: {  	s0 =	simm.s32 @!p0 $0x14  }
0x214: {  	_ =	swait.ge @!p0 [sflag:s0], s1  }
0x215: {  	s1 =	ssub.s32 @!p0 $0x0, s1;
	[sflag:s0] =	ssyncset.done @!p0 $0x0  }
0x216: {  	[sflag:s0] =	ssyncadd.s32 @!p0 s1  }
0x217: {  	[bflag:$0x3] =	sbarrier.arrive $0xFFFF  }
0x218: {  	_ =	shalt  }

</sc_bundles>
